<compile_context>
chip_gen: v7x
topology: tpu7x:2x2x1
jax: 0.10.2.dev20260603
libtpu: 0.0.44.dev20260713+nightly
codegen_flags: <defaults>
</compile_context>

<pallas_src>
import functools

import numpy as np

import jax
import jax.numpy as jnp
from jax import lax
from jax.experimental import pallas as pl
from jax.experimental.pallas import tpu as pltpu
from jax.experimental.pallas import tpu_sc as plsc

NC = 2
NS = 16
NW = NC * NS
LANES = 16
CHUNK = 128
DEG_W = 16
PAD = 8


def _vmesh():
    return plsc.VectorSubcoreMesh(core_axis_name="c", subcore_axis_name="s")


ZROWS = 32


def _fill_zero(ref, rows, width):
    zero = jnp.zeros((LANES,), jnp.float32)

    @pl.loop(0, rows)
    def _(i):
        @pl.loop(0, width, step=LANES)
        def _(j):
            ref[i, pl.ds(j, LANES)] = zero


def _zero_acc(acc_sh, zero_v, n1, sid):
    nch = n1 // ZROWS
    tail = n1 % ZROWS

    @pl.loop(sid, nch, step=NS)
    def _(c):
        pltpu.sync_copy(zero_v, acc_sh.at[pl.ds(c * ZROWS, ZROWS)])

    if tail:
        @pl.when(sid == 0)
        def _():
            pltpu.sync_copy(zero_v.at[pl.ds(0, tail)],
                            acc_sh.at[pl.ds(nch * ZROWS, tail)])


def _copy_out(acc_sh, out_hbm, n1, cid, sid):
    nch = n1 // CHUNK
    tail = n1 % CHUNK
    base = cid * n1

    @pl.loop(sid, nch, step=NS)
    def _(c):
        pltpu.sync_copy(acc_sh.at[pl.ds(c * CHUNK, CHUNK)],
                        out_hbm.at[pl.ds(base + c * CHUNK, CHUNK)])

    if tail:
        @pl.when(sid == 0)
        def _():
            pltpu.sync_copy(acc_sh.at[pl.ds(nch * CHUNK, tail)],
                            out_hbm.at[pl.ds(base + nch * CHUNK, tail)])


def _sc_degree(dst2d, n1):
    nch_w = dst2d.shape[0] // NW

    @functools.partial(
        pl.kernel,
        out_type=jax.ShapeDtypeStruct((NC * n1, DEG_W), jnp.float32),
        mesh=_vmesh(),
        compiler_params=pltpu.CompilerParams(use_tc_tiling_on_sc=False),
        scratch_types=[
            pltpu.VMEM((CHUNK,), jnp.int32),
            pltpu.VMEM((CHUNK, DEG_W), jnp.float32),
            pltpu.VMEM((ZROWS, DEG_W), jnp.float32),
            pltpu.VMEM_SHARED((n1, DEG_W), jnp.float32),
        ],
    )
    def deg_kernel(dst_hbm, out_hbm, ddx, ones_v, zero_v, acc_sh):
        cid = lax.axis_index("c")
        sid = lax.axis_index("s")
        wid = sid * NC + cid
        wstart = wid * nch_w

        one = jnp.full((LANES,), 1.0, jnp.float32)

        @pl.loop(0, CHUNK)
        def _(i):
            ones_v[i, :] = one

        _fill_zero(zero_v, ZROWS, DEG_W)
        _zero_acc(acc_sh, zero_v, n1, sid)
        plsc.subcore_barrier()

        @pl.loop(0, nch_w)
        def _(j):
            pltpu.sync_copy(
                dst_hbm.at[pl.ds((wstart + j) * CHUNK, CHUNK)], ddx)
            pltpu.sync_copy(ones_v, acc_sh.at[ddx], add=True)

        plsc.subcore_barrier()
        _copy_out(acc_sh, out_hbm, n1, cid, sid)

    return deg_kernel(dst2d.reshape(-1))


def _sc_edge_scatter(g, src2d, dst2d):
    n1, d = g.shape
    nch_w = src2d.shape[0] // NW
    nh = nch_w // 2
    assert nh >= 2 and nh % 2 == 0 and nh % 8 == 0

    @functools.partial(
        pl.kernel,
        out_type=jax.ShapeDtypeStruct((NC * n1, d), jnp.float32),
        mesh=_vmesh(),
        compiler_params=pltpu.CompilerParams(use_tc_tiling_on_sc=False),
        scratch_types=[
            pltpu.VMEM((nh, CHUNK), jnp.int32),
            pltpu.VMEM((nh, CHUNK), jnp.int32),
            pltpu.VMEM((CHUNK, d), jnp.float32),
            pltpu.VMEM((CHUNK, d), jnp.float32),
            pltpu.VMEM((ZROWS, d), jnp.float32),
            pltpu.VMEM_SHARED((n1, d), jnp.float32),
            pltpu.SemaphoreType.DMA,
            pltpu.SemaphoreType.DMA,
        ],
    )
    def edge_kernel(g_hbm, src_hbm, dst_hbm, out_hbm,
                    sidx_v, didx_v, rows0, rows1, zero_v, acc_sh,
                    sem0, sem1):
        cid = lax.axis_index("c")
        sid = lax.axis_index("s")
        wid = sid * NC + cid
        wstart = wid * nch_w

        _fill_zero(zero_v, ZROWS, d)
        _zero_acc(acc_sh, zero_v, n1, sid)

        def start_gather(j, rows, sem):
            pltpu.async_copy(g_hbm.at[sidx_v.at[j]], rows, sem)

        def wait_gather(j, rows, sem):
            pltpu.make_async_copy(g_hbm.at[sidx_v.at[j]], rows, sem).wait()

        def scatter(j, rows):
            pltpu.sync_copy(rows, acc_sh.at[didx_v.at[j]], add=True)

        for h in range(2):
            pltpu.sync_copy(src_hbm.at[pl.ds(wstart + h * nh, nh)], sidx_v)
            pltpu.sync_copy(dst_hbm.at[pl.ds(wstart + h * nh, nh)], didx_v)
            if h == 0:
                plsc.subcore_barrier()

            start_gather(0, rows0, sem0)

            @pl.loop(0, (nh - 2) // 2)
            def _(k):
                j = 2 * k
                start_gather(j + 1, rows1, sem1)
                wait_gather(j, rows0, sem0)
                scatter(j, rows0)
                start_gather(j + 2, rows0, sem0)
                wait_gather(j + 1, rows1, sem1)
                scatter(j + 1, rows1)

            start_gather(nh - 1, rows1, sem1)
            wait_gather(nh - 2, rows0, sem0)
            scatter(nh - 2, rows0)
            wait_gather(nh - 1, rows1, sem1)
            scatter(nh - 1, rows1)

        plsc.subcore_barrier()
        _copy_out(acc_sh, out_hbm, n1, cid, sid)

    return edge_kernel(g, src2d, dst2d)


def _tc_matmul(x, w):
    n = x.shape[0]
    dout = w.shape[1]

    def body(x_ref, w_ref, o_ref):
        o_ref[...] = jnp.dot(x_ref[...], w_ref[...],
                             preferred_element_type=jnp.float32)

    return pl.pallas_call(
        body,
        out_shape=jax.ShapeDtypeStruct((n, dout), jnp.float32),
    )(x, w)


def _tc_scale(h, degp, n1):
    n, d = h.shape

    def body(h_ref, degp_ref, g_ref, dinv_ref):
        deg = 1.0 + degp_ref[:n, 0] + degp_ref[n1:n1 + n, 0]
        dinv = lax.rsqrt(deg)
        dinv_ref[...] = dinv[:, None]
        g_ref[pl.ds(0, n), :] = h_ref[...] * dinv[:, None]
        g_ref[pl.ds(n, n1 - n), :] = jnp.zeros((n1 - n, d), jnp.float32)

    return pl.pallas_call(
        body,
        out_shape=(
            jax.ShapeDtypeStruct((n1, d), jnp.float32),
            jax.ShapeDtypeStruct((n, 1), jnp.float32),
        ),
    )(h, degp)


def _tc_mid(s1, g1, dinv, b1, w2):
    n1, d = g1.shape
    n = dinv.shape[0]
    dout = w2.shape[1]

    def body(s_ref, g_ref, dinv_ref, b_ref, w_ref, o_ref):
        acc = s_ref[:n, :] + s_ref[n1:n1 + n, :] + g_ref[:n, :]
        z = jnp.maximum(acc * dinv_ref[...] + b_ref[...][None, :], 0.0)
        o_ref[pl.ds(0, n), :] = jnp.dot(
            z, w_ref[...], preferred_element_type=jnp.float32) * dinv_ref[...]
        o_ref[pl.ds(n, n1 - n), :] = jnp.zeros((n1 - n, dout), jnp.float32)

    return pl.pallas_call(
        body,
        out_shape=jax.ShapeDtypeStruct((n1, dout), jnp.float32),
    )(s1, g1, dinv, b1, w2)


def _tc_final(s2, g2, dinv, b2):
    n1, d = g2.shape
    n = dinv.shape[0]

    def body(s_ref, g_ref, dinv_ref, b_ref, o_ref):
        acc = s_ref[:n, :] + s_ref[n1:n1 + n, :] + g_ref[:n, :]
        o_ref[...] = jnp.maximum(acc * dinv_ref[...] + b_ref[...][None, :], 0.0)

    return pl.pallas_call(
        body,
        out_shape=jax.ShapeDtypeStruct((n, d), jnp.float32),
    )(s2, g2, dinv, b2)


@jax.jit
def kernel(x, edge_index, W1, b1, W2, b2):
    n = x.shape[0]
    n1 = n + PAD
    e = edge_index.shape[1]
    align = CHUNK * 8 * NW
    e_pad = -(-e // align) * align
    npad = e_pad - e
    src2d = jnp.concatenate(
        [edge_index[0], jnp.full((npad,), n, jnp.int32)]
    ).reshape(e_pad // CHUNK, CHUNK)
    dst_e = jnp.concatenate(
        [edge_index[1], jnp.arange(npad, dtype=jnp.int32) % n]
    ).reshape(e_pad // CHUNK, CHUNK)
    dst_d = jnp.concatenate(
        [edge_index[1], jnp.full((npad,), n, jnp.int32)]
    ).reshape(e_pad // CHUNK, CHUNK)

    nch = e_pad // CHUNK
    nreal = e // CHUNK
    per_w = nch // NW
    base, extra = divmod(nreal, NW)
    perm = []
    r0, dmy = 0, nreal
    for w in range(NW):
        cnt = base + (1 if w < extra else 0)
        perm.extend(range(r0, r0 + cnt))
        r0 += cnt
        perm.extend(range(dmy, dmy + per_w - cnt))
        dmy += per_w - cnt
    perm = np.asarray(perm, np.int32)
    src2d, dst_e, dst_d = src2d[perm], dst_e[perm], dst_d[perm]

    degp = _sc_degree(dst_d, n1)
    h1 = _tc_matmul(x, W1)
    g1, dinv = _tc_scale(h1, degp, n1)
    s1 = _sc_edge_scatter(g1, src2d, dst_e)
    g2 = _tc_mid(s1, g1, dinv, b1, W2)
    s2 = _sc_edge_scatter(g2, src2d, dst_e)
    return _tc_final(s2, g2, dinv, b2)

# --- scband reference (transcript-rebuilt; emitter-appended) ---
"""Pipeline reference for scband-grip-net-internal-module-71932112273423 (READ-ONLY COPY).

The authoritative reference and input builder live on the scoring server;
editing this copy changes nothing except your own understanding.
"""

import jax, jax.numpy as jnp
import numpy as np

N = 10000
E = 320000
D_IN = 128
D1 = 128
D2 = 64


def gcn_layer(x, edge_index, W, b):
    # Faithful GCN conv: add self-loops, symmetric deg^{-1/2} normalization,
    # linear transform, scatter-add aggregation, bias.
    n = x.shape[0]
    src = edge_index[0]
    dst = edge_index[1]
    loop = jnp.arange(n, dtype=src.dtype)
    src = jnp.concatenate([src, loop])
    dst = jnp.concatenate([dst, loop])
    ew = jnp.ones(src.shape[0], dtype=x.dtype)
    deg = jnp.zeros((n,), dtype=x.dtype).at[dst].add(ew)
    deg_inv_sqrt = jnp.where(deg > 0, jax.lax.rsqrt(deg), 0.0)
    norm = deg_inv_sqrt[src] * ew * deg_inv_sqrt[dst]
    h = x @ W
    msg = h[src] * norm[:, None]
    out = jnp.zeros((n, h.shape[1]), dtype=x.dtype).at[dst].add(msg)
    return out + b


def setup_inputs(seed: int = 0) -> dict:
    key = jax.random.key(seed)
    k1, k2, k3, k4 = jax.random.split(key, 4)
    x = jax.random.normal(k1, (N, D_IN), dtype=jnp.float32)
    edge_index = jax.random.randint(k2, (2, E), 0, N, dtype=jnp.int32)
    W1 = jax.random.normal(k3, (D_IN, D1), dtype=jnp.float32) * (1.0 / np.sqrt(D_IN))
    b1 = jnp.zeros((D1,), dtype=jnp.float32)
    W2 = jax.random.normal(k4, (D1, D2), dtype=jnp.float32) * (1.0 / np.sqrt(D1))
    b2 = jnp.zeros((D2,), dtype=jnp.float32)
    return {"x": x, "edge_index": edge_index, "W1": W1, "b1": b1, "W2": W2, "b2": b2}


def reference(x, edge_index, W1, b1, W2, b2):
    # GripNetInternalModule forward with single edge type (GCN path),
    # if_catout=False: two GCNEncoderLayers, each followed by ReLU.
    h = gcn_layer(x, edge_index, W1, b1)
    h = jax.nn.relu(h)
    h = gcn_layer(h, edge_index, W2, b2)
    h = jax.nn.relu(h)
    return h

if __name__ == "__main__":
    import jax
    _d = setup_inputs()
    print(jax.jit(kernel)(*tuple(_d.values())))

</pallas_src>

<mosaic_0001>
#map = affine_map<(d0, d1) -> (0)>
#map1 = affine_map<(d0, d1) -> (0, 0)>
module attributes {stable_mosaic.version = 14 : i64} {
  func.func @deg_kernel(%arg0: i32, %arg1: i32, %arg2: memref<327680xi32, #tpu.memory_space<hbm>>, %arg3: memref<20016x16xf32, #tpu.memory_space<hbm>>, %arg4: memref<128xi32, #tpu.memory_space<vmem>>, %arg5: memref<128x16xf32, #tpu.memory_space<vmem>>, %arg6: memref<32x16xf32, #tpu.memory_space<vmem>>, %arg7: memref<10008x16xf32, #tpu.memory_space<vmem_shared>>) attributes {dimension_semantics = [#tpu.dimension_semantics<core_parallel>, #tpu.dimension_semantics<subcore_parallel>], iteration_bounds = array<i64: 2, 16>, scalar_prefetch = 0 : i64, scratch_operands = 4 : i64, tpu.core_type = #tpu.core_type<sc_vector_subcore>, window_params = [{transform_indices = #map}, {transform_indices = #map1}]} {
    %mul3A = arith.constant 2 : i32
    %mul3A_0 = arith.muli %arg1, %mul3A : i32
    %add3A = arith.addi %mul3A_0, %arg0 : i32
    %mul3A_1 = arith.constant 80 : i32
    %mul3A_2 = arith.muli %add3A, %mul3A_1 : i32
    %broadcast_in_dim3A = arith.constant 1.000000e+00 : f32
    %broadcast_in_dim3A_3 = vector.broadcast %broadcast_in_dim3A : f32 to vector<16xf32>
    %scan3A = arith.constant 0 : i32
    %scan3A_4 = arith.constant 128 : i32
    %scan3A_5 = arith.addi %scan3A, %scan3A_4 : i32
    %scan3A_6 = arith.constant 1 : i32
    scf.for %scan3A_63 = %scan3A to %scan3A_5 step %scan3A_6  : i32 {
      %mul3A_64 = arith.constant 1 : i32
      %mul3A_65 = arith.muli %scan3A_63, %mul3A_64 : i32
      %add3A_66 = arith.constant 0 : i32
      %add3A_67 = arith.addi %add3A_66, %mul3A_65 : i32
      %swap3A = arith.index_cast %add3A_67 : i32 to index
      %swap3A_68 = arith.constant 0 : index
      %swap3A_69 = tpu.vector_load %arg5[%swap3A, %swap3A_68] {strides = array<i32>} : memref<128x16xf32, #tpu.memory_space<vmem>>, vector<1x16xf32>,
      %swap3A_70 = vector.shape_cast %swap3A_69 : vector<1x16xf32> to vector<16xf32>
      %swap3A_71 = vector.shape_cast %broadcast_in_dim3A_3 : vector<16xf32> to vector<1x16xf32>
      tpu.vector_store %arg5[%swap3A, %swap3A_68], %swap3A_71 {strides = array<i32>} : memref<128x16xf32, #tpu.memory_space<vmem>>, vector<1x16xf32>,
    }
    %scan3A_7 = arith.constant 128 : i32
    %broadcast_in_dim3A_8 = arith.constant 0.000000e+00 : f32
    %broadcast_in_dim3A_9 = vector.broadcast %broadcast_in_dim3A_8 : f32 to vector<16xf32>
    %scan3A_10 = arith.constant 0 : i32
    %scan3A_11 = arith.constant 32 : i32
    %scan3A_12 = arith.addi %scan3A_10, %scan3A_11 : i32
    %scan3A_13 = arith.constant 1 : i32
    scf.for %scan3A_63 = %scan3A_10 to %scan3A_12 step %scan3A_13  : i32 {
      %mul3A_64 = arith.constant 1 : i32
      %mul3A_65 = arith.muli %scan3A_63, %mul3A_64 : i32
      %add3A_66 = arith.constant 0 : i32
      %add3A_67 = arith.addi %add3A_66, %mul3A_65 : i32
      %scan3A_68 = arith.constant 0 : i32
      %mul3A_69 = arith.constant 16 : i32
      %mul3A_70 = arith.muli %scan3A_68, %mul3A_69 : i32
      %add3A_71 = arith.constant 0 : i32
      %add3A_72 = arith.addi %add3A_71, %mul3A_70 : i32
      %swap3A = arith.index_cast %add3A_67 : i32 to index
      %swap3A_73 = arith.index_cast %add3A_72 : i32 to index
      %swap3A_74 = tpu.vector_load %arg6[%swap3A, %swap3A_73] {strides = array<i32>} : memref<32x16xf32, #tpu.memory_space<vmem>>, vector<1x16xf32>,
      %swap3A_75 = vector.shape_cast %swap3A_74 : vector<1x16xf32> to vector<16xf32>
      %swap3A_76 = vector.shape_cast %broadcast_in_dim3A_9 : vector<16xf32> to vector<1x16xf32>
      tpu.vector_store %arg6[%swap3A, %swap3A_73], %swap3A_76 {strides = array<i32>} : memref<32x16xf32, #tpu.memory_space<vmem>>, vector<1x16xf32>,
      %scan3A_77 = arith.constant 1 : i32
    }
    %scan3A_14 = arith.constant 32 : i32
    %sub3A = arith.constant 312 : i32
    %sub3A_15 = arith.subi %sub3A, %arg1 : i32
    %sub3A_16 = arith.constant 16 : i32
    %sub3A_17 = arith.constant 1 : i32
    %sub3A_18 = arith.subi %sub3A_16, %sub3A_17 : i32
    %add3A_19 = arith.addi %sub3A_15, %sub3A_18 : i32
    %div3A = arith.constant 16 : i32
    %div3A_20 = arith.divsi %add3A_19, %div3A : i32
    %while3A = arith.constant 16 : i32
    %while3A_21 = arith.constant 0 : i32
    %while3A_22 = arith.subi %div3A_20, %while3A_21 : i32
    %while3A_23 = arith.addi %while3A_21, %while3A_22 : i32
    %while3A_24 = arith.constant 1 : i32
    %while3A_25 = arith.divsi %while3A_22, %while3A_24 : i32
    %while3A_26 = arith.muli %while3A_25, %while3A_24 : i32
    %while3A_27 = arith.addi %while3A_21, %while3A_26 : i32
    %while3A_28 = arith.constant 1 : i32
    scf.for %while3A_63 = %while3A_21 to %while3A_27 step %while3A_28  : i32 {
      %mul3A_64 = arith.muli %while3A_63, %while3A : i32
      %add3A_65 = arith.addi %arg1, %mul3A_64 : i32
      %mul3A_66 = arith.constant 32 : i32
      %mul3A_67 = arith.muli %add3A_65, %mul3A_66 : i32
      "tpu.region"() ({
        %run_scoped3A = tpu.sem_alloc : memref<!tpu.dma_semaphore, #tpu.memory_space<semaphore_mem>>
        %dma_start3A = arith.constant 0 : i32
        %dma_start3A_68 = tpu.memref_slice %arg7[%mul3A_67, %dma_start3A] : memref<10008x16xf32, #tpu.memory_space<vmem_shared>> -> memref<32x16xf32, #tpu.memory_space<vmem_shared>>
        %dma_start3A_69 = arith.constant 0 : i32
        %dma_start3A_70 = tpu.memref_slice %arg7[%mul3A_67, %dma_start3A_69] : memref<10008x16xf32, #tpu.memory_space<vmem_shared>> -> memref<32x16xf32, #tpu.memory_space<vmem_shared>>
        tpu.enqueue_dma source(%arg6 : memref<32x16xf32, #tpu.memory_space<vmem>>) target(%dma_start3A_70 : memref<32x16xf32, #tpu.memory_space<vmem_shared>>) target_semaphore(%run_scoped3A : memref<!tpu.dma_semaphore, #tpu.memory_space<semaphore_mem>>)
        %dma_wait3A = arith.constant 0 : i32
        %dma_wait3A_71 = tpu.memref_slice %arg7[%mul3A_67, %dma_wait3A] : memref<10008x16xf32, #tpu.memory_space<vmem_shared>> -> memref<32x16xf32, #tpu.memory_space<vmem_shared>>
        %dma_wait3A_72 = arith.constant 0 : i32
        %dma_wait3A_73 = tpu.memref_slice %arg7[%mul3A_67, %dma_wait3A_72] : memref<10008x16xf32, #tpu.memory_space<vmem_shared>> -> memref<32x16xf32, #tpu.memory_space<vmem_shared>>
        tpu.wait_dma2 semaphore(%run_scoped3A : memref<!tpu.dma_semaphore, #tpu.memory_space<semaphore_mem>>) src(%arg6 : memref<32x16xf32, #tpu.memory_space<vmem>>) dst(%dma_wait3A_73 : memref<32x16xf32, #tpu.memory_space<vmem_shared>>)
        tpu.yield
      }) : () -> ()
    }
    %while3A_29 = arith.constant 1 : i32
    scf.for %while3A_63 = %while3A_27 to %while3A_23 step %while3A_29  : i32 {
      %mul3A_64 = arith.muli %while3A_63, %while3A : i32
      %add3A_65 = arith.addi %arg1, %mul3A_64 : i32
      %mul3A_66 = arith.constant 32 : i32
      %mul3A_67 = arith.muli %add3A_65, %mul3A_66 : i32
      "tpu.region"() ({
        %run_scoped3A = tpu.sem_alloc : memref<!tpu.dma_semaphore, #tpu.memory_space<semaphore_mem>>
        %dma_start3A = arith.constant 0 : i32
        %dma_start3A_68 = tpu.memref_slice %arg7[%mul3A_67, %dma_start3A] : memref<10008x16xf32, #tpu.memory_space<vmem_shared>> -> memref<32x16xf32, #tpu.memory_space<vmem_shared>>
        %dma_start3A_69 = arith.constant 0 : i32
        %dma_start3A_70 = tpu.memref_slice %arg7[%mul3A_67, %dma_start3A_69] : memref<10008x16xf32, #tpu.memory_space<vmem_shared>> -> memref<32x16xf32, #tpu.memory_space<vmem_shared>>
        tpu.enqueue_dma source(%arg6 : memref<32x16xf32, #tpu.memory_space<vmem>>) target(%dma_start3A_70 : memref<32x16xf32, #tpu.memory_space<vmem_shared>>) target_semaphore(%run_scoped3A : memref<!tpu.dma_semaphore, #tpu.memory_space<semaphore_mem>>)
        %dma_wait3A = arith.constant 0 : i32
        %dma_wait3A_71 = tpu.memref_slice %arg7[%mul3A_67, %dma_wait3A] : memref<10008x16xf32, #tpu.memory_space<vmem_shared>> -> memref<32x16xf32, #tpu.memory_space<vmem_shared>>
        %dma_wait3A_72 = arith.constant 0 : i32
        %dma_wait3A_73 = tpu.memref_slice %arg7[%mul3A_67, %dma_wait3A_72] : memref<10008x16xf32, #tpu.memory_space<vmem_shared>> -> memref<32x16xf32, #tpu.memory_space<vmem_shared>>
        tpu.wait_dma2 semaphore(%run_scoped3A : memref<!tpu.dma_semaphore, #tpu.memory_space<semaphore_mem>>) src(%arg6 : memref<32x16xf32, #tpu.memory_space<vmem>>) dst(%dma_wait3A_73 : memref<32x16xf32, #tpu.memory_space<vmem_shared>>)
        tpu.yield
      }) : () -> ()
    }
    %eq3A = arith.constant 0 : i32
    %eq3A_30 = arith.cmpi eq, %arg1, %eq3A : i32
    %convert_element_type3A = arith.extui %eq3A_30 : i1 to i32
    %cond3A = arith.constant 0 : i32
    %cond3A_31 = arith.cmpi ne, %convert_element_type3A, %cond3A : i32
    scf.if %cond3A_31 {
      "tpu.region"() ({
        %run_scoped3A = tpu.sem_alloc : memref<!tpu.dma_semaphore, #tpu.memory_space<semaphore_mem>>
        %dma_start3A = arith.constant 0 : i32
        %dma_start3A_63 = arith.constant 0 : i32
        %dma_start3A_64 = tpu.memref_slice %arg6[%dma_start3A, %dma_start3A_63] : memref<32x16xf32, #tpu.memory_space<vmem>> -> memref<24x16xf32, #tpu.memory_space<vmem>>
        %dma_start3A_65 = arith.constant 9984 : i32
        %dma_start3A_66 = arith.constant 0 : i32
        %dma_start3A_67 = tpu.memref_slice %arg7[%dma_start3A_65, %dma_start3A_66] : memref<10008x16xf32, #tpu.memory_space<vmem_shared>> -> memref<24x16xf32, #tpu.memory_space<vmem_shared>>
        %dma_start3A_68 = arith.constant 9984 : i32
        %dma_start3A_69 = arith.constant 0 : i32
        %dma_start3A_70 = tpu.memref_slice %arg7[%dma_start3A_68, %dma_start3A_69] : memref<10008x16xf32, #tpu.memory_space<vmem_shared>> -> memref<24x16xf32, #tpu.memory_space<vmem_shared>>
        %dma_start3A_71 = arith.constant 0 : i32
        %dma_start3A_72 = arith.constant 0 : i32
        %dma_start3A_73 = tpu.memref_slice %arg6[%dma_start3A_71, %dma_start3A_72] : memref<32x16xf32, #tpu.memory_space<vmem>> -> memref<24x16xf32, #tpu.memory_space<vmem>>
        tpu.enqueue_dma source(%dma_start3A_73 : memref<24x16xf32, #tpu.memory_space<vmem>>) target(%dma_start3A_70 : memref<24x16xf32, #tpu.memory_space<vmem_shared>>) target_semaphore(%run_scoped3A : memref<!tpu.dma_semaphore, #tpu.memory_space<semaphore_mem>>)
        %dma_wait3A = arith.constant 0 : i32
        %dma_wait3A_74 = arith.constant 0 : i32
        %dma_wait3A_75 = tpu.memref_slice %arg6[%dma_wait3A, %dma_wait3A_74] : memref<32x16xf32, #tpu.memory_space<vmem>> -> memref<24x16xf32, #tpu.memory_space<vmem>>
        %dma_wait3A_76 = arith.constant 9984 : i32
        %dma_wait3A_77 = arith.constant 0 : i32
        %dma_wait3A_78 = tpu.memref_slice %arg7[%dma_wait3A_76, %dma_wait3A_77] : memref<10008x16xf32, #tpu.memory_space<vmem_shared>> -> memref<24x16xf32, #tpu.memory_space<vmem_shared>>
        %dma_wait3A_79 = arith.constant 9984 : i32
        %dma_wait3A_80 = arith.constant 0 : i32
        %dma_wait3A_81 = tpu.memref_slice %arg7[%dma_wait3A_79, %dma_wait3A_80] : memref<10008x16xf32, #tpu.memory_space<vmem_shared>> -> memref<24x16xf32, #tpu.memory_space<vmem_shared>>
        %dma_wait3A_82 = arith.constant 0 : i32
        %dma_wait3A_83 = arith.constant 0 : i32
        %dma_wait3A_84 = tpu.memref_slice %arg6[%dma_wait3A_82, %dma_wait3A_83] : memref<32x16xf32, #tpu.memory_space<vmem>> -> memref<24x16xf32, #tpu.memory_space<vmem>>
        tpu.wait_dma2 semaphore(%run_scoped3A : memref<!tpu.dma_semaphore, #tpu.memory_space<semaphore_mem>>) src(%dma_wait3A_84 : memref<24x16xf32, #tpu.memory_space<vmem>>) dst(%dma_wait3A_81 : memref<24x16xf32, #tpu.memory_space<vmem_shared>>)
        tpu.yield
      }) : () -> ()
    } else {
    }
    %barrier3A = arith.constant 0 : index
    tpu.barrier barrier_id(%barrier3A)
    %scan3A_32 = arith.constant 0 : i32
    %scan3A_33 = arith.constant 80 : i32
    %scan3A_34 = arith.addi %scan3A_32, %scan3A_33 : i32
    %scan3A_35 = arith.constant 1 : i32
    scf.for %scan3A_63 = %scan3A_32 to %scan3A_34 step %scan3A_35  : i32 {
      %mul3A_64 = arith.constant 1 : i32
      %mul3A_65 = arith.muli %scan3A_63, %mul3A_64 : i32
      %add3A_66 = arith.constant 0 : i32
      %add3A_67 = arith.addi %add3A_66, %mul3A_65 : i32
      %add3A_68 = arith.addi %mul3A_2, %add3A_67 : i32
      %mul3A_69 = arith.constant 128 : i32
      %mul3A_70 = arith.muli %add3A_68, %mul3A_69 : i32
      "tpu.region"() ({
        %run_scoped3A = tpu.sem_alloc : memref<!tpu.dma_semaphore, #tpu.memory_space<semaphore_mem>>
        %dma_start3A = tpu.memref_slice %arg2[%mul3A_70] : memref<327680xi32, #tpu.memory_space<hbm>> -> memref<128xi32, #tpu.memory_space<hbm>>
        %dma_start3A_71 = tpu.memref_slice %arg2[%mul3A_70] : memref<327680xi32, #tpu.memory_space<hbm>> -> memref<128xi32, #tpu.memory_space<hbm>>
        tpu.enqueue_dma source(%dma_start3A_71 : memref<128xi32, #tpu.memory_space<hbm>>) target(%arg4 : memref<128xi32, #tpu.memory_space<vmem>>) target_semaphore(%run_scoped3A : memref<!tpu.dma_semaphore, #tpu.memory_space<semaphore_mem>>)
        %dma_wait3A = tpu.memref_slice %arg2[%mul3A_70] : memref<327680xi32, #tpu.memory_space<hbm>> -> memref<128xi32, #tpu.memory_space<hbm>>
        %dma_wait3A_72 = tpu.memref_slice %arg2[%mul3A_70] : memref<327680xi32, #tpu.memory_space<hbm>> -> memref<128xi32, #tpu.memory_space<hbm>>
        tpu.wait_dma2 semaphore(%run_scoped3A : memref<!tpu.dma_semaphore, #tpu.memory_space<semaphore_mem>>) src(%dma_wait3A_72 : memref<128xi32, #tpu.memory_space<hbm>>) dst(%arg4 : memref<128xi32, #tpu.memory_space<vmem>>)
        tpu.yield
      }) : () -> ()
      "tpu.region"() ({
        %run_scoped3A = tpu.sem_alloc : memref<!tpu.dma_semaphore, #tpu.memory_space<semaphore_mem>>
        %dma_start3A = arith.constant 0 : i32
        %dma_start3A_71 = arith.constant 0 : i32
        %dma_start3A_72 = tpu.memref_slice %arg7[%dma_start3A, %dma_start3A_71] : memref<10008x16xf32, #tpu.memory_space<vmem_shared>> -> memref<10008x16xf32, #tpu.memory_space<vmem_shared>>
        tpu.enqueue_indirect_dma source(%arg5 : memref<128x16xf32, #tpu.memory_space<vmem>>) target(%dma_start3A_72 : memref<10008x16xf32, #tpu.memory_space<vmem_shared>>) offsets(%arg4 : memref<128xi32, #tpu.memory_space<vmem>>) semaphore(%run_scoped3A : memref<!tpu.dma_semaphore, #tpu.memory_space<semaphore_mem>>) {add = true}
        %dma_wait3A = arith.constant 0 : i32
        %dma_wait3A_73 = arith.constant 0 : i32
        %dma_wait3A_74 = tpu.memref_slice %arg7[%dma_wait3A, %dma_wait3A_73] : memref<10008x16xf32, #tpu.memory_space<vmem_shared>> -> memref<10008x16xf32, #tpu.memory_space<vmem_shared>>
        tpu.wait_indirect_dma semaphore(%run_scoped3A : memref<!tpu.dma_semaphore, #tpu.memory_space<semaphore_mem>>) src(%arg5 : memref<128x16xf32, #tpu.memory_space<vmem>>) dst(%dma_wait3A_74 : memref<10008x16xf32, #tpu.memory_space<vmem_shared>>)
        tpu.yield
      }) : () -> ()
    }
    %scan3A_36 = arith.constant 80 : i32
    %barrier3A_37 = arith.constant 0 : index
    tpu.barrier barrier_id(%barrier3A_37)
    %mul3A_38 = arith.constant 10008 : i32
    %mul3A_39 = arith.muli %arg0, %mul3A_38 : i32
    %sub3A_40 = arith.constant 78 : i32
    %sub3A_41 = arith.subi %sub3A_40, %arg1 : i32
    %sub3A_42 = arith.constant 16 : i32
    %sub3A_43 = arith.constant 1 : i32
    %sub3A_44 = arith.subi %sub3A_42, %sub3A_43 : i32
    %add3A_45 = arith.addi %sub3A_41, %sub3A_44 : i32
    %div3A_46 = arith.constant 16 : i32
    %div3A_47 = arith.divsi %add3A_45, %div3A_46 : i32
    %while3A_48 = arith.constant 16 : i32
    %while3A_49 = arith.constant 0 : i32
    %while3A_50 = arith.subi %div3A_47, %while3A_49 : i32
    %while3A_51 = arith.addi %while3A_49, %while3A_50 : i32
    %while3A_52 = arith.constant 1 : i32
    %while3A_53 = arith.divsi %while3A_50, %while3A_52 : i32
    %while3A_54 = arith.muli %while3A_53, %while3A_52 : i32
    %while3A_55 = arith.addi %while3A_49, %while3A_54 : i32
    %while3A_56 = arith.constant 1 : i32
    scf.for %while3A_63 = %while3A_49 to %while3A_55 step %while3A_56  : i32 {
      %mul3A_64 = arith.muli %while3A_63, %while3A_48 : i32
      %add3A_65 = arith.addi %arg1, %mul3A_64 : i32
      %mul3A_66 = arith.constant 128 : i32
      %mul3A_67 = arith.muli %add3A_65, %mul3A_66 : i32
      %mul3A_68 = arith.constant 128 : i32
      %mul3A_69 = arith.muli %add3A_65, %mul3A_68 : i32
      %add3A_70 = arith.addi %mul3A_39, %mul3A_69 : i32
      "tpu.region"() ({
        %run_scoped3A = tpu.sem_alloc : memref<!tpu.dma_semaphore, #tpu.memory_space<semaphore_mem>>
        %dma_start3A = arith.constant 0 : i32
        %dma_start3A_71 = tpu.memref_slice %arg3[%add3A_70, %dma_start3A] : memref<20016x16xf32, #tpu.memory_space<hbm>> -> memref<128x16xf32, #tpu.memory_space<hbm>>
        %dma_start3A_72 = arith.constant 0 : i32
        %dma_start3A_73 = tpu.memref_slice %arg7[%mul3A_67, %dma_start3A_72] : memref<10008x16xf32, #tpu.memory_space<vmem_shared>> -> memref<128x16xf32, #tpu.memory_space<vmem_shared>>
        tpu.enqueue_dma source(%dma_start3A_73 : memref<128x16xf32, #tpu.memory_space<vmem_shared>>) target(%dma_start3A_71 : memref<128x16xf32, #tpu.memory_space<hbm>>) target_semaphore(%run_scoped3A : memref<!tpu.dma_semaphore, #tpu.memory_space<semaphore_mem>>)
        %dma_wait3A = arith.constant 0 : i32
        %dma_wait3A_74 = tpu.memref_slice %arg3[%add3A_70, %dma_wait3A] : memref<20016x16xf32, #tpu.memory_space<hbm>> -> memref<128x16xf32, #tpu.memory_space<hbm>>
        %dma_wait3A_75 = arith.constant 0 : i32
        %dma_wait3A_76 = tpu.memref_slice %arg7[%mul3A_67, %dma_wait3A_75] : memref<10008x16xf32, #tpu.memory_space<vmem_shared>> -> memref<128x16xf32, #tpu.memory_space<vmem_shared>>
        tpu.wait_dma2 semaphore(%run_scoped3A : memref<!tpu.dma_semaphore, #tpu.memory_space<semaphore_mem>>) src(%dma_wait3A_76 : memref<128x16xf32, #tpu.memory_space<vmem_shared>>) dst(%dma_wait3A_74 : memref<128x16xf32, #tpu.memory_space<hbm>>)
        tpu.yield
      }) : () -> ()
    }
    %while3A_57 = arith.constant 1 : i32
    scf.for %while3A_63 = %while3A_55 to %while3A_51 step %while3A_57  : i32 {
      %mul3A_64 = arith.muli %while3A_63, %while3A_48 : i32
      %add3A_65 = arith.addi %arg1, %mul3A_64 : i32
      %mul3A_66 = arith.constant 128 : i32
      %mul3A_67 = arith.muli %add3A_65, %mul3A_66 : i32
      %mul3A_68 = arith.constant 128 : i32
      %mul3A_69 = arith.muli %add3A_65, %mul3A_68 : i32
      %add3A_70 = arith.addi %mul3A_39, %mul3A_69 : i32
      "tpu.region"() ({
        %run_scoped3A = tpu.sem_alloc : memref<!tpu.dma_semaphore, #tpu.memory_space<semaphore_mem>>
        %dma_start3A = arith.constant 0 : i32
        %dma_start3A_71 = tpu.memref_slice %arg3[%add3A_70, %dma_start3A] : memref<20016x16xf32, #tpu.memory_space<hbm>> -> memref<128x16xf32, #tpu.memory_space<hbm>>
        %dma_start3A_72 = arith.constant 0 : i32
        %dma_start3A_73 = tpu.memref_slice %arg7[%mul3A_67, %dma_start3A_72] : memref<10008x16xf32, #tpu.memory_space<vmem_shared>> -> memref<128x16xf32, #tpu.memory_space<vmem_shared>>
        tpu.enqueue_dma source(%dma_start3A_73 : memref<128x16xf32, #tpu.memory_space<vmem_shared>>) target(%dma_start3A_71 : memref<128x16xf32, #tpu.memory_space<hbm>>) target_semaphore(%run_scoped3A : memref<!tpu.dma_semaphore, #tpu.memory_space<semaphore_mem>>)
        %dma_wait3A = arith.constant 0 : i32
        %dma_wait3A_74 = tpu.memref_slice %arg3[%add3A_70, %dma_wait3A] : memref<20016x16xf32, #tpu.memory_space<hbm>> -> memref<128x16xf32, #tpu.memory_space<hbm>>
        %dma_wait3A_75 = arith.constant 0 : i32
        %dma_wait3A_76 = tpu.memref_slice %arg7[%mul3A_67, %dma_wait3A_75] : memref<10008x16xf32, #tpu.memory_space<vmem_shared>> -> memref<128x16xf32, #tpu.memory_space<vmem_shared>>
        tpu.wait_dma2 semaphore(%run_scoped3A : memref<!tpu.dma_semaphore, #tpu.memory_space<semaphore_mem>>) src(%dma_wait3A_76 : memref<128x16xf32, #tpu.memory_space<vmem_shared>>) dst(%dma_wait3A_74 : memref<128x16xf32, #tpu.memory_space<hbm>>)
        tpu.yield
      }) : () -> ()
    }
    %eq3A_58 = arith.constant 0 : i32
    %eq3A_59 = arith.cmpi eq, %arg1, %eq3A_58 : i32
    %convert_element_type3A_60 = arith.extui %eq3A_59 : i1 to i32
    %cond3A_61 = arith.constant 0 : i32
    %cond3A_62 = arith.cmpi ne, %convert_element_type3A_60, %cond3A_61 : i32
    scf.if %cond3A_62 {
      %add3A_63 = arith.constant 9984 : i32
      %add3A_64 = arith.addi %mul3A_39, %add3A_63 : i32
      "tpu.region"() ({
        %run_scoped3A = tpu.sem_alloc : memref<!tpu.dma_semaphore, #tpu.memory_space<semaphore_mem>>
        %dma_start3A = arith.constant 0 : i32
        %dma_start3A_65 = tpu.memref_slice %arg3[%add3A_64, %dma_start3A] : memref<20016x16xf32, #tpu.memory_space<hbm>> -> memref<24x16xf32, #tpu.memory_space<hbm>>
        %dma_start3A_66 = arith.constant 9984 : i32
        %dma_start3A_67 = arith.constant 0 : i32
        %dma_start3A_68 = tpu.memref_slice %arg7[%dma_start3A_66, %dma_start3A_67] : memref<10008x16xf32, #tpu.memory_space<vmem_shared>> -> memref<24x16xf32, #tpu.memory_space<vmem_shared>>
        tpu.enqueue_dma source(%dma_start3A_68 : memref<24x16xf32, #tpu.memory_space<vmem_shared>>) target(%dma_start3A_65 : memref<24x16xf32, #tpu.memory_space<hbm>>) target_semaphore(%run_scoped3A : memref<!tpu.dma_semaphore, #tpu.memory_space<semaphore_mem>>)
        %dma_wait3A = arith.constant 0 : i32
        %dma_wait3A_69 = tpu.memref_slice %arg3[%add3A_64, %dma_wait3A] : memref<20016x16xf32, #tpu.memory_space<hbm>> -> memref<24x16xf32, #tpu.memory_space<hbm>>
        %dma_wait3A_70 = arith.constant 9984 : i32
        %dma_wait3A_71 = arith.constant 0 : i32
        %dma_wait3A_72 = tpu.memref_slice %arg7[%dma_wait3A_70, %dma_wait3A_71] : memref<10008x16xf32, #tpu.memory_space<vmem_shared>> -> memref<24x16xf32, #tpu.memory_space<vmem_shared>>
        tpu.wait_dma2 semaphore(%run_scoped3A : memref<!tpu.dma_semaphore, #tpu.memory_space<semaphore_mem>>) src(%dma_wait3A_72 : memref<24x16xf32, #tpu.memory_space<vmem_shared>>) dst(%dma_wait3A_69 : memref<24x16xf32, #tpu.memory_space<hbm>>)
        tpu.yield
      }) : () -> ()
    } else {
    }
    return
  }
}

#map = affine_map<(d0, d1) -> (0, 0)>
module attributes {stable_mosaic.version = 14 : i64} {
  func.func @edge_kernel(%arg0: i32, %arg1: i32, %arg2: memref<10008x64xf32, #tpu.memory_space<hbm>>, %arg3: memref<2560x128xi32, #tpu.memory_space<hbm>>, %arg4: memref<2560x128xi32, #tpu.memory_space<hbm>>, %arg5: memref<20016x64xf32, #tpu.memory_space<hbm>>, %arg6: memref<40x128xi32, #tpu.memory_space<vmem>>, %arg7: memref<40x128xi32, #tpu.memory_space<vmem>>, %arg8: memref<128x64xf32, #tpu.memory_space<vmem>>, %arg9: memref<128x64xf32, #tpu.memory_space<vmem>>, %arg10: memref<32x64xf32, #tpu.memory_space<vmem>>, %arg11: memref<10008x64xf32, #tpu.memory_space<vmem_shared>>, %arg12: memref<!tpu.dma_semaphore, #tpu.memory_space<semaphore_mem>>, %arg13: memref<!tpu.dma_semaphore, #tpu.memory_space<semaphore_mem>>) attributes {dimension_semantics = [#tpu.dimension_semantics<core_parallel>, #tpu.dimension_semantics<subcore_parallel>], iteration_bounds = array<i64: 2, 16>, scalar_prefetch = 0 : i64, scratch_operands = 8 : i64, tpu.core_type = #tpu.core_type<sc_vector_subcore>, window_params = [{transform_indices = #map}, {transform_indices = #map}, {transform_indices = #map}, {transform_indices = #map}]} {
    %mul3A = arith.constant 2 : i32
    %mul3A_0 = arith.muli %arg1, %mul3A : i32
    %add3A = arith.addi %mul3A_0, %arg0 : i32
    %mul3A_1 = arith.constant 80 : i32
    %mul3A_2 = arith.muli %add3A, %mul3A_1 : i32
    %broadcast_in_dim3A = arith.constant 0.000000e+00 : f32
    %broadcast_in_dim3A_3 = vector.broadcast %broadcast_in_dim3A : f32 to vector<16xf32>
    %scan3A = arith.constant 0 : i32
    %scan3A_4 = arith.constant 32 : i32
    %scan3A_5 = arith.addi %scan3A, %scan3A_4 : i32
    %scan3A_6 = arith.constant 1 : i32
    scf.for %scan3A_126 = %scan3A to %scan3A_5 step %scan3A_6  : i32 {
      %mul3A_127 = arith.constant 1 : i32
      %mul3A_128 = arith.muli %scan3A_126, %mul3A_127 : i32
      %add3A_129 = arith.constant 0 : i32
      %add3A_130 = arith.addi %add3A_129, %mul3A_128 : i32
      %scan3A_131 = arith.constant 0 : i32
      %scan3A_132 = arith.constant 4 : i32
      %scan3A_133 = arith.addi %scan3A_131, %scan3A_132 : i32
      %scan3A_134 = arith.constant 1 : i32
      scf.for %scan3A_136 = %scan3A_131 to %scan3A_133 step %scan3A_134  : i32 {
        %mul3A_137 = arith.constant 16 : i32
        %mul3A_138 = arith.muli %scan3A_136, %mul3A_137 : i32
        %add3A_139 = arith.constant 0 : i32
        %add3A_140 = arith.addi %add3A_139, %mul3A_138 : i32
        %swap3A = arith.index_cast %add3A_130 : i32 to index
        %swap3A_141 = arith.index_cast %add3A_140 : i32 to index
        %swap3A_142 = tpu.vector_load %arg10[%swap3A, %swap3A_141] {strides = array<i32>} : memref<32x64xf32, #tpu.memory_space<vmem>>, vector<1x16xf32>,
        %swap3A_143 = vector.shape_cast %swap3A_142 : vector<1x16xf32> to vector<16xf32>
        %swap3A_144 = vector.shape_cast %broadcast_in_dim3A_3 : vector<16xf32> to vector<1x16xf32>
        tpu.vector_store %arg10[%swap3A, %swap3A_141], %swap3A_144 {strides = array<i32>} : memref<32x64xf32, #tpu.memory_space<vmem>>, vector<1x16xf32>,
      }
      %scan3A_135 = arith.constant 4 : i32
    }
    %scan3A_7 = arith.constant 32 : i32
    %sub3A = arith.constant 312 : i32
    %sub3A_8 = arith.subi %sub3A, %arg1 : i32
    %sub3A_9 = arith.constant 16 : i32
    %sub3A_10 = arith.constant 1 : i32
    %sub3A_11 = arith.subi %sub3A_9, %sub3A_10 : i32
    %add3A_12 = arith.addi %sub3A_8, %sub3A_11 : i32
    %div3A = arith.constant 16 : i32
    %div3A_13 = arith.divsi %add3A_12, %div3A : i32
    %while3A = arith.constant 16 : i32
    %while3A_14 = arith.constant 0 : i32
    %while3A_15 = arith.subi %div3A_13, %while3A_14 : i32
    %while3A_16 = arith.addi %while3A_14, %while3A_15 : i32
    %while3A_17 = arith.constant 1 : i32
    %while3A_18 = arith.divsi %while3A_15, %while3A_17 : i32
    %while3A_19 = arith.muli %while3A_18, %while3A_17 : i32
    %while3A_20 = arith.addi %while3A_14, %while3A_19 : i32
    %while3A_21 = arith.constant 1 : i32
    scf.for %while3A_126 = %while3A_14 to %while3A_20 step %while3A_21  : i32 {
      %mul3A_127 = arith.muli %while3A_126, %while3A : i32
      %add3A_128 = arith.addi %arg1, %mul3A_127 : i32
      %mul3A_129 = arith.constant 32 : i32
      %mul3A_130 = arith.muli %add3A_128, %mul3A_129 : i32
      "tpu.region"() ({
        %run_scoped3A_131 = tpu.sem_alloc : memref<!tpu.dma_semaphore, #tpu.memory_space<semaphore_mem>>
        %dma_start3A_132 = arith.constant 0 : i32
        %dma_start3A_133 = tpu.memref_slice %arg11[%mul3A_130, %dma_start3A_132] : memref<10008x64xf32, #tpu.memory_space<vmem_shared>> -> memref<32x64xf32, #tpu.memory_space<vmem_shared>>
        %dma_start3A_134 = arith.constant 0 : i32
        %dma_start3A_135 = tpu.memref_slice %arg11[%mul3A_130, %dma_start3A_134] : memref<10008x64xf32, #tpu.memory_space<vmem_shared>> -> memref<32x64xf32, #tpu.memory_space<vmem_shared>>
        tpu.enqueue_dma source(%arg10 : memref<32x64xf32, #tpu.memory_space<vmem>>) target(%dma_start3A_135 : memref<32x64xf32, #tpu.memory_space<vmem_shared>>) target_semaphore(%run_scoped3A_131 : memref<!tpu.dma_semaphore, #tpu.memory_space<semaphore_mem>>)
        %dma_wait3A_136 = arith.constant 0 : i32
        %dma_wait3A_137 = tpu.memref_slice %arg11[%mul3A_130, %dma_wait3A_136] : memref<10008x64xf32, #tpu.memory_space<vmem_shared>> -> memref<32x64xf32, #tpu.memory_space<vmem_shared>>
        %dma_wait3A_138 = arith.constant 0 : i32
        %dma_wait3A_139 = tpu.memref_slice %arg11[%mul3A_130, %dma_wait3A_138] : memref<10008x64xf32, #tpu.memory_space<vmem_shared>> -> memref<32x64xf32, #tpu.memory_space<vmem_shared>>
        tpu.wait_dma2 semaphore(%run_scoped3A_131 : memref<!tpu.dma_semaphore, #tpu.memory_space<semaphore_mem>>) src(%arg10 : memref<32x64xf32, #tpu.memory_space<vmem>>) dst(%dma_wait3A_139 : memref<32x64xf32, #tpu.memory_space<vmem_shared>>)
        tpu.yield
      }) : () -> ()
    }
    %while3A_22 = arith.constant 1 : i32
    scf.for %while3A_126 = %while3A_20 to %while3A_16 step %while3A_22  : i32 {
      %mul3A_127 = arith.muli %while3A_126, %while3A : i32
      %add3A_128 = arith.addi %arg1, %mul3A_127 : i32
      %mul3A_129 = arith.constant 32 : i32
      %mul3A_130 = arith.muli %add3A_128, %mul3A_129 : i32
      "tpu.region"() ({
        %run_scoped3A_131 = tpu.sem_alloc : memref<!tpu.dma_semaphore, #tpu.memory_space<semaphore_mem>>
        %dma_start3A_132 = arith.constant 0 : i32
        %dma_start3A_133 = tpu.memref_slice %arg11[%mul3A_130, %dma_start3A_132] : memref<10008x64xf32, #tpu.memory_space<vmem_shared>> -> memref<32x64xf32, #tpu.memory_space<vmem_shared>>
        %dma_start3A_134 = arith.constant 0 : i32
        %dma_start3A_135 = tpu.memref_slice %arg11[%mul3A_130, %dma_start3A_134] : memref<10008x64xf32, #tpu.memory_space<vmem_shared>> -> memref<32x64xf32, #tpu.memory_space<vmem_shared>>
        tpu.enqueue_dma source(%arg10 : memref<32x64xf32, #tpu.memory_space<vmem>>) target(%dma_start3A_135 : memref<32x64xf32, #tpu.memory_space<vmem_shared>>) target_semaphore(%run_scoped3A_131 : memref<!tpu.dma_semaphore, #tpu.memory_space<semaphore_mem>>)
        %dma_wait3A_136 = arith.constant 0 : i32
        %dma_wait3A_137 = tpu.memref_slice %arg11[%mul3A_130, %dma_wait3A_136] : memref<10008x64xf32, #tpu.memory_space<vmem_shared>> -> memref<32x64xf32, #tpu.memory_space<vmem_shared>>
        %dma_wait3A_138 = arith.constant 0 : i32
        %dma_wait3A_139 = tpu.memref_slice %arg11[%mul3A_130, %dma_wait3A_138] : memref<10008x64xf32, #tpu.memory_space<vmem_shared>> -> memref<32x64xf32, #tpu.memory_space<vmem_shared>>
        tpu.wait_dma2 semaphore(%run_scoped3A_131 : memref<!tpu.dma_semaphore, #tpu.memory_space<semaphore_mem>>) src(%arg10 : memref<32x64xf32, #tpu.memory_space<vmem>>) dst(%dma_wait3A_139 : memref<32x64xf32, #tpu.memory_space<vmem_shared>>)
        tpu.yield
      }) : () -> ()
    }
    %eq3A = arith.constant 0 : i32
    %eq3A_23 = arith.cmpi eq, %arg1, %eq3A : i32
    %convert_element_type3A = arith.extui %eq3A_23 : i1 to i32
    %cond3A = arith.constant 0 : i32
    %cond3A_24 = arith.cmpi ne, %convert_element_type3A, %cond3A : i32
    scf.if %cond3A_24 {
      "tpu.region"() ({
        %run_scoped3A_126 = tpu.sem_alloc : memref<!tpu.dma_semaphore, #tpu.memory_space<semaphore_mem>>
        %dma_start3A_127 = arith.constant 0 : i32
        %dma_start3A_128 = arith.constant 0 : i32
        %dma_start3A_129 = tpu.memref_slice %arg10[%dma_start3A_127, %dma_start3A_128] : memref<32x64xf32, #tpu.memory_space<vmem>> -> memref<24x64xf32, #tpu.memory_space<vmem>>
        %dma_start3A_130 = arith.constant 9984 : i32
        %dma_start3A_131 = arith.constant 0 : i32
        %dma_start3A_132 = tpu.memref_slice %arg11[%dma_start3A_130, %dma_start3A_131] : memref<10008x64xf32, #tpu.memory_space<vmem_shared>> -> memref<24x64xf32, #tpu.memory_space<vmem_shared>>
        %dma_start3A_133 = arith.constant 9984 : i32
        %dma_start3A_134 = arith.constant 0 : i32
        %dma_start3A_135 = tpu.memref_slice %arg11[%dma_start3A_133, %dma_start3A_134] : memref<10008x64xf32, #tpu.memory_space<vmem_shared>> -> memref<24x64xf32, #tpu.memory_space<vmem_shared>>
        %dma_start3A_136 = arith.constant 0 : i32
        %dma_start3A_137 = arith.constant 0 : i32
        %dma_start3A_138 = tpu.memref_slice %arg10[%dma_start3A_136, %dma_start3A_137] : memref<32x64xf32, #tpu.memory_space<vmem>> -> memref<24x64xf32, #tpu.memory_space<vmem>>
        tpu.enqueue_dma source(%dma_start3A_138 : memref<24x64xf32, #tpu.memory_space<vmem>>) target(%dma_start3A_135 : memref<24x64xf32, #tpu.memory_space<vmem_shared>>) target_semaphore(%run_scoped3A_126 : memref<!tpu.dma_semaphore, #tpu.memory_space<semaphore_mem>>)
        %dma_wait3A_139 = arith.constant 0 : i32
        %dma_wait3A_140 = arith.constant 0 : i32
        %dma_wait3A_141 = tpu.memref_slice %arg10[%dma_wait3A_139, %dma_wait3A_140] : memref<32x64xf32, #tpu.memory_space<vmem>> -> memref<24x64xf32, #tpu.memory_space<vmem>>
        %dma_wait3A_142 = arith.constant 9984 : i32
        %dma_wait3A_143 = arith.constant 0 : i32
        %dma_wait3A_144 = tpu.memref_slice %arg11[%dma_wait3A_142, %dma_wait3A_143] : memref<10008x64xf32, #tpu.memory_space<vmem_shared>> -> memref<24x64xf32, #tpu.memory_space<vmem_shared>>
        %dma_wait3A_145 = arith.constant 9984 : i32
        %dma_wait3A_146 = arith.constant 0 : i32
        %dma_wait3A_147 = tpu.memref_slice %arg11[%dma_wait3A_145, %dma_wait3A_146] : memref<10008x64xf32, #tpu.memory_space<vmem_shared>> -> memref<24x64xf32, #tpu.memory_space<vmem_shared>>
        %dma_wait3A_148 = arith.constant 0 : i32
        %dma_wait3A_149 = arith.constant 0 : i32
        %dma_wait3A_150 = tpu.memref_slice %arg10[%dma_wait3A_148, %dma_wait3A_149] : memref<32x64xf32, #tpu.memory_space<vmem>> -> memref<24x64xf32, #tpu.memory_space<vmem>>
        tpu.wait_dma2 semaphore(%run_scoped3A_126 : memref<!tpu.dma_semaphore, #tpu.memory_space<semaphore_mem>>) src(%dma_wait3A_150 : memref<24x64xf32, #tpu.memory_space<vmem>>) dst(%dma_wait3A_147 : memref<24x64xf32, #tpu.memory_space<vmem_shared>>)
        tpu.yield
      }) : () -> ()
    } else {
    }
    %add3A_25 = arith.constant 0 : i32
    %add3A_26 = arith.addi %mul3A_2, %add3A_25 : i32
    "tpu.region"() ({
      %run_scoped3A_126 = tpu.sem_alloc : memref<!tpu.dma_semaphore, #tpu.memory_space<semaphore_mem>>
      %dma_start3A_127 = arith.constant 0 : i32
      %dma_start3A_128 = tpu.memref_slice %arg3[%add3A_26, %dma_start3A_127] : memref<2560x128xi32, #tpu.memory_space<hbm>> -> memref<40x128xi32, #tpu.memory_space<hbm>>
      %dma_start3A_129 = arith.constant 0 : i32
      %dma_start3A_130 = tpu.memref_slice %arg3[%add3A_26, %dma_start3A_129] : memref<2560x128xi32, #tpu.memory_space<hbm>> -> memref<40x128xi32, #tpu.memory_space<hbm>>
      tpu.enqueue_dma source(%dma_start3A_130 : memref<40x128xi32, #tpu.memory_space<hbm>>) target(%arg6 : memref<40x128xi32, #tpu.memory_space<vmem>>) target_semaphore(%run_scoped3A_126 : memref<!tpu.dma_semaphore, #tpu.memory_space<semaphore_mem>>)
      %dma_wait3A_131 = arith.constant 0 : i32
      %dma_wait3A_132 = tpu.memref_slice %arg3[%add3A_26, %dma_wait3A_131] : memref<2560x128xi32, #tpu.memory_space<hbm>> -> memref<40x128xi32, #tpu.memory_space<hbm>>
      %dma_wait3A_133 = arith.constant 0 : i32
      %dma_wait3A_134 = tpu.memref_slice %arg3[%add3A_26, %dma_wait3A_133] : memref<2560x128xi32, #tpu.memory_space<hbm>> -> memref<40x128xi32, #tpu.memory_space<hbm>>
      tpu.wait_dma2 semaphore(%run_scoped3A_126 : memref<!tpu.dma_semaphore, #tpu.memory_space<semaphore_mem>>) src(%dma_wait3A_134 : memref<40x128xi32, #tpu.memory_space<hbm>>) dst(%arg6 : memref<40x128xi32, #tpu.memory_space<vmem>>)
      tpu.yield
    }) : () -> ()
    %add3A_27 = arith.constant 0 : i32
    %add3A_28 = arith.addi %mul3A_2, %add3A_27 : i32
    "tpu.region"() ({
      %run_scoped3A_126 = tpu.sem_alloc : memref<!tpu.dma_semaphore, #tpu.memory_space<semaphore_mem>>
      %dma_start3A_127 = arith.constant 0 : i32
      %dma_start3A_128 = tpu.memref_slice %arg4[%add3A_28, %dma_start3A_127] : memref<2560x128xi32, #tpu.memory_space<hbm>> -> memref<40x128xi32, #tpu.memory_space<hbm>>
      %dma_start3A_129 = arith.constant 0 : i32
      %dma_start3A_130 = tpu.memref_slice %arg4[%add3A_28, %dma_start3A_129] : memref<2560x128xi32, #tpu.memory_space<hbm>> -> memref<40x128xi32, #tpu.memory_space<hbm>>
      tpu.enqueue_dma source(%dma_start3A_130 : memref<40x128xi32, #tpu.memory_space<hbm>>) target(%arg7 : memref<40x128xi32, #tpu.memory_space<vmem>>) target_semaphore(%run_scoped3A_126 : memref<!tpu.dma_semaphore, #tpu.memory_space<semaphore_mem>>)
      %dma_wait3A_131 = arith.constant 0 : i32
      %dma_wait3A_132 = tpu.memref_slice %arg4[%add3A_28, %dma_wait3A_131] : memref<2560x128xi32, #tpu.memory_space<hbm>> -> memref<40x128xi32, #tpu.memory_space<hbm>>
      %dma_wait3A_133 = arith.constant 0 : i32
      %dma_wait3A_134 = tpu.memref_slice %arg4[%add3A_28, %dma_wait3A_133] : memref<2560x128xi32, #tpu.memory_space<hbm>> -> memref<40x128xi32, #tpu.memory_space<hbm>>
      tpu.wait_dma2 semaphore(%run_scoped3A_126 : memref<!tpu.dma_semaphore, #tpu.memory_space<semaphore_mem>>) src(%dma_wait3A_134 : memref<40x128xi32, #tpu.memory_space<hbm>>) dst(%arg7 : memref<40x128xi32, #tpu.memory_space<vmem>>)
      tpu.yield
    }) : () -> ()
    %barrier3A = arith.constant 0 : index
    tpu.barrier barrier_id(%barrier3A)
    %dma_start3A = arith.constant 0 : i32
    %dma_start3A_29 = arith.constant 0 : i32
    %dma_start3A_30 = tpu.memref_slice %arg6[%dma_start3A, %dma_start3A_29] : memref<40x128xi32, #tpu.memory_space<vmem>> -> memref<1x128xi32, #tpu.memory_space<vmem>>
    %dma_start3A_31 = tpu.memref_squeeze %dma_start3A_30 : memref<1x128xi32, #tpu.memory_space<vmem>> -> memref<128xi32, #tpu.memory_space<vmem>>
    %dma_start3A_32 = arith.constant 0 : i32
    %dma_start3A_33 = arith.constant 0 : i32
    %dma_start3A_34 = tpu.memref_slice %arg2[%dma_start3A_32, %dma_start3A_33] : memref<10008x64xf32, #tpu.memory_space<hbm>> -> memref<10008x64xf32, #tpu.memory_space<hbm>>
    tpu.enqueue_indirect_dma source(%dma_start3A_34 : memref<10008x64xf32, #tpu.memory_space<hbm>>) target(%arg8 : memref<128x64xf32, #tpu.memory_space<vmem>>) offsets(%dma_start3A_31 : memref<128xi32, #tpu.memory_space<vmem>>) semaphore(%arg12 : memref<!tpu.dma_semaphore, #tpu.memory_space<semaphore_mem>>)
    %scan3A_35 = arith.constant 0 : i32
    %scan3A_36 = arith.constant 19 : i32
    %scan3A_37 = arith.addi %scan3A_35, %scan3A_36 : i32
    %scan3A_38 = arith.constant 1 : i32
    scf.for %scan3A_126 = %scan3A_35 to %scan3A_37 step %scan3A_38  : i32 {
      %mul3A_127 = arith.constant 1 : i32
      %mul3A_128 = arith.muli %scan3A_126, %mul3A_127 : i32
      %add3A_129 = arith.constant 0 : i32
      %add3A_130 = arith.addi %add3A_129, %mul3A_128 : i32
      %mul3A_131 = arith.constant 2 : i32
      %mul3A_132 = arith.muli %mul3A_131, %add3A_130 : i32
      %add3A_133 = arith.constant 1 : i32
      %add3A_134 = arith.addi %mul3A_132, %add3A_133 : i32
      %dma_start3A_135 = arith.constant 0 : i32
      %dma_start3A_136 = tpu.memref_slice %arg6[%add3A_134, %dma_start3A_135] : memref<40x128xi32, #tpu.memory_space<vmem>> -> memref<1x128xi32, #tpu.memory_space<vmem>>
      %dma_start3A_137 = tpu.memref_squeeze %dma_start3A_136 : memref<1x128xi32, #tpu.memory_space<vmem>> -> memref<128xi32, #tpu.memory_space<vmem>>
      %dma_start3A_138 = arith.constant 0 : i32
      %dma_start3A_139 = arith.constant 0 : i32
      %dma_start3A_140 = tpu.memref_slice %arg2[%dma_start3A_138, %dma_start3A_139] : memref<10008x64xf32, #tpu.memory_space<hbm>> -> memref<10008x64xf32, #tpu.memory_space<hbm>>
      tpu.enqueue_indirect_dma source(%dma_start3A_140 : memref<10008x64xf32, #tpu.memory_space<hbm>>) target(%arg9 : memref<128x64xf32, #tpu.memory_space<vmem>>) offsets(%dma_start3A_137 : memref<128xi32, #tpu.memory_space<vmem>>) semaphore(%arg13 : memref<!tpu.dma_semaphore, #tpu.memory_space<semaphore_mem>>)
      %dma_wait3A_141 = arith.constant 0 : i32
      %dma_wait3A_142 = tpu.memref_slice %arg6[%mul3A_132, %dma_wait3A_141] : memref<40x128xi32, #tpu.memory_space<vmem>> -> memref<1x128xi32, #tpu.memory_space<vmem>>
      %dma_wait3A_143 = tpu.memref_squeeze %dma_wait3A_142 : memref<1x128xi32, #tpu.memory_space<vmem>> -> memref<128xi32, #tpu.memory_space<vmem>>
      %dma_wait3A_144 = arith.constant 0 : i32
      %dma_wait3A_145 = arith.constant 0 : i32
      %dma_wait3A_146 = tpu.memref_slice %arg2[%dma_wait3A_144, %dma_wait3A_145] : memref<10008x64xf32, #tpu.memory_space<hbm>> -> memref<10008x64xf32, #tpu.memory_space<hbm>>
      tpu.wait_indirect_dma semaphore(%arg12 : memref<!tpu.dma_semaphore, #tpu.memory_space<semaphore_mem>>) src(%dma_wait3A_146 : memref<10008x64xf32, #tpu.memory_space<hbm>>) dst(%arg8 : memref<128x64xf32, #tpu.memory_space<vmem>>)
      "tpu.region"() ({
        %run_scoped3A_165 = tpu.sem_alloc : memref<!tpu.dma_semaphore, #tpu.memory_space<semaphore_mem>>
        %dma_start3A_166 = arith.constant 0 : i32
        %dma_start3A_167 = tpu.memref_slice %arg7[%mul3A_132, %dma_start3A_166] : memref<40x128xi32, #tpu.memory_space<vmem>> -> memref<1x128xi32, #tpu.memory_space<vmem>>
        %dma_start3A_168 = tpu.memref_squeeze %dma_start3A_167 : memref<1x128xi32, #tpu.memory_space<vmem>> -> memref<128xi32, #tpu.memory_space<vmem>>
        %dma_start3A_169 = arith.constant 0 : i32
        %dma_start3A_170 = arith.constant 0 : i32
        %dma_start3A_171 = tpu.memref_slice %arg11[%dma_start3A_169, %dma_start3A_170] : memref<10008x64xf32, #tpu.memory_space<vmem_shared>> -> memref<10008x64xf32, #tpu.memory_space<vmem_shared>>
        tpu.enqueue_indirect_dma source(%arg8 : memref<128x64xf32, #tpu.memory_space<vmem>>) target(%dma_start3A_171 : memref<10008x64xf32, #tpu.memory_space<vmem_shared>>) offsets(%dma_start3A_168 : memref<128xi32, #tpu.memory_space<vmem>>) semaphore(%run_scoped3A_165 : memref<!tpu.dma_semaphore, #tpu.memory_space<semaphore_mem>>) {add = true}
        %dma_wait3A_172 = arith.constant 0 : i32
        %dma_wait3A_173 = tpu.memref_slice %arg7[%mul3A_132, %dma_wait3A_172] : memref<40x128xi32, #tpu.memory_space<vmem>> -> memref<1x128xi32, #tpu.memory_space<vmem>>
        %dma_wait3A_174 = tpu.memref_squeeze %dma_wait3A_173 : memref<1x128xi32, #tpu.memory_space<vmem>> -> memref<128xi32, #tpu.memory_space<vmem>>
        %dma_wait3A_175 = arith.constant 0 : i32
        %dma_wait3A_176 = arith.constant 0 : i32
        %dma_wait3A_177 = tpu.memref_slice %arg11[%dma_wait3A_175, %dma_wait3A_176] : memref<10008x64xf32, #tpu.memory_space<vmem_shared>> -> memref<10008x64xf32, #tpu.memory_space<vmem_shared>>
        tpu.wait_indirect_dma semaphore(%run_scoped3A_165 : memref<!tpu.dma_semaphore, #tpu.memory_space<semaphore_mem>>) src(%arg8 : memref<128x64xf32, #tpu.memory_space<vmem>>) dst(%dma_wait3A_177 : memref<10008x64xf32, #tpu.memory_space<vmem_shared>>)
        tpu.yield
      }) : () -> ()
      %add3A_147 = arith.constant 2 : i32
      %add3A_148 = arith.addi %mul3A_132, %add3A_147 : i32
      %dma_start3A_149 = arith.constant 0 : i32
      %dma_start3A_150 = tpu.memref_slice %arg6[%add3A_148, %dma_start3A_149] : memref<40x128xi32, #tpu.memory_space<vmem>> -> memref<1x128xi32, #tpu.memory_space<vmem>>
      %dma_start3A_151 = tpu.memref_squeeze %dma_start3A_150 : memref<1x128xi32, #tpu.memory_space<vmem>> -> memref<128xi32, #tpu.memory_space<vmem>>
      %dma_start3A_152 = arith.constant 0 : i32
      %dma_start3A_153 = arith.constant 0 : i32
      %dma_start3A_154 = tpu.memref_slice %arg2[%dma_start3A_152, %dma_start3A_153] : memref<10008x64xf32, #tpu.memory_space<hbm>> -> memref<10008x64xf32, #tpu.memory_space<hbm>>
      tpu.enqueue_indirect_dma source(%dma_start3A_154 : memref<10008x64xf32, #tpu.memory_space<hbm>>) target(%arg8 : memref<128x64xf32, #tpu.memory_space<vmem>>) offsets(%dma_start3A_151 : memref<128xi32, #tpu.memory_space<vmem>>) semaphore(%arg12 : memref<!tpu.dma_semaphore, #tpu.memory_space<semaphore_mem>>)
      %add3A_155 = arith.constant 1 : i32
      %add3A_156 = arith.addi %mul3A_132, %add3A_155 : i32
      %dma_wait3A_157 = arith.constant 0 : i32
      %dma_wait3A_158 = tpu.memref_slice %arg6[%add3A_156, %dma_wait3A_157] : memref<40x128xi32, #tpu.memory_space<vmem>> -> memref<1x128xi32, #tpu.memory_space<vmem>>
      %dma_wait3A_159 = tpu.memref_squeeze %dma_wait3A_158 : memref<1x128xi32, #tpu.memory_space<vmem>> -> memref<128xi32, #tpu.memory_space<vmem>>
      %dma_wait3A_160 = arith.constant 0 : i32
      %dma_wait3A_161 = arith.constant 0 : i32
      %dma_wait3A_162 = tpu.memref_slice %arg2[%dma_wait3A_160, %dma_wait3A_161] : memref<10008x64xf32, #tpu.memory_space<hbm>> -> memref<10008x64xf32, #tpu.memory_space<hbm>>
      tpu.wait_indirect_dma semaphore(%arg13 : memref<!tpu.dma_semaphore, #tpu.memory_space<semaphore_mem>>) src(%dma_wait3A_162 : memref<10008x64xf32, #tpu.memory_space<hbm>>) dst(%arg9 : memref<128x64xf32, #tpu.memory_space<vmem>>)
      %add3A_163 = arith.constant 1 : i32
      %add3A_164 = arith.addi %mul3A_132, %add3A_163 : i32
      "tpu.region"() ({
        %run_scoped3A_165 = tpu.sem_alloc : memref<!tpu.dma_semaphore, #tpu.memory_space<semaphore_mem>>
        %dma_start3A_166 = arith.constant 0 : i32
        %dma_start3A_167 = tpu.memref_slice %arg7[%add3A_164, %dma_start3A_166] : memref<40x128xi32, #tpu.memory_space<vmem>> -> memref<1x128xi32, #tpu.memory_space<vmem>>
        %dma_start3A_168 = tpu.memref_squeeze %dma_start3A_167 : memref<1x128xi32, #tpu.memory_space<vmem>> -> memref<128xi32, #tpu.memory_space<vmem>>
        %dma_start3A_169 = arith.constant 0 : i32
        %dma_start3A_170 = arith.constant 0 : i32
        %dma_start3A_171 = tpu.memref_slice %arg11[%dma_start3A_169, %dma_start3A_170] : memref<10008x64xf32, #tpu.memory_space<vmem_shared>> -> memref<10008x64xf32, #tpu.memory_space<vmem_shared>>
        tpu.enqueue_indirect_dma source(%arg9 : memref<128x64xf32, #tpu.memory_space<vmem>>) target(%dma_start3A_171 : memref<10008x64xf32, #tpu.memory_space<vmem_shared>>) offsets(%dma_start3A_168 : memref<128xi32, #tpu.memory_space<vmem>>) semaphore(%run_scoped3A_165 : memref<!tpu.dma_semaphore, #tpu.memory_space<semaphore_mem>>) {add = true}
        %dma_wait3A_172 = arith.constant 0 : i32
        %dma_wait3A_173 = tpu.memref_slice %arg7[%add3A_164, %dma_wait3A_172] : memref<40x128xi32, #tpu.memory_space<vmem>> -> memref<1x128xi32, #tpu.memory_space<vmem>>
        %dma_wait3A_174 = tpu.memref_squeeze %dma_wait3A_173 : memref<1x128xi32, #tpu.memory_space<vmem>> -> memref<128xi32, #tpu.memory_space<vmem>>
        %dma_wait3A_175 = arith.constant 0 : i32
        %dma_wait3A_176 = arith.constant 0 : i32
        %dma_wait3A_177 = tpu.memref_slice %arg11[%dma_wait3A_175, %dma_wait3A_176] : memref<10008x64xf32, #tpu.memory_space<vmem_shared>> -> memref<10008x64xf32, #tpu.memory_space<vmem_shared>>
        tpu.wait_indirect_dma semaphore(%run_scoped3A_165 : memref<!tpu.dma_semaphore, #tpu.memory_space<semaphore_mem>>) src(%arg9 : memref<128x64xf32, #tpu.memory_space<vmem>>) dst(%dma_wait3A_177 : memref<10008x64xf32, #tpu.memory_space<vmem_shared>>)
        tpu.yield
      }) : () -> ()
    }
    %scan3A_39 = arith.constant 19 : i32
    %dma_start3A_40 = arith.constant 39 : i32
    %dma_start3A_41 = arith.constant 0 : i32
    %dma_start3A_42 = tpu.memref_slice %arg6[%dma_start3A_40, %dma_start3A_41] : memref<40x128xi32, #tpu.memory_space<vmem>> -> memref<1x128xi32, #tpu.memory_space<vmem>>
    %dma_start3A_43 = tpu.memref_squeeze %dma_start3A_42 : memref<1x128xi32, #tpu.memory_space<vmem>> -> memref<128xi32, #tpu.memory_space<vmem>>
    %dma_start3A_44 = arith.constant 0 : i32
    %dma_start3A_45 = arith.constant 0 : i32
    %dma_start3A_46 = tpu.memref_slice %arg2[%dma_start3A_44, %dma_start3A_45] : memref<10008x64xf32, #tpu.memory_space<hbm>> -> memref<10008x64xf32, #tpu.memory_space<hbm>>
    tpu.enqueue_indirect_dma source(%dma_start3A_46 : memref<10008x64xf32, #tpu.memory_space<hbm>>) target(%arg9 : memref<128x64xf32, #tpu.memory_space<vmem>>) offsets(%dma_start3A_43 : memref<128xi32, #tpu.memory_space<vmem>>) semaphore(%arg13 : memref<!tpu.dma_semaphore, #tpu.memory_space<semaphore_mem>>)
    %dma_wait3A = arith.constant 38 : i32
    %dma_wait3A_47 = arith.constant 0 : i32
    %dma_wait3A_48 = tpu.memref_slice %arg6[%dma_wait3A, %dma_wait3A_47] : memref<40x128xi32, #tpu.memory_space<vmem>> -> memref<1x128xi32, #tpu.memory_space<vmem>>
    %dma_wait3A_49 = tpu.memref_squeeze %dma_wait3A_48 : memref<1x128xi32, #tpu.memory_space<vmem>> -> memref<128xi32, #tpu.memory_space<vmem>>
    %dma_wait3A_50 = arith.constant 0 : i32
    %dma_wait3A_51 = arith.constant 0 : i32
    %dma_wait3A_52 = tpu.memref_slice %arg2[%dma_wait3A_50, %dma_wait3A_51] : memref<10008x64xf32, #tpu.memory_space<hbm>> -> memref<10008x64xf32, #tpu.memory_space<hbm>>
    tpu.wait_indirect_dma semaphore(%arg12 : memref<!tpu.dma_semaphore, #tpu.memory_space<semaphore_mem>>) src(%dma_wait3A_52 : memref<10008x64xf32, #tpu.memory_space<hbm>>) dst(%arg8 : memref<128x64xf32, #tpu.memory_space<vmem>>)
    %run_scoped3A = arith.constant 38 : i32
    "tpu.region"() ({
      %run_scoped3A_126 = tpu.sem_alloc : memref<!tpu.dma_semaphore, #tpu.memory_space<semaphore_mem>>
      %dma_start3A_127 = arith.constant 0 : i32
      %dma_start3A_128 = tpu.memref_slice %arg7[%run_scoped3A, %dma_start3A_127] : memref<40x128xi32, #tpu.memory_space<vmem>> -> memref<1x128xi32, #tpu.memory_space<vmem>>
      %dma_start3A_129 = tpu.memref_squeeze %dma_start3A_128 : memref<1x128xi32, #tpu.memory_space<vmem>> -> memref<128xi32, #tpu.memory_space<vmem>>
      %dma_start3A_130 = arith.constant 0 : i32
      %dma_start3A_131 = arith.constant 0 : i32
      %dma_start3A_132 = tpu.memref_slice %arg11[%dma_start3A_130, %dma_start3A_131] : memref<10008x64xf32, #tpu.memory_space<vmem_shared>> -> memref<10008x64xf32, #tpu.memory_space<vmem_shared>>
      tpu.enqueue_indirect_dma source(%arg8 : memref<128x64xf32, #tpu.memory_space<vmem>>) target(%dma_start3A_132 : memref<10008x64xf32, #tpu.memory_space<vmem_shared>>) offsets(%dma_start3A_129 : memref<128xi32, #tpu.memory_space<vmem>>) semaphore(%run_scoped3A_126 : memref<!tpu.dma_semaphore, #tpu.memory_space<semaphore_mem>>) {add = true}
      %dma_wait3A_133 = arith.constant 0 : i32
      %dma_wait3A_134 = tpu.memref_slice %arg7[%run_scoped3A, %dma_wait3A_133] : memref<40x128xi32, #tpu.memory_space<vmem>> -> memref<1x128xi32, #tpu.memory_space<vmem>>
      %dma_wait3A_135 = tpu.memref_squeeze %dma_wait3A_134 : memref<1x128xi32, #tpu.memory_space<vmem>> -> memref<128xi32, #tpu.memory_space<vmem>>
      %dma_wait3A_136 = arith.constant 0 : i32
      %dma_wait3A_137 = arith.constant 0 : i32
      %dma_wait3A_138 = tpu.memref_slice %arg11[%dma_wait3A_136, %dma_wait3A_137] : memref<10008x64xf32, #tpu.memory_space<vmem_shared>> -> memref<10008x64xf32, #tpu.memory_space<vmem_shared>>
      tpu.wait_indirect_dma semaphore(%run_scoped3A_126 : memref<!tpu.dma_semaphore, #tpu.memory_space<semaphore_mem>>) src(%arg8 : memref<128x64xf32, #tpu.memory_space<vmem>>) dst(%dma_wait3A_138 : memref<10008x64xf32, #tpu.memory_space<vmem_shared>>)
      tpu.yield
    }) : () -> ()
    %dma_wait3A_53 = arith.constant 39 : i32
    %dma_wait3A_54 = arith.constant 0 : i32
    %dma_wait3A_55 = tpu.memref_slice %arg6[%dma_wait3A_53, %dma_wait3A_54] : memref<40x128xi32, #tpu.memory_space<vmem>> -> memref<1x128xi32, #tpu.memory_space<vmem>>
    %dma_wait3A_56 = tpu.memref_squeeze %dma_wait3A_55 : memref<1x128xi32, #tpu.memory_space<vmem>> -> memref<128xi32, #tpu.memory_space<vmem>>
    %dma_wait3A_57 = arith.constant 0 : i32
    %dma_wait3A_58 = arith.constant 0 : i32
    %dma_wait3A_59 = tpu.memref_slice %arg2[%dma_wait3A_57, %dma_wait3A_58] : memref<10008x64xf32, #tpu.memory_space<hbm>> -> memref<10008x64xf32, #tpu.memory_space<hbm>>
    tpu.wait_indirect_dma semaphore(%arg13 : memref<!tpu.dma_semaphore, #tpu.memory_space<semaphore_mem>>) src(%dma_wait3A_59 : memref<10008x64xf32, #tpu.memory_space<hbm>>) dst(%arg9 : memref<128x64xf32, #tpu.memory_space<vmem>>)
    %run_scoped3A_60 = arith.constant 39 : i32
    "tpu.region"() ({
      %run_scoped3A_126 = tpu.sem_alloc : memref<!tpu.dma_semaphore, #tpu.memory_space<semaphore_mem>>
      %dma_start3A_127 = arith.constant 0 : i32
      %dma_start3A_128 = tpu.memref_slice %arg7[%run_scoped3A_60, %dma_start3A_127] : memref<40x128xi32, #tpu.memory_space<vmem>> -> memref<1x128xi32, #tpu.memory_space<vmem>>
      %dma_start3A_129 = tpu.memref_squeeze %dma_start3A_128 : memref<1x128xi32, #tpu.memory_space<vmem>> -> memref<128xi32, #tpu.memory_space<vmem>>
      %dma_start3A_130 = arith.constant 0 : i32
      %dma_start3A_131 = arith.constant 0 : i32
      %dma_start3A_132 = tpu.memref_slice %arg11[%dma_start3A_130, %dma_start3A_131] : memref<10008x64xf32, #tpu.memory_space<vmem_shared>> -> memref<10008x64xf32, #tpu.memory_space<vmem_shared>>
      tpu.enqueue_indirect_dma source(%arg9 : memref<128x64xf32, #tpu.memory_space<vmem>>) target(%dma_start3A_132 : memref<10008x64xf32, #tpu.memory_space<vmem_shared>>) offsets(%dma_start3A_129 : memref<128xi32, #tpu.memory_space<vmem>>) semaphore(%run_scoped3A_126 : memref<!tpu.dma_semaphore, #tpu.memory_space<semaphore_mem>>) {add = true}
      %dma_wait3A_133 = arith.constant 0 : i32
      %dma_wait3A_134 = tpu.memref_slice %arg7[%run_scoped3A_60, %dma_wait3A_133] : memref<40x128xi32, #tpu.memory_space<vmem>> -> memref<1x128xi32, #tpu.memory_space<vmem>>
      %dma_wait3A_135 = tpu.memref_squeeze %dma_wait3A_134 : memref<1x128xi32, #tpu.memory_space<vmem>> -> memref<128xi32, #tpu.memory_space<vmem>>
      %dma_wait3A_136 = arith.constant 0 : i32
      %dma_wait3A_137 = arith.constant 0 : i32
      %dma_wait3A_138 = tpu.memref_slice %arg11[%dma_wait3A_136, %dma_wait3A_137] : memref<10008x64xf32, #tpu.memory_space<vmem_shared>> -> memref<10008x64xf32, #tpu.memory_space<vmem_shared>>
      tpu.wait_indirect_dma semaphore(%run_scoped3A_126 : memref<!tpu.dma_semaphore, #tpu.memory_space<semaphore_mem>>) src(%arg9 : memref<128x64xf32, #tpu.memory_space<vmem>>) dst(%dma_wait3A_138 : memref<10008x64xf32, #tpu.memory_space<vmem_shared>>)
      tpu.yield
    }) : () -> ()
    %add3A_61 = arith.constant 40 : i32
    %add3A_62 = arith.addi %mul3A_2, %add3A_61 : i32
    "tpu.region"() ({
      %run_scoped3A_126 = tpu.sem_alloc : memref<!tpu.dma_semaphore, #tpu.memory_space<semaphore_mem>>
      %dma_start3A_127 = arith.constant 0 : i32
      %dma_start3A_128 = tpu.memref_slice %arg3[%add3A_62, %dma_start3A_127] : memref<2560x128xi32, #tpu.memory_space<hbm>> -> memref<40x128xi32, #tpu.memory_space<hbm>>
      %dma_start3A_129 = arith.constant 0 : i32
      %dma_start3A_130 = tpu.memref_slice %arg3[%add3A_62, %dma_start3A_129] : memref<2560x128xi32, #tpu.memory_space<hbm>> -> memref<40x128xi32, #tpu.memory_space<hbm>>
      tpu.enqueue_dma source(%dma_start3A_130 : memref<40x128xi32, #tpu.memory_space<hbm>>) target(%arg6 : memref<40x128xi32, #tpu.memory_space<vmem>>) target_semaphore(%run_scoped3A_126 : memref<!tpu.dma_semaphore, #tpu.memory_space<semaphore_mem>>)
      %dma_wait3A_131 = arith.constant 0 : i32
      %dma_wait3A_132 = tpu.memref_slice %arg3[%add3A_62, %dma_wait3A_131] : memref<2560x128xi32, #tpu.memory_space<hbm>> -> memref<40x128xi32, #tpu.memory_space<hbm>>
      %dma_wait3A_133 = arith.constant 0 : i32
      %dma_wait3A_134 = tpu.memref_slice %arg3[%add3A_62, %dma_wait3A_133] : memref<2560x128xi32, #tpu.memory_space<hbm>> -> memref<40x128xi32, #tpu.memory_space<hbm>>
      tpu.wait_dma2 semaphore(%run_scoped3A_126 : memref<!tpu.dma_semaphore, #tpu.memory_space<semaphore_mem>>) src(%dma_wait3A_134 : memref<40x128xi32, #tpu.memory_space<hbm>>) dst(%arg6 : memref<40x128xi32, #tpu.memory_space<vmem>>)
      tpu.yield
    }) : () -> ()
    %add3A_63 = arith.constant 40 : i32
    %add3A_64 = arith.addi %mul3A_2, %add3A_63 : i32
    "tpu.region"() ({
      %run_scoped3A_126 = tpu.sem_alloc : memref<!tpu.dma_semaphore, #tpu.memory_space<semaphore_mem>>
      %dma_start3A_127 = arith.constant 0 : i32
      %dma_start3A_128 = tpu.memref_slice %arg4[%add3A_64, %dma_start3A_127] : memref<2560x128xi32, #tpu.memory_space<hbm>> -> memref<40x128xi32, #tpu.memory_space<hbm>>
      %dma_start3A_129 = arith.constant 0 : i32
      %dma_start3A_130 = tpu.memref_slice %arg4[%add3A_64, %dma_start3A_129] : memref<2560x128xi32, #tpu.memory_space<hbm>> -> memref<40x128xi32, #tpu.memory_space<hbm>>
      tpu.enqueue_dma source(%dma_start3A_130 : memref<40x128xi32, #tpu.memory_space<hbm>>) target(%arg7 : memref<40x128xi32, #tpu.memory_space<vmem>>) target_semaphore(%run_scoped3A_126 : memref<!tpu.dma_semaphore, #tpu.memory_space<semaphore_mem>>)
      %dma_wait3A_131 = arith.constant 0 : i32
      %dma_wait3A_132 = tpu.memref_slice %arg4[%add3A_64, %dma_wait3A_131] : memref<2560x128xi32, #tpu.memory_space<hbm>> -> memref<40x128xi32, #tpu.memory_space<hbm>>
      %dma_wait3A_133 = arith.constant 0 : i32
      %dma_wait3A_134 = tpu.memref_slice %arg4[%add3A_64, %dma_wait3A_133] : memref<2560x128xi32, #tpu.memory_space<hbm>> -> memref<40x128xi32, #tpu.memory_space<hbm>>
      tpu.wait_dma2 semaphore(%run_scoped3A_126 : memref<!tpu.dma_semaphore, #tpu.memory_space<semaphore_mem>>) src(%dma_wait3A_134 : memref<40x128xi32, #tpu.memory_space<hbm>>) dst(%arg7 : memref<40x128xi32, #tpu.memory_space<vmem>>)
      tpu.yield
    }) : () -> ()
    %dma_start3A_65 = arith.constant 0 : i32
    %dma_start3A_66 = arith.constant 0 : i32
    %dma_start3A_67 = tpu.memref_slice %arg6[%dma_start3A_65, %dma_start3A_66] : memref<40x128xi32, #tpu.memory_space<vmem>> -> memref<1x128xi32, #tpu.memory_space<vmem>>
    %dma_start3A_68 = tpu.memref_squeeze %dma_start3A_67 : memref<1x128xi32, #tpu.memory_space<vmem>> -> memref<128xi32, #tpu.memory_space<vmem>>
    %dma_start3A_69 = arith.constant 0 : i32
    %dma_start3A_70 = arith.constant 0 : i32
    %dma_start3A_71 = tpu.memref_slice %arg2[%dma_start3A_69, %dma_start3A_70] : memref<10008x64xf32, #tpu.memory_space<hbm>> -> memref<10008x64xf32, #tpu.memory_space<hbm>>
    tpu.enqueue_indirect_dma source(%dma_start3A_71 : memref<10008x64xf32, #tpu.memory_space<hbm>>) target(%arg8 : memref<128x64xf32, #tpu.memory_space<vmem>>) offsets(%dma_start3A_68 : memref<128xi32, #tpu.memory_space<vmem>>) semaphore(%arg12 : memref<!tpu.dma_semaphore, #tpu.memory_space<semaphore_mem>>)
    %scan3A_72 = arith.constant 0 : i32
    %scan3A_73 = arith.constant 19 : i32
    %scan3A_74 = arith.addi %scan3A_72, %scan3A_73 : i32
    %scan3A_75 = arith.constant 1 : i32
    scf.for %scan3A_126 = %scan3A_72 to %scan3A_74 step %scan3A_75  : i32 {
      %mul3A_127 = arith.constant 1 : i32
      %mul3A_128 = arith.muli %scan3A_126, %mul3A_127 : i32
      %add3A_129 = arith.constant 0 : i32
      %add3A_130 = arith.addi %add3A_129, %mul3A_128 : i32
      %mul3A_131 = arith.constant 2 : i32
      %mul3A_132 = arith.muli %mul3A_131, %add3A_130 : i32
      %add3A_133 = arith.constant 1 : i32
      %add3A_134 = arith.addi %mul3A_132, %add3A_133 : i32
      %dma_start3A_135 = arith.constant 0 : i32
      %dma_start3A_136 = tpu.memref_slice %arg6[%add3A_134, %dma_start3A_135] : memref<40x128xi32, #tpu.memory_space<vmem>> -> memref<1x128xi32, #tpu.memory_space<vmem>>
      %dma_start3A_137 = tpu.memref_squeeze %dma_start3A_136 : memref<1x128xi32, #tpu.memory_space<vmem>> -> memref<128xi32, #tpu.memory_space<vmem>>
      %dma_start3A_138 = arith.constant 0 : i32
      %dma_start3A_139 = arith.constant 0 : i32
      %dma_start3A_140 = tpu.memref_slice %arg2[%dma_start3A_138, %dma_start3A_139] : memref<10008x64xf32, #tpu.memory_space<hbm>> -> memref<10008x64xf32, #tpu.memory_space<hbm>>
      tpu.enqueue_indirect_dma source(%dma_start3A_140 : memref<10008x64xf32, #tpu.memory_space<hbm>>) target(%arg9 : memref<128x64xf32, #tpu.memory_space<vmem>>) offsets(%dma_start3A_137 : memref<128xi32, #tpu.memory_space<vmem>>) semaphore(%arg13 : memref<!tpu.dma_semaphore, #tpu.memory_space<semaphore_mem>>)
      %dma_wait3A_141 = arith.constant 0 : i32
      %dma_wait3A_142 = tpu.memref_slice %arg6[%mul3A_132, %dma_wait3A_141] : memref<40x128xi32, #tpu.memory_space<vmem>> -> memref<1x128xi32, #tpu.memory_space<vmem>>
      %dma_wait3A_143 = tpu.memref_squeeze %dma_wait3A_142 : memref<1x128xi32, #tpu.memory_space<vmem>> -> memref<128xi32, #tpu.memory_space<vmem>>
      %dma_wait3A_144 = arith.constant 0 : i32
      %dma_wait3A_145 = arith.constant 0 : i32
      %dma_wait3A_146 = tpu.memref_slice %arg2[%dma_wait3A_144, %dma_wait3A_145] : memref<10008x64xf32, #tpu.memory_space<hbm>> -> memref<10008x64xf32, #tpu.memory_space<hbm>>
      tpu.wait_indirect_dma semaphore(%arg12 : memref<!tpu.dma_semaphore, #tpu.memory_space<semaphore_mem>>) src(%dma_wait3A_146 : memref<10008x64xf32, #tpu.memory_space<hbm>>) dst(%arg8 : memref<128x64xf32, #tpu.memory_space<vmem>>)
      "tpu.region"() ({
        %run_scoped3A_165 = tpu.sem_alloc : memref<!tpu.dma_semaphore, #tpu.memory_space<semaphore_mem>>
        %dma_start3A_166 = arith.constant 0 : i32
        %dma_start3A_167 = tpu.memref_slice %arg7[%mul3A_132, %dma_start3A_166] : memref<40x128xi32, #tpu.memory_space<vmem>> -> memref<1x128xi32, #tpu.memory_space<vmem>>
        %dma_start3A_168 = tpu.memref_squeeze %dma_start3A_167 : memref<1x128xi32, #tpu.memory_space<vmem>> -> memref<128xi32, #tpu.memory_space<vmem>>
        %dma_start3A_169 = arith.constant 0 : i32
        %dma_start3A_170 = arith.constant 0 : i32
        %dma_start3A_171 = tpu.memref_slice %arg11[%dma_start3A_169, %dma_start3A_170] : memref<10008x64xf32, #tpu.memory_space<vmem_shared>> -> memref<10008x64xf32, #tpu.memory_space<vmem_shared>>
        tpu.enqueue_indirect_dma source(%arg8 : memref<128x64xf32, #tpu.memory_space<vmem>>) target(%dma_start3A_171 : memref<10008x64xf32, #tpu.memory_space<vmem_shared>>) offsets(%dma_start3A_168 : memref<128xi32, #tpu.memory_space<vmem>>) semaphore(%run_scoped3A_165 : memref<!tpu.dma_semaphore, #tpu.memory_space<semaphore_mem>>) {add = true}
        %dma_wait3A_172 = arith.constant 0 : i32
        %dma_wait3A_173 = tpu.memref_slice %arg7[%mul3A_132, %dma_wait3A_172] : memref<40x128xi32, #tpu.memory_space<vmem>> -> memref<1x128xi32, #tpu.memory_space<vmem>>
        %dma_wait3A_174 = tpu.memref_squeeze %dma_wait3A_173 : memref<1x128xi32, #tpu.memory_space<vmem>> -> memref<128xi32, #tpu.memory_space<vmem>>
        %dma_wait3A_175 = arith.constant 0 : i32
        %dma_wait3A_176 = arith.constant 0 : i32
        %dma_wait3A_177 = tpu.memref_slice %arg11[%dma_wait3A_175, %dma_wait3A_176] : memref<10008x64xf32, #tpu.memory_space<vmem_shared>> -> memref<10008x64xf32, #tpu.memory_space<vmem_shared>>
        tpu.wait_indirect_dma semaphore(%run_scoped3A_165 : memref<!tpu.dma_semaphore, #tpu.memory_space<semaphore_mem>>) src(%arg8 : memref<128x64xf32, #tpu.memory_space<vmem>>) dst(%dma_wait3A_177 : memref<10008x64xf32, #tpu.memory_space<vmem_shared>>)
        tpu.yield
      }) : () -> ()
      %add3A_147 = arith.constant 2 : i32
      %add3A_148 = arith.addi %mul3A_132, %add3A_147 : i32
      %dma_start3A_149 = arith.constant 0 : i32
      %dma_start3A_150 = tpu.memref_slice %arg6[%add3A_148, %dma_start3A_149] : memref<40x128xi32, #tpu.memory_space<vmem>> -> memref<1x128xi32, #tpu.memory_space<vmem>>
      %dma_start3A_151 = tpu.memref_squeeze %dma_start3A_150 : memref<1x128xi32, #tpu.memory_space<vmem>> -> memref<128xi32, #tpu.memory_space<vmem>>
      %dma_start3A_152 = arith.constant 0 : i32
      %dma_start3A_153 = arith.constant 0 : i32
      %dma_start3A_154 = tpu.memref_slice %arg2[%dma_start3A_152, %dma_start3A_153] : memref<10008x64xf32, #tpu.memory_space<hbm>> -> memref<10008x64xf32, #tpu.memory_space<hbm>>
      tpu.enqueue_indirect_dma source(%dma_start3A_154 : memref<10008x64xf32, #tpu.memory_space<hbm>>) target(%arg8 : memref<128x64xf32, #tpu.memory_space<vmem>>) offsets(%dma_start3A_151 : memref<128xi32, #tpu.memory_space<vmem>>) semaphore(%arg12 : memref<!tpu.dma_semaphore, #tpu.memory_space<semaphore_mem>>)
      %add3A_155 = arith.constant 1 : i32
      %add3A_156 = arith.addi %mul3A_132, %add3A_155 : i32
      %dma_wait3A_157 = arith.constant 0 : i32
      %dma_wait3A_158 = tpu.memref_slice %arg6[%add3A_156, %dma_wait3A_157] : memref<40x128xi32, #tpu.memory_space<vmem>> -> memref<1x128xi32, #tpu.memory_space<vmem>>
      %dma_wait3A_159 = tpu.memref_squeeze %dma_wait3A_158 : memref<1x128xi32, #tpu.memory_space<vmem>> -> memref<128xi32, #tpu.memory_space<vmem>>
      %dma_wait3A_160 = arith.constant 0 : i32
      %dma_wait3A_161 = arith.constant 0 : i32
      %dma_wait3A_162 = tpu.memref_slice %arg2[%dma_wait3A_160, %dma_wait3A_161] : memref<10008x64xf32, #tpu.memory_space<hbm>> -> memref<10008x64xf32, #tpu.memory_space<hbm>>
      tpu.wait_indirect_dma semaphore(%arg13 : memref<!tpu.dma_semaphore, #tpu.memory_space<semaphore_mem>>) src(%dma_wait3A_162 : memref<10008x64xf32, #tpu.memory_space<hbm>>) dst(%arg9 : memref<128x64xf32, #tpu.memory_space<vmem>>)
      %add3A_163 = arith.constant 1 : i32
      %add3A_164 = arith.addi %mul3A_132, %add3A_163 : i32
      "tpu.region"() ({
        %run_scoped3A_165 = tpu.sem_alloc : memref<!tpu.dma_semaphore, #tpu.memory_space<semaphore_mem>>
        %dma_start3A_166 = arith.constant 0 : i32
        %dma_start3A_167 = tpu.memref_slice %arg7[%add3A_164, %dma_start3A_166] : memref<40x128xi32, #tpu.memory_space<vmem>> -> memref<1x128xi32, #tpu.memory_space<vmem>>
        %dma_start3A_168 = tpu.memref_squeeze %dma_start3A_167 : memref<1x128xi32, #tpu.memory_space<vmem>> -> memref<128xi32, #tpu.memory_space<vmem>>
        %dma_start3A_169 = arith.constant 0 : i32
        %dma_start3A_170 = arith.constant 0 : i32
        %dma_start3A_171 = tpu.memref_slice %arg11[%dma_start3A_169, %dma_start3A_170] : memref<10008x64xf32, #tpu.memory_space<vmem_shared>> -> memref<10008x64xf32, #tpu.memory_space<vmem_shared>>
        tpu.enqueue_indirect_dma source(%arg9 : memref<128x64xf32, #tpu.memory_space<vmem>>) target(%dma_start3A_171 : memref<10008x64xf32, #tpu.memory_space<vmem_shared>>) offsets(%dma_start3A_168 : memref<128xi32, #tpu.memory_space<vmem>>) semaphore(%run_scoped3A_165 : memref<!tpu.dma_semaphore, #tpu.memory_space<semaphore_mem>>) {add = true}
        %dma_wait3A_172 = arith.constant 0 : i32
        %dma_wait3A_173 = tpu.memref_slice %arg7[%add3A_164, %dma_wait3A_172] : memref<40x128xi32, #tpu.memory_space<vmem>> -> memref<1x128xi32, #tpu.memory_space<vmem>>
        %dma_wait3A_174 = tpu.memref_squeeze %dma_wait3A_173 : memref<1x128xi32, #tpu.memory_space<vmem>> -> memref<128xi32, #tpu.memory_space<vmem>>
        %dma_wait3A_175 = arith.constant 0 : i32
        %dma_wait3A_176 = arith.constant 0 : i32
        %dma_wait3A_177 = tpu.memref_slice %arg11[%dma_wait3A_175, %dma_wait3A_176] : memref<10008x64xf32, #tpu.memory_space<vmem_shared>> -> memref<10008x64xf32, #tpu.memory_space<vmem_shared>>
        tpu.wait_indirect_dma semaphore(%run_scoped3A_165 : memref<!tpu.dma_semaphore, #tpu.memory_space<semaphore_mem>>) src(%arg9 : memref<128x64xf32, #tpu.memory_space<vmem>>) dst(%dma_wait3A_177 : memref<10008x64xf32, #tpu.memory_space<vmem_shared>>)
        tpu.yield
      }) : () -> ()
    }
    %scan3A_76 = arith.constant 19 : i32
    %dma_start3A_77 = arith.constant 39 : i32
    %dma_start3A_78 = arith.constant 0 : i32
    %dma_start3A_79 = tpu.memref_slice %arg6[%dma_start3A_77, %dma_start3A_78] : memref<40x128xi32, #tpu.memory_space<vmem>> -> memref<1x128xi32, #tpu.memory_space<vmem>>
    %dma_start3A_80 = tpu.memref_squeeze %dma_start3A_79 : memref<1x128xi32, #tpu.memory_space<vmem>> -> memref<128xi32, #tpu.memory_space<vmem>>
    %dma_start3A_81 = arith.constant 0 : i32
    %dma_start3A_82 = arith.constant 0 : i32
    %dma_start3A_83 = tpu.memref_slice %arg2[%dma_start3A_81, %dma_start3A_82] : memref<10008x64xf32, #tpu.memory_space<hbm>> -> memref<10008x64xf32, #tpu.memory_space<hbm>>
    tpu.enqueue_indirect_dma source(%dma_start3A_83 : memref<10008x64xf32, #tpu.memory_space<hbm>>) target(%arg9 : memref<128x64xf32, #tpu.memory_space<vmem>>) offsets(%dma_start3A_80 : memref<128xi32, #tpu.memory_space<vmem>>) semaphore(%arg13 : memref<!tpu.dma_semaphore, #tpu.memory_space<semaphore_mem>>)
    %dma_wait3A_84 = arith.constant 38 : i32
    %dma_wait3A_85 = arith.constant 0 : i32
    %dma_wait3A_86 = tpu.memref_slice %arg6[%dma_wait3A_84, %dma_wait3A_85] : memref<40x128xi32, #tpu.memory_space<vmem>> -> memref<1x128xi32, #tpu.memory_space<vmem>>
    %dma_wait3A_87 = tpu.memref_squeeze %dma_wait3A_86 : memref<1x128xi32, #tpu.memory_space<vmem>> -> memref<128xi32, #tpu.memory_space<vmem>>
    %dma_wait3A_88 = arith.constant 0 : i32
    %dma_wait3A_89 = arith.constant 0 : i32
    %dma_wait3A_90 = tpu.memref_slice %arg2[%dma_wait3A_88, %dma_wait3A_89] : memref<10008x64xf32, #tpu.memory_space<hbm>> -> memref<10008x64xf32, #tpu.memory_space<hbm>>
    tpu.wait_indirect_dma semaphore(%arg12 : memref<!tpu.dma_semaphore, #tpu.memory_space<semaphore_mem>>) src(%dma_wait3A_90 : memref<10008x64xf32, #tpu.memory_space<hbm>>) dst(%arg8 : memref<128x64xf32, #tpu.memory_space<vmem>>)
    %run_scoped3A_91 = arith.constant 38 : i32
    "tpu.region"() ({
      %run_scoped3A_126 = tpu.sem_alloc : memref<!tpu.dma_semaphore, #tpu.memory_space<semaphore_mem>>
      %dma_start3A_127 = arith.constant 0 : i32
      %dma_start3A_128 = tpu.memref_slice %arg7[%run_scoped3A_91, %dma_start3A_127] : memref<40x128xi32, #tpu.memory_space<vmem>> -> memref<1x128xi32, #tpu.memory_space<vmem>>
      %dma_start3A_129 = tpu.memref_squeeze %dma_start3A_128 : memref<1x128xi32, #tpu.memory_space<vmem>> -> memref<128xi32, #tpu.memory_space<vmem>>
      %dma_start3A_130 = arith.constant 0 : i32
      %dma_start3A_131 = arith.constant 0 : i32
      %dma_start3A_132 = tpu.memref_slice %arg11[%dma_start3A_130, %dma_start3A_131] : memref<10008x64xf32, #tpu.memory_space<vmem_shared>> -> memref<10008x64xf32, #tpu.memory_space<vmem_shared>>
      tpu.enqueue_indirect_dma source(%arg8 : memref<128x64xf32, #tpu.memory_space<vmem>>) target(%dma_start3A_132 : memref<10008x64xf32, #tpu.memory_space<vmem_shared>>) offsets(%dma_start3A_129 : memref<128xi32, #tpu.memory_space<vmem>>) semaphore(%run_scoped3A_126 : memref<!tpu.dma_semaphore, #tpu.memory_space<semaphore_mem>>) {add = true}
      %dma_wait3A_133 = arith.constant 0 : i32
      %dma_wait3A_134 = tpu.memref_slice %arg7[%run_scoped3A_91, %dma_wait3A_133] : memref<40x128xi32, #tpu.memory_space<vmem>> -> memref<1x128xi32, #tpu.memory_space<vmem>>
      %dma_wait3A_135 = tpu.memref_squeeze %dma_wait3A_134 : memref<1x128xi32, #tpu.memory_space<vmem>> -> memref<128xi32, #tpu.memory_space<vmem>>
      %dma_wait3A_136 = arith.constant 0 : i32
      %dma_wait3A_137 = arith.constant 0 : i32
      %dma_wait3A_138 = tpu.memref_slice %arg11[%dma_wait3A_136, %dma_wait3A_137] : memref<10008x64xf32, #tpu.memory_space<vmem_shared>> -> memref<10008x64xf32, #tpu.memory_space<vmem_shared>>
      tpu.wait_indirect_dma semaphore(%run_scoped3A_126 : memref<!tpu.dma_semaphore, #tpu.memory_space<semaphore_mem>>) src(%arg8 : memref<128x64xf32, #tpu.memory_space<vmem>>) dst(%dma_wait3A_138 : memref<10008x64xf32, #tpu.memory_space<vmem_shared>>)
      tpu.yield
    }) : () -> ()
    %dma_wait3A_92 = arith.constant 39 : i32
    %dma_wait3A_93 = arith.constant 0 : i32
    %dma_wait3A_94 = tpu.memref_slice %arg6[%dma_wait3A_92, %dma_wait3A_93] : memref<40x128xi32, #tpu.memory_space<vmem>> -> memref<1x128xi32, #tpu.memory_space<vmem>>
    %dma_wait3A_95 = tpu.memref_squeeze %dma_wait3A_94 : memref<1x128xi32, #tpu.memory_space<vmem>> -> memref<128xi32, #tpu.memory_space<vmem>>
    %dma_wait3A_96 = arith.constant 0 : i32
    %dma_wait3A_97 = arith.constant 0 : i32
    %dma_wait3A_98 = tpu.memref_slice %arg2[%dma_wait3A_96, %dma_wait3A_97] : memref<10008x64xf32, #tpu.memory_space<hbm>> -> memref<10008x64xf32, #tpu.memory_space<hbm>>
    tpu.wait_indirect_dma semaphore(%arg13 : memref<!tpu.dma_semaphore, #tpu.memory_space<semaphore_mem>>) src(%dma_wait3A_98 : memref<10008x64xf32, #tpu.memory_space<hbm>>) dst(%arg9 : memref<128x64xf32, #tpu.memory_space<vmem>>)
    %run_scoped3A_99 = arith.constant 39 : i32
    "tpu.region"() ({
      %run_scoped3A_126 = tpu.sem_alloc : memref<!tpu.dma_semaphore, #tpu.memory_space<semaphore_mem>>
      %dma_start3A_127 = arith.constant 0 : i32
      %dma_start3A_128 = tpu.memref_slice %arg7[%run_scoped3A_99, %dma_start3A_127] : memref<40x128xi32, #tpu.memory_space<vmem>> -> memref<1x128xi32, #tpu.memory_space<vmem>>
      %dma_start3A_129 = tpu.memref_squeeze %dma_start3A_128 : memref<1x128xi32, #tpu.memory_space<vmem>> -> memref<128xi32, #tpu.memory_space<vmem>>
      %dma_start3A_130 = arith.constant 0 : i32
      %dma_start3A_131 = arith.constant 0 : i32
      %dma_start3A_132 = tpu.memref_slice %arg11[%dma_start3A_130, %dma_start3A_131] : memref<10008x64xf32, #tpu.memory_space<vmem_shared>> -> memref<10008x64xf32, #tpu.memory_space<vmem_shared>>
      tpu.enqueue_indirect_dma source(%arg9 : memref<128x64xf32, #tpu.memory_space<vmem>>) target(%dma_start3A_132 : memref<10008x64xf32, #tpu.memory_space<vmem_shared>>) offsets(%dma_start3A_129 : memref<128xi32, #tpu.memory_space<vmem>>) semaphore(%run_scoped3A_126 : memref<!tpu.dma_semaphore, #tpu.memory_space<semaphore_mem>>) {add = true}
      %dma_wait3A_133 = arith.constant 0 : i32
      %dma_wait3A_134 = tpu.memref_slice %arg7[%run_scoped3A_99, %dma_wait3A_133] : memref<40x128xi32, #tpu.memory_space<vmem>> -> memref<1x128xi32, #tpu.memory_space<vmem>>
      %dma_wait3A_135 = tpu.memref_squeeze %dma_wait3A_134 : memref<1x128xi32, #tpu.memory_space<vmem>> -> memref<128xi32, #tpu.memory_space<vmem>>
      %dma_wait3A_136 = arith.constant 0 : i32
      %dma_wait3A_137 = arith.constant 0 : i32
      %dma_wait3A_138 = tpu.memref_slice %arg11[%dma_wait3A_136, %dma_wait3A_137] : memref<10008x64xf32, #tpu.memory_space<vmem_shared>> -> memref<10008x64xf32, #tpu.memory_space<vmem_shared>>
      tpu.wait_indirect_dma semaphore(%run_scoped3A_126 : memref<!tpu.dma_semaphore, #tpu.memory_space<semaphore_mem>>) src(%arg9 : memref<128x64xf32, #tpu.memory_space<vmem>>) dst(%dma_wait3A_138 : memref<10008x64xf32, #tpu.memory_space<vmem_shared>>)
      tpu.yield
    }) : () -> ()
    %barrier3A_100 = arith.constant 0 : index
    tpu.barrier barrier_id(%barrier3A_100)
    %mul3A_101 = arith.constant 10008 : i32
    %mul3A_102 = arith.muli %arg0, %mul3A_101 : i32
    %sub3A_103 = arith.constant 78 : i32
    %sub3A_104 = arith.subi %sub3A_103, %arg1 : i32
    %sub3A_105 = arith.constant 16 : i32
    %sub3A_106 = arith.constant 1 : i32
    %sub3A_107 = arith.subi %sub3A_105, %sub3A_106 : i32
    %add3A_108 = arith.addi %sub3A_104, %sub3A_107 : i32
    %div3A_109 = arith.constant 16 : i32
    %div3A_110 = arith.divsi %add3A_108, %div3A_109 : i32
    %while3A_111 = arith.constant 16 : i32
    %while3A_112 = arith.constant 0 : i32
    %while3A_113 = arith.subi %div3A_110, %while3A_112 : i32
    %while3A_114 = arith.addi %while3A_112, %while3A_113 : i32
    %while3A_115 = arith.constant 1 : i32
    %while3A_116 = arith.divsi %while3A_113, %while3A_115 : i32
    %while3A_117 = arith.muli %while3A_116, %while3A_115 : i32
    %while3A_118 = arith.addi %while3A_112, %while3A_117 : i32
    %while3A_119 = arith.constant 1 : i32
    scf.for %while3A_126 = %while3A_112 to %while3A_118 step %while3A_119  : i32 {
      %mul3A_127 = arith.muli %while3A_126, %while3A_111 : i32
      %add3A_128 = arith.addi %arg1, %mul3A_127 : i32
      %mul3A_129 = arith.constant 128 : i32
      %mul3A_130 = arith.muli %add3A_128, %mul3A_129 : i32
      %mul3A_131 = arith.constant 128 : i32
      %mul3A_132 = arith.muli %add3A_128, %mul3A_131 : i32
      %add3A_133 = arith.addi %mul3A_102, %mul3A_132 : i32
      "tpu.region"() ({
        %run_scoped3A_134 = tpu.sem_alloc : memref<!tpu.dma_semaphore, #tpu.memory_space<semaphore_mem>>
        %dma_start3A_135 = arith.constant 0 : i32
        %dma_start3A_136 = tpu.memref_slice %arg5[%add3A_133, %dma_start3A_135] : memref<20016x64xf32, #tpu.memory_space<hbm>> -> memref<128x64xf32, #tpu.memory_space<hbm>>
        %dma_start3A_137 = arith.constant 0 : i32
        %dma_start3A_138 = tpu.memref_slice %arg11[%mul3A_130, %dma_start3A_137] : memref<10008x64xf32, #tpu.memory_space<vmem_shared>> -> memref<128x64xf32, #tpu.memory_space<vmem_shared>>
        tpu.enqueue_dma source(%dma_start3A_138 : memref<128x64xf32, #tpu.memory_space<vmem_shared>>) target(%dma_start3A_136 : memref<128x64xf32, #tpu.memory_space<hbm>>) target_semaphore(%run_scoped3A_134 : memref<!tpu.dma_semaphore, #tpu.memory_space<semaphore_mem>>)
        %dma_wait3A_139 = arith.constant 0 : i32
        %dma_wait3A_140 = tpu.memref_slice %arg5[%add3A_133, %dma_wait3A_139] : memref<20016x64xf32, #tpu.memory_space<hbm>> -> memref<128x64xf32, #tpu.memory_space<hbm>>
        %dma_wait3A_141 = arith.constant 0 : i32
        %dma_wait3A_142 = tpu.memref_slice %arg11[%mul3A_130, %dma_wait3A_141] : memref<10008x64xf32, #tpu.memory_space<vmem_shared>> -> memref<128x64xf32, #tpu.memory_space<vmem_shared>>
        tpu.wait_dma2 semaphore(%run_scoped3A_134 : memref<!tpu.dma_semaphore, #tpu.memory_space<semaphore_mem>>) src(%dma_wait3A_142 : memref<128x64xf32, #tpu.memory_space<vmem_shared>>) dst(%dma_wait3A_140 : memref<128x64xf32, #tpu.memory_space<hbm>>)
        tpu.yield
      }) : () -> ()
    }
    %while3A_120 = arith.constant 1 : i32
    scf.for %while3A_126 = %while3A_118 to %while3A_114 step %while3A_120  : i32 {
      %mul3A_127 = arith.muli %while3A_126, %while3A_111 : i32
      %add3A_128 = arith.addi %arg1, %mul3A_127 : i32
      %mul3A_129 = arith.constant 128 : i32
      %mul3A_130 = arith.muli %add3A_128, %mul3A_129 : i32
      %mul3A_131 = arith.constant 128 : i32
      %mul3A_132 = arith.muli %add3A_128, %mul3A_131 : i32
      %add3A_133 = arith.addi %mul3A_102, %mul3A_132 : i32
      "tpu.region"() ({
        %run_scoped3A_134 = tpu.sem_alloc : memref<!tpu.dma_semaphore, #tpu.memory_space<semaphore_mem>>
        %dma_start3A_135 = arith.constant 0 : i32
        %dma_start3A_136 = tpu.memref_slice %arg5[%add3A_133, %dma_start3A_135] : memref<20016x64xf32, #tpu.memory_space<hbm>> -> memref<128x64xf32, #tpu.memory_space<hbm>>
        %dma_start3A_137 = arith.constant 0 : i32
        %dma_start3A_138 = tpu.memref_slice %arg11[%mul3A_130, %dma_start3A_137] : memref<10008x64xf32, #tpu.memory_space<vmem_shared>> -> memref<128x64xf32, #tpu.memory_space<vmem_shared>>
        tpu.enqueue_dma source(%dma_start3A_138 : memref<128x64xf32, #tpu.memory_space<vmem_shared>>) target(%dma_start3A_136 : memref<128x64xf32, #tpu.memory_space<hbm>>) target_semaphore(%run_scoped3A_134 : memref<!tpu.dma_semaphore, #tpu.memory_space<semaphore_mem>>)
        %dma_wait3A_139 = arith.constant 0 : i32
        %dma_wait3A_140 = tpu.memref_slice %arg5[%add3A_133, %dma_wait3A_139] : memref<20016x64xf32, #tpu.memory_space<hbm>> -> memref<128x64xf32, #tpu.memory_space<hbm>>
        %dma_wait3A_141 = arith.constant 0 : i32
        %dma_wait3A_142 = tpu.memref_slice %arg11[%mul3A_130, %dma_wait3A_141] : memref<10008x64xf32, #tpu.memory_space<vmem_shared>> -> memref<128x64xf32, #tpu.memory_space<vmem_shared>>
        tpu.wait_dma2 semaphore(%run_scoped3A_134 : memref<!tpu.dma_semaphore, #tpu.memory_space<semaphore_mem>>) src(%dma_wait3A_142 : memref<128x64xf32, #tpu.memory_space<vmem_shared>>) dst(%dma_wait3A_140 : memref<128x64xf32, #tpu.memory_space<hbm>>)
        tpu.yield
      }) : () -> ()
    }
    %eq3A_121 = arith.constant 0 : i32
    %eq3A_122 = arith.cmpi eq, %arg1, %eq3A_121 : i32
    %convert_element_type3A_123 = arith.extui %eq3A_122 : i1 to i32
    %cond3A_124 = arith.constant 0 : i32
    %cond3A_125 = arith.cmpi ne, %convert_element_type3A_123, %cond3A_124 : i32
    scf.if %cond3A_125 {
      %add3A_126 = arith.constant 9984 : i32
      %add3A_127 = arith.addi %mul3A_102, %add3A_126 : i32
      "tpu.region"() ({
        %run_scoped3A_128 = tpu.sem_alloc : memref<!tpu.dma_semaphore, #tpu.memory_space<semaphore_mem>>
        %dma_start3A_129 = arith.constant 0 : i32
        %dma_start3A_130 = tpu.memref_slice %arg5[%add3A_127, %dma_start3A_129] : memref<20016x64xf32, #tpu.memory_space<hbm>> -> memref<24x64xf32, #tpu.memory_space<hbm>>
        %dma_start3A_131 = arith.constant 9984 : i32
        %dma_start3A_132 = arith.constant 0 : i32
        %dma_start3A_133 = tpu.memref_slice %arg11[%dma_start3A_131, %dma_start3A_132] : memref<10008x64xf32, #tpu.memory_space<vmem_shared>> -> memref<24x64xf32, #tpu.memory_space<vmem_shared>>
        tpu.enqueue_dma source(%dma_start3A_133 : memref<24x64xf32, #tpu.memory_space<vmem_shared>>) target(%dma_start3A_130 : memref<24x64xf32, #tpu.memory_space<hbm>>) target_semaphore(%run_scoped3A_128 : memref<!tpu.dma_semaphore, #tpu.memory_space<semaphore_mem>>)
        %dma_wait3A_134 = arith.constant 0 : i32
        %dma_wait3A_135 = tpu.memref_slice %arg5[%add3A_127, %dma_wait3A_134] : memref<20016x64xf32, #tpu.memory_space<hbm>> -> memref<24x64xf32, #tpu.memory_space<hbm>>
        %dma_wait3A_136 = arith.constant 9984 : i32
        %dma_wait3A_137 = arith.constant 0 : i32
        %dma_wait3A_138 = tpu.memref_slice %arg11[%dma_wait3A_136, %dma_wait3A_137] : memref<10008x64xf32, #tpu.memory_space<vmem_shared>> -> memref<24x64xf32, #tpu.memory_space<vmem_shared>>
        tpu.wait_dma2 semaphore(%run_scoped3A_128 : memref<!tpu.dma_semaphore, #tpu.memory_space<semaphore_mem>>) src(%dma_wait3A_138 : memref<24x64xf32, #tpu.memory_space<vmem_shared>>) dst(%dma_wait3A_135 : memref<24x64xf32, #tpu.memory_space<hbm>>)
        tpu.yield
      }) : () -> ()
    } else {
    }
    return
  }
}

#map = affine_map<(d0, d1) -> (0, 0)>
module attributes {stable_mosaic.version = 14 : i64} {
  func.func @edge_kernel(%arg0: i32, %arg1: i32, %arg2: memref<10008x128xf32, #tpu.memory_space<hbm>>, %arg3: memref<2560x128xi32, #tpu.memory_space<hbm>>, %arg4: memref<2560x128xi32, #tpu.memory_space<hbm>>, %arg5: memref<20016x128xf32, #tpu.memory_space<hbm>>, %arg6: memref<40x128xi32, #tpu.memory_space<vmem>>, %arg7: memref<40x128xi32, #tpu.memory_space<vmem>>, %arg8: memref<128x128xf32, #tpu.memory_space<vmem>>, %arg9: memref<128x128xf32, #tpu.memory_space<vmem>>, %arg10: memref<32x128xf32, #tpu.memory_space<vmem>>, %arg11: memref<10008x128xf32, #tpu.memory_space<vmem_shared>>, %arg12: memref<!tpu.dma_semaphore, #tpu.memory_space<semaphore_mem>>, %arg13: memref<!tpu.dma_semaphore, #tpu.memory_space<semaphore_mem>>) attributes {dimension_semantics = [#tpu.dimension_semantics<core_parallel>, #tpu.dimension_semantics<subcore_parallel>], iteration_bounds = array<i64: 2, 16>, scalar_prefetch = 0 : i64, scratch_operands = 8 : i64, tpu.core_type = #tpu.core_type<sc_vector_subcore>, window_params = [{transform_indices = #map}, {transform_indices = #map}, {transform_indices = #map}, {transform_indices = #map}]} {
    %mul3A = arith.constant 2 : i32
    %mul3A_0 = arith.muli %arg1, %mul3A : i32
    %add3A = arith.addi %mul3A_0, %arg0 : i32
    %mul3A_1 = arith.constant 80 : i32
    %mul3A_2 = arith.muli %add3A, %mul3A_1 : i32
    %broadcast_in_dim3A = arith.constant 0.000000e+00 : f32
    %broadcast_in_dim3A_3 = vector.broadcast %broadcast_in_dim3A : f32 to vector<16xf32>
    %scan3A = arith.constant 0 : i32
    %scan3A_4 = arith.constant 32 : i32
    %scan3A_5 = arith.addi %scan3A, %scan3A_4 : i32
    %scan3A_6 = arith.constant 1 : i32
    scf.for %scan3A_126 = %scan3A to %scan3A_5 step %scan3A_6  : i32 {
      %mul3A_127 = arith.constant 1 : i32
      %mul3A_128 = arith.muli %scan3A_126, %mul3A_127 : i32
      %add3A_129 = arith.constant 0 : i32
      %add3A_130 = arith.addi %add3A_129, %mul3A_128 : i32
      %scan3A_131 = arith.constant 0 : i32
      %scan3A_132 = arith.constant 8 : i32
      %scan3A_133 = arith.addi %scan3A_131, %scan3A_132 : i32
      %scan3A_134 = arith.constant 1 : i32
      scf.for %scan3A_136 = %scan3A_131 to %scan3A_133 step %scan3A_134  : i32 {
        %mul3A_137 = arith.constant 16 : i32
        %mul3A_138 = arith.muli %scan3A_136, %mul3A_137 : i32
        %add3A_139 = arith.constant 0 : i32
        %add3A_140 = arith.addi %add3A_139, %mul3A_138 : i32
        %swap3A = arith.index_cast %add3A_130 : i32 to index
        %swap3A_141 = arith.index_cast %add3A_140 : i32 to index
        %swap3A_142 = tpu.vector_load %arg10[%swap3A, %swap3A_141] {strides = array<i32>} : memref<32x128xf32, #tpu.memory_space<vmem>>, vector<1x16xf32>,
        %swap3A_143 = vector.shape_cast %swap3A_142 : vector<1x16xf32> to vector<16xf32>
        %swap3A_144 = vector.shape_cast %broadcast_in_dim3A_3 : vector<16xf32> to vector<1x16xf32>
        tpu.vector_store %arg10[%swap3A, %swap3A_141], %swap3A_144 {strides = array<i32>} : memref<32x128xf32, #tpu.memory_space<vmem>>, vector<1x16xf32>,
      }
      %scan3A_135 = arith.constant 8 : i32
    }
    %scan3A_7 = arith.constant 32 : i32
    %sub3A = arith.constant 312 : i32
    %sub3A_8 = arith.subi %sub3A, %arg1 : i32
    %sub3A_9 = arith.constant 16 : i32
    %sub3A_10 = arith.constant 1 : i32
    %sub3A_11 = arith.subi %sub3A_9, %sub3A_10 : i32
    %add3A_12 = arith.addi %sub3A_8, %sub3A_11 : i32
    %div3A = arith.constant 16 : i32
    %div3A_13 = arith.divsi %add3A_12, %div3A : i32
    %while3A = arith.constant 16 : i32
    %while3A_14 = arith.constant 0 : i32
    %while3A_15 = arith.subi %div3A_13, %while3A_14 : i32
    %while3A_16 = arith.addi %while3A_14, %while3A_15 : i32
    %while3A_17 = arith.constant 1 : i32
    %while3A_18 = arith.divsi %while3A_15, %while3A_17 : i32
    %while3A_19 = arith.muli %while3A_18, %while3A_17 : i32
    %while3A_20 = arith.addi %while3A_14, %while3A_19 : i32
    %while3A_21 = arith.constant 1 : i32
    scf.for %while3A_126 = %while3A_14 to %while3A_20 step %while3A_21  : i32 {
      %mul3A_127 = arith.muli %while3A_126, %while3A : i32
      %add3A_128 = arith.addi %arg1, %mul3A_127 : i32
      %mul3A_129 = arith.constant 32 : i32
      %mul3A_130 = arith.muli %add3A_128, %mul3A_129 : i32
      "tpu.region"() ({
        %run_scoped3A_131 = tpu.sem_alloc : memref<!tpu.dma_semaphore, #tpu.memory_space<semaphore_mem>>
        %dma_start3A_132 = arith.constant 0 : i32
        %dma_start3A_133 = tpu.memref_slice %arg11[%mul3A_130, %dma_start3A_132] : memref<10008x128xf32, #tpu.memory_space<vmem_shared>> -> memref<32x128xf32, #tpu.memory_space<vmem_shared>>
        %dma_start3A_134 = arith.constant 0 : i32
        %dma_start3A_135 = tpu.memref_slice %arg11[%mul3A_130, %dma_start3A_134] : memref<10008x128xf32, #tpu.memory_space<vmem_shared>> -> memref<32x128xf32, #tpu.memory_space<vmem_shared>>
        tpu.enqueue_dma source(%arg10 : memref<32x128xf32, #tpu.memory_space<vmem>>) target(%dma_start3A_135 : memref<32x128xf32, #tpu.memory_space<vmem_shared>>) target_semaphore(%run_scoped3A_131 : memref<!tpu.dma_semaphore, #tpu.memory_space<semaphore_mem>>)
        %dma_wait3A_136 = arith.constant 0 : i32
        %dma_wait3A_137 = tpu.memref_slice %arg11[%mul3A_130, %dma_wait3A_136] : memref<10008x128xf32, #tpu.memory_space<vmem_shared>> -> memref<32x128xf32, #tpu.memory_space<vmem_shared>>
        %dma_wait3A_138 = arith.constant 0 : i32
        %dma_wait3A_139 = tpu.memref_slice %arg11[%mul3A_130, %dma_wait3A_138] : memref<10008x128xf32, #tpu.memory_space<vmem_shared>> -> memref<32x128xf32, #tpu.memory_space<vmem_shared>>
        tpu.wait_dma2 semaphore(%run_scoped3A_131 : memref<!tpu.dma_semaphore, #tpu.memory_space<semaphore_mem>>) src(%arg10 : memref<32x128xf32, #tpu.memory_space<vmem>>) dst(%dma_wait3A_139 : memref<32x128xf32, #tpu.memory_space<vmem_shared>>)
        tpu.yield
      }) : () -> ()
    }
    %while3A_22 = arith.constant 1 : i32
    scf.for %while3A_126 = %while3A_20 to %while3A_16 step %while3A_22  : i32 {
      %mul3A_127 = arith.muli %while3A_126, %while3A : i32
      %add3A_128 = arith.addi %arg1, %mul3A_127 : i32
      %mul3A_129 = arith.constant 32 : i32
      %mul3A_130 = arith.muli %add3A_128, %mul3A_129 : i32
      "tpu.region"() ({
        %run_scoped3A_131 = tpu.sem_alloc : memref<!tpu.dma_semaphore, #tpu.memory_space<semaphore_mem>>
        %dma_start3A_132 = arith.constant 0 : i32
        %dma_start3A_133 = tpu.memref_slice %arg11[%mul3A_130, %dma_start3A_132] : memref<10008x128xf32, #tpu.memory_space<vmem_shared>> -> memref<32x128xf32, #tpu.memory_space<vmem_shared>>
        %dma_start3A_134 = arith.constant 0 : i32
        %dma_start3A_135 = tpu.memref_slice %arg11[%mul3A_130, %dma_start3A_134] : memref<10008x128xf32, #tpu.memory_space<vmem_shared>> -> memref<32x128xf32, #tpu.memory_space<vmem_shared>>
        tpu.enqueue_dma source(%arg10 : memref<32x128xf32, #tpu.memory_space<vmem>>) target(%dma_start3A_135 : memref<32x128xf32, #tpu.memory_space<vmem_shared>>) target_semaphore(%run_scoped3A_131 : memref<!tpu.dma_semaphore, #tpu.memory_space<semaphore_mem>>)
        %dma_wait3A_136 = arith.constant 0 : i32
        %dma_wait3A_137 = tpu.memref_slice %arg11[%mul3A_130, %dma_wait3A_136] : memref<10008x128xf32, #tpu.memory_space<vmem_shared>> -> memref<32x128xf32, #tpu.memory_space<vmem_shared>>
        %dma_wait3A_138 = arith.constant 0 : i32
        %dma_wait3A_139 = tpu.memref_slice %arg11[%mul3A_130, %dma_wait3A_138] : memref<10008x128xf32, #tpu.memory_space<vmem_shared>> -> memref<32x128xf32, #tpu.memory_space<vmem_shared>>
        tpu.wait_dma2 semaphore(%run_scoped3A_131 : memref<!tpu.dma_semaphore, #tpu.memory_space<semaphore_mem>>) src(%arg10 : memref<32x128xf32, #tpu.memory_space<vmem>>) dst(%dma_wait3A_139 : memref<32x128xf32, #tpu.memory_space<vmem_shared>>)
        tpu.yield
      }) : () -> ()
    }
    %eq3A = arith.constant 0 : i32
    %eq3A_23 = arith.cmpi eq, %arg1, %eq3A : i32
    %convert_element_type3A = arith.extui %eq3A_23 : i1 to i32
    %cond3A = arith.constant 0 : i32
    %cond3A_24 = arith.cmpi ne, %convert_element_type3A, %cond3A : i32
    scf.if %cond3A_24 {
      "tpu.region"() ({
        %run_scoped3A_126 = tpu.sem_alloc : memref<!tpu.dma_semaphore, #tpu.memory_space<semaphore_mem>>
        %dma_start3A_127 = arith.constant 0 : i32
        %dma_start3A_128 = arith.constant 0 : i32
        %dma_start3A_129 = tpu.memref_slice %arg10[%dma_start3A_127, %dma_start3A_128] : memref<32x128xf32, #tpu.memory_space<vmem>> -> memref<24x128xf32, #tpu.memory_space<vmem>>
        %dma_start3A_130 = arith.constant 9984 : i32
        %dma_start3A_131 = arith.constant 0 : i32
        %dma_start3A_132 = tpu.memref_slice %arg11[%dma_start3A_130, %dma_start3A_131] : memref<10008x128xf32, #tpu.memory_space<vmem_shared>> -> memref<24x128xf32, #tpu.memory_space<vmem_shared>>
        %dma_start3A_133 = arith.constant 9984 : i32
        %dma_start3A_134 = arith.constant 0 : i32
        %dma_start3A_135 = tpu.memref_slice %arg11[%dma_start3A_133, %dma_start3A_134] : memref<10008x128xf32, #tpu.memory_space<vmem_shared>> -> memref<24x128xf32, #tpu.memory_space<vmem_shared>>
        %dma_start3A_136 = arith.constant 0 : i32
        %dma_start3A_137 = arith.constant 0 : i32
        %dma_start3A_138 = tpu.memref_slice %arg10[%dma_start3A_136, %dma_start3A_137] : memref<32x128xf32, #tpu.memory_space<vmem>> -> memref<24x128xf32, #tpu.memory_space<vmem>>
        tpu.enqueue_dma source(%dma_start3A_138 : memref<24x128xf32, #tpu.memory_space<vmem>>) target(%dma_start3A_135 : memref<24x128xf32, #tpu.memory_space<vmem_shared>>) target_semaphore(%run_scoped3A_126 : memref<!tpu.dma_semaphore, #tpu.memory_space<semaphore_mem>>)
        %dma_wait3A_139 = arith.constant 0 : i32
        %dma_wait3A_140 = arith.constant 0 : i32
        %dma_wait3A_141 = tpu.memref_slice %arg10[%dma_wait3A_139, %dma_wait3A_140] : memref<32x128xf32, #tpu.memory_space<vmem>> -> memref<24x128xf32, #tpu.memory_space<vmem>>
        %dma_wait3A_142 = arith.constant 9984 : i32
        %dma_wait3A_143 = arith.constant 0 : i32
        %dma_wait3A_144 = tpu.memref_slice %arg11[%dma_wait3A_142, %dma_wait3A_143] : memref<10008x128xf32, #tpu.memory_space<vmem_shared>> -> memref<24x128xf32, #tpu.memory_space<vmem_shared>>
        %dma_wait3A_145 = arith.constant 9984 : i32
        %dma_wait3A_146 = arith.constant 0 : i32
        %dma_wait3A_147 = tpu.memref_slice %arg11[%dma_wait3A_145, %dma_wait3A_146] : memref<10008x128xf32, #tpu.memory_space<vmem_shared>> -> memref<24x128xf32, #tpu.memory_space<vmem_shared>>
        %dma_wait3A_148 = arith.constant 0 : i32
        %dma_wait3A_149 = arith.constant 0 : i32
        %dma_wait3A_150 = tpu.memref_slice %arg10[%dma_wait3A_148, %dma_wait3A_149] : memref<32x128xf32, #tpu.memory_space<vmem>> -> memref<24x128xf32, #tpu.memory_space<vmem>>
        tpu.wait_dma2 semaphore(%run_scoped3A_126 : memref<!tpu.dma_semaphore, #tpu.memory_space<semaphore_mem>>) src(%dma_wait3A_150 : memref<24x128xf32, #tpu.memory_space<vmem>>) dst(%dma_wait3A_147 : memref<24x128xf32, #tpu.memory_space<vmem_shared>>)
        tpu.yield
      }) : () -> ()
    } else {
    }
    %add3A_25 = arith.constant 0 : i32
    %add3A_26 = arith.addi %mul3A_2, %add3A_25 : i32
    "tpu.region"() ({
      %run_scoped3A_126 = tpu.sem_alloc : memref<!tpu.dma_semaphore, #tpu.memory_space<semaphore_mem>>
      %dma_start3A_127 = arith.constant 0 : i32
      %dma_start3A_128 = tpu.memref_slice %arg3[%add3A_26, %dma_start3A_127] : memref<2560x128xi32, #tpu.memory_space<hbm>> -> memref<40x128xi32, #tpu.memory_space<hbm>>
      %dma_start3A_129 = arith.constant 0 : i32
      %dma_start3A_130 = tpu.memref_slice %arg3[%add3A_26, %dma_start3A_129] : memref<2560x128xi32, #tpu.memory_space<hbm>> -> memref<40x128xi32, #tpu.memory_space<hbm>>
      tpu.enqueue_dma source(%dma_start3A_130 : memref<40x128xi32, #tpu.memory_space<hbm>>) target(%arg6 : memref<40x128xi32, #tpu.memory_space<vmem>>) target_semaphore(%run_scoped3A_126 : memref<!tpu.dma_semaphore, #tpu.memory_space<semaphore_mem>>)
      %dma_wait3A_131 = arith.constant 0 : i32
      %dma_wait3A_132 = tpu.memref_slice %arg3[%add3A_26, %dma_wait3A_131] : memref<2560x128xi32, #tpu.memory_space<hbm>> -> memref<40x128xi32, #tpu.memory_space<hbm>>
      %dma_wait3A_133 = arith.constant 0 : i32
      %dma_wait3A_134 = tpu.memref_slice %arg3[%add3A_26, %dma_wait3A_133] : memref<2560x128xi32, #tpu.memory_space<hbm>> -> memref<40x128xi32, #tpu.memory_space<hbm>>
      tpu.wait_dma2 semaphore(%run_scoped3A_126 : memref<!tpu.dma_semaphore, #tpu.memory_space<semaphore_mem>>) src(%dma_wait3A_134 : memref<40x128xi32, #tpu.memory_space<hbm>>) dst(%arg6 : memref<40x128xi32, #tpu.memory_space<vmem>>)
      tpu.yield
    }) : () -> ()
    %add3A_27 = arith.constant 0 : i32
    %add3A_28 = arith.addi %mul3A_2, %add3A_27 : i32
    "tpu.region"() ({
      %run_scoped3A_126 = tpu.sem_alloc : memref<!tpu.dma_semaphore, #tpu.memory_space<semaphore_mem>>
      %dma_start3A_127 = arith.constant 0 : i32
      %dma_start3A_128 = tpu.memref_slice %arg4[%add3A_28, %dma_start3A_127] : memref<2560x128xi32, #tpu.memory_space<hbm>> -> memref<40x128xi32, #tpu.memory_space<hbm>>
      %dma_start3A_129 = arith.constant 0 : i32
      %dma_start3A_130 = tpu.memref_slice %arg4[%add3A_28, %dma_start3A_129] : memref<2560x128xi32, #tpu.memory_space<hbm>> -> memref<40x128xi32, #tpu.memory_space<hbm>>
      tpu.enqueue_dma source(%dma_start3A_130 : memref<40x128xi32, #tpu.memory_space<hbm>>) target(%arg7 : memref<40x128xi32, #tpu.memory_space<vmem>>) target_semaphore(%run_scoped3A_126 : memref<!tpu.dma_semaphore, #tpu.memory_space<semaphore_mem>>)
      %dma_wait3A_131 = arith.constant 0 : i32
      %dma_wait3A_132 = tpu.memref_slice %arg4[%add3A_28, %dma_wait3A_131] : memref<2560x128xi32, #tpu.memory_space<hbm>> -> memref<40x128xi32, #tpu.memory_space<hbm>>
      %dma_wait3A_133 = arith.constant 0 : i32
      %dma_wait3A_134 = tpu.memref_slice %arg4[%add3A_28, %dma_wait3A_133] : memref<2560x128xi32, #tpu.memory_space<hbm>> -> memref<40x128xi32, #tpu.memory_space<hbm>>
      tpu.wait_dma2 semaphore(%run_scoped3A_126 : memref<!tpu.dma_semaphore, #tpu.memory_space<semaphore_mem>>) src(%dma_wait3A_134 : memref<40x128xi32, #tpu.memory_space<hbm>>) dst(%arg7 : memref<40x128xi32, #tpu.memory_space<vmem>>)
      tpu.yield
    }) : () -> ()
    %barrier3A = arith.constant 0 : index
    tpu.barrier barrier_id(%barrier3A)
    %dma_start3A = arith.constant 0 : i32
    %dma_start3A_29 = arith.constant 0 : i32
    %dma_start3A_30 = tpu.memref_slice %arg6[%dma_start3A, %dma_start3A_29] : memref<40x128xi32, #tpu.memory_space<vmem>> -> memref<1x128xi32, #tpu.memory_space<vmem>>
    %dma_start3A_31 = tpu.memref_squeeze %dma_start3A_30 : memref<1x128xi32, #tpu.memory_space<vmem>> -> memref<128xi32, #tpu.memory_space<vmem>>
    %dma_start3A_32 = arith.constant 0 : i32
    %dma_start3A_33 = arith.constant 0 : i32
    %dma_start3A_34 = tpu.memref_slice %arg2[%dma_start3A_32, %dma_start3A_33] : memref<10008x128xf32, #tpu.memory_space<hbm>> -> memref<10008x128xf32, #tpu.memory_space<hbm>>
    tpu.enqueue_indirect_dma source(%dma_start3A_34 : memref<10008x128xf32, #tpu.memory_space<hbm>>) target(%arg8 : memref<128x128xf32, #tpu.memory_space<vmem>>) offsets(%dma_start3A_31 : memref<128xi32, #tpu.memory_space<vmem>>) semaphore(%arg12 : memref<!tpu.dma_semaphore, #tpu.memory_space<semaphore_mem>>)
    %scan3A_35 = arith.constant 0 : i32
    %scan3A_36 = arith.constant 19 : i32
    %scan3A_37 = arith.addi %scan3A_35, %scan3A_36 : i32
    %scan3A_38 = arith.constant 1 : i32
    scf.for %scan3A_126 = %scan3A_35 to %scan3A_37 step %scan3A_38  : i32 {
      %mul3A_127 = arith.constant 1 : i32
      %mul3A_128 = arith.muli %scan3A_126, %mul3A_127 : i32
      %add3A_129 = arith.constant 0 : i32
      %add3A_130 = arith.addi %add3A_129, %mul3A_128 : i32
      %mul3A_131 = arith.constant 2 : i32
      %mul3A_132 = arith.muli %mul3A_131, %add3A_130 : i32
      %add3A_133 = arith.constant 1 : i32
      %add3A_134 = arith.addi %mul3A_132, %add3A_133 : i32
      %dma_start3A_135 = arith.constant 0 : i32
      %dma_start3A_136 = tpu.memref_slice %arg6[%add3A_134, %dma_start3A_135] : memref<40x128xi32, #tpu.memory_space<vmem>> -> memref<1x128xi32, #tpu.memory_space<vmem>>
      %dma_start3A_137 = tpu.memref_squeeze %dma_start3A_136 : memref<1x128xi32, #tpu.memory_space<vmem>> -> memref<128xi32, #tpu.memory_space<vmem>>
      %dma_start3A_138 = arith.constant 0 : i32
      %dma_start3A_139 = arith.constant 0 : i32
      %dma_start3A_140 = tpu.memref_slice %arg2[%dma_start3A_138, %dma_start3A_139] : memref<10008x128xf32, #tpu.memory_space<hbm>> -> memref<10008x128xf32, #tpu.memory_space<hbm>>
      tpu.enqueue_indirect_dma source(%dma_start3A_140 : memref<10008x128xf32, #tpu.memory_space<hbm>>) target(%arg9 : memref<128x128xf32, #tpu.memory_space<vmem>>) offsets(%dma_start3A_137 : memref<128xi32, #tpu.memory_space<vmem>>) semaphore(%arg13 : memref<!tpu.dma_semaphore, #tpu.memory_space<semaphore_mem>>)
      %dma_wait3A_141 = arith.constant 0 : i32
      %dma_wait3A_142 = tpu.memref_slice %arg6[%mul3A_132, %dma_wait3A_141] : memref<40x128xi32, #tpu.memory_space<vmem>> -> memref<1x128xi32, #tpu.memory_space<vmem>>
      %dma_wait3A_143 = tpu.memref_squeeze %dma_wait3A_142 : memref<1x128xi32, #tpu.memory_space<vmem>> -> memref<128xi32, #tpu.memory_space<vmem>>
      %dma_wait3A_144 = arith.constant 0 : i32
      %dma_wait3A_145 = arith.constant 0 : i32
      %dma_wait3A_146 = tpu.memref_slice %arg2[%dma_wait3A_144, %dma_wait3A_145] : memref<10008x128xf32, #tpu.memory_space<hbm>> -> memref<10008x128xf32, #tpu.memory_space<hbm>>
      tpu.wait_indirect_dma semaphore(%arg12 : memref<!tpu.dma_semaphore, #tpu.memory_space<semaphore_mem>>) src(%dma_wait3A_146 : memref<10008x128xf32, #tpu.memory_space<hbm>>) dst(%arg8 : memref<128x128xf32, #tpu.memory_space<vmem>>)
      "tpu.region"() ({
        %run_scoped3A_165 = tpu.sem_alloc : memref<!tpu.dma_semaphore, #tpu.memory_space<semaphore_mem>>
        %dma_start3A_166 = arith.constant 0 : i32
        %dma_start3A_167 = tpu.memref_slice %arg7[%mul3A_132, %dma_start3A_166] : memref<40x128xi32, #tpu.memory_space<vmem>> -> memref<1x128xi32, #tpu.memory_space<vmem>>
        %dma_start3A_168 = tpu.memref_squeeze %dma_start3A_167 : memref<1x128xi32, #tpu.memory_space<vmem>> -> memref<128xi32, #tpu.memory_space<vmem>>
        %dma_start3A_169 = arith.constant 0 : i32
        %dma_start3A_170 = arith.constant 0 : i32
        %dma_start3A_171 = tpu.memref_slice %arg11[%dma_start3A_169, %dma_start3A_170] : memref<10008x128xf32, #tpu.memory_space<vmem_shared>> -> memref<10008x128xf32, #tpu.memory_space<vmem_shared>>
        tpu.enqueue_indirect_dma source(%arg8 : memref<128x128xf32, #tpu.memory_space<vmem>>) target(%dma_start3A_171 : memref<10008x128xf32, #tpu.memory_space<vmem_shared>>) offsets(%dma_start3A_168 : memref<128xi32, #tpu.memory_space<vmem>>) semaphore(%run_scoped3A_165 : memref<!tpu.dma_semaphore, #tpu.memory_space<semaphore_mem>>) {add = true}
        %dma_wait3A_172 = arith.constant 0 : i32
        %dma_wait3A_173 = tpu.memref_slice %arg7[%mul3A_132, %dma_wait3A_172] : memref<40x128xi32, #tpu.memory_space<vmem>> -> memref<1x128xi32, #tpu.memory_space<vmem>>
        %dma_wait3A_174 = tpu.memref_squeeze %dma_wait3A_173 : memref<1x128xi32, #tpu.memory_space<vmem>> -> memref<128xi32, #tpu.memory_space<vmem>>
        %dma_wait3A_175 = arith.constant 0 : i32
        %dma_wait3A_176 = arith.constant 0 : i32
        %dma_wait3A_177 = tpu.memref_slice %arg11[%dma_wait3A_175, %dma_wait3A_176] : memref<10008x128xf32, #tpu.memory_space<vmem_shared>> -> memref<10008x128xf32, #tpu.memory_space<vmem_shared>>
        tpu.wait_indirect_dma semaphore(%run_scoped3A_165 : memref<!tpu.dma_semaphore, #tpu.memory_space<semaphore_mem>>) src(%arg8 : memref<128x128xf32, #tpu.memory_space<vmem>>) dst(%dma_wait3A_177 : memref<10008x128xf32, #tpu.memory_space<vmem_shared>>)
        tpu.yield
      }) : () -> ()
      %add3A_147 = arith.constant 2 : i32
      %add3A_148 = arith.addi %mul3A_132, %add3A_147 : i32
      %dma_start3A_149 = arith.constant 0 : i32
      %dma_start3A_150 = tpu.memref_slice %arg6[%add3A_148, %dma_start3A_149] : memref<40x128xi32, #tpu.memory_space<vmem>> -> memref<1x128xi32, #tpu.memory_space<vmem>>
      %dma_start3A_151 = tpu.memref_squeeze %dma_start3A_150 : memref<1x128xi32, #tpu.memory_space<vmem>> -> memref<128xi32, #tpu.memory_space<vmem>>
      %dma_start3A_152 = arith.constant 0 : i32
      %dma_start3A_153 = arith.constant 0 : i32
      %dma_start3A_154 = tpu.memref_slice %arg2[%dma_start3A_152, %dma_start3A_153] : memref<10008x128xf32, #tpu.memory_space<hbm>> -> memref<10008x128xf32, #tpu.memory_space<hbm>>
      tpu.enqueue_indirect_dma source(%dma_start3A_154 : memref<10008x128xf32, #tpu.memory_space<hbm>>) target(%arg8 : memref<128x128xf32, #tpu.memory_space<vmem>>) offsets(%dma_start3A_151 : memref<128xi32, #tpu.memory_space<vmem>>) semaphore(%arg12 : memref<!tpu.dma_semaphore, #tpu.memory_space<semaphore_mem>>)
      %add3A_155 = arith.constant 1 : i32
      %add3A_156 = arith.addi %mul3A_132, %add3A_155 : i32
      %dma_wait3A_157 = arith.constant 0 : i32
      %dma_wait3A_158 = tpu.memref_slice %arg6[%add3A_156, %dma_wait3A_157] : memref<40x128xi32, #tpu.memory_space<vmem>> -> memref<1x128xi32, #tpu.memory_space<vmem>>
      %dma_wait3A_159 = tpu.memref_squeeze %dma_wait3A_158 : memref<1x128xi32, #tpu.memory_space<vmem>> -> memref<128xi32, #tpu.memory_space<vmem>>
      %dma_wait3A_160 = arith.constant 0 : i32
      %dma_wait3A_161 = arith.constant 0 : i32
      %dma_wait3A_162 = tpu.memref_slice %arg2[%dma_wait3A_160, %dma_wait3A_161] : memref<10008x128xf32, #tpu.memory_space<hbm>> -> memref<10008x128xf32, #tpu.memory_space<hbm>>
      tpu.wait_indirect_dma semaphore(%arg13 : memref<!tpu.dma_semaphore, #tpu.memory_space<semaphore_mem>>) src(%dma_wait3A_162 : memref<10008x128xf32, #tpu.memory_space<hbm>>) dst(%arg9 : memref<128x128xf32, #tpu.memory_space<vmem>>)
      %add3A_163 = arith.constant 1 : i32
      %add3A_164 = arith.addi %mul3A_132, %add3A_163 : i32
      "tpu.region"() ({
        %run_scoped3A_165 = tpu.sem_alloc : memref<!tpu.dma_semaphore, #tpu.memory_space<semaphore_mem>>
        %dma_start3A_166 = arith.constant 0 : i32
        %dma_start3A_167 = tpu.memref_slice %arg7[%add3A_164, %dma_start3A_166] : memref<40x128xi32, #tpu.memory_space<vmem>> -> memref<1x128xi32, #tpu.memory_space<vmem>>
        %dma_start3A_168 = tpu.memref_squeeze %dma_start3A_167 : memref<1x128xi32, #tpu.memory_space<vmem>> -> memref<128xi32, #tpu.memory_space<vmem>>
        %dma_start3A_169 = arith.constant 0 : i32
        %dma_start3A_170 = arith.constant 0 : i32
        %dma_start3A_171 = tpu.memref_slice %arg11[%dma_start3A_169, %dma_start3A_170] : memref<10008x128xf32, #tpu.memory_space<vmem_shared>> -> memref<10008x128xf32, #tpu.memory_space<vmem_shared>>
        tpu.enqueue_indirect_dma source(%arg9 : memref<128x128xf32, #tpu.memory_space<vmem>>) target(%dma_start3A_171 : memref<10008x128xf32, #tpu.memory_space<vmem_shared>>) offsets(%dma_start3A_168 : memref<128xi32, #tpu.memory_space<vmem>>) semaphore(%run_scoped3A_165 : memref<!tpu.dma_semaphore, #tpu.memory_space<semaphore_mem>>) {add = true}
        %dma_wait3A_172 = arith.constant 0 : i32
        %dma_wait3A_173 = tpu.memref_slice %arg7[%add3A_164, %dma_wait3A_172] : memref<40x128xi32, #tpu.memory_space<vmem>> -> memref<1x128xi32, #tpu.memory_space<vmem>>
        %dma_wait3A_174 = tpu.memref_squeeze %dma_wait3A_173 : memref<1x128xi32, #tpu.memory_space<vmem>> -> memref<128xi32, #tpu.memory_space<vmem>>
        %dma_wait3A_175 = arith.constant 0 : i32
        %dma_wait3A_176 = arith.constant 0 : i32
        %dma_wait3A_177 = tpu.memref_slice %arg11[%dma_wait3A_175, %dma_wait3A_176] : memref<10008x128xf32, #tpu.memory_space<vmem_shared>> -> memref<10008x128xf32, #tpu.memory_space<vmem_shared>>
        tpu.wait_indirect_dma semaphore(%run_scoped3A_165 : memref<!tpu.dma_semaphore, #tpu.memory_space<semaphore_mem>>) src(%arg9 : memref<128x128xf32, #tpu.memory_space<vmem>>) dst(%dma_wait3A_177 : memref<10008x128xf32, #tpu.memory_space<vmem_shared>>)
        tpu.yield
      }) : () -> ()
    }
    %scan3A_39 = arith.constant 19 : i32
    %dma_start3A_40 = arith.constant 39 : i32
    %dma_start3A_41 = arith.constant 0 : i32
    %dma_start3A_42 = tpu.memref_slice %arg6[%dma_start3A_40, %dma_start3A_41] : memref<40x128xi32, #tpu.memory_space<vmem>> -> memref<1x128xi32, #tpu.memory_space<vmem>>
    %dma_start3A_43 = tpu.memref_squeeze %dma_start3A_42 : memref<1x128xi32, #tpu.memory_space<vmem>> -> memref<128xi32, #tpu.memory_space<vmem>>
    %dma_start3A_44 = arith.constant 0 : i32
    %dma_start3A_45 = arith.constant 0 : i32
    %dma_start3A_46 = tpu.memref_slice %arg2[%dma_start3A_44, %dma_start3A_45] : memref<10008x128xf32, #tpu.memory_space<hbm>> -> memref<10008x128xf32, #tpu.memory_space<hbm>>
    tpu.enqueue_indirect_dma source(%dma_start3A_46 : memref<10008x128xf32, #tpu.memory_space<hbm>>) target(%arg9 : memref<128x128xf32, #tpu.memory_space<vmem>>) offsets(%dma_start3A_43 : memref<128xi32, #tpu.memory_space<vmem>>) semaphore(%arg13 : memref<!tpu.dma_semaphore, #tpu.memory_space<semaphore_mem>>)
    %dma_wait3A = arith.constant 38 : i32
    %dma_wait3A_47 = arith.constant 0 : i32
    %dma_wait3A_48 = tpu.memref_slice %arg6[%dma_wait3A, %dma_wait3A_47] : memref<40x128xi32, #tpu.memory_space<vmem>> -> memref<1x128xi32, #tpu.memory_space<vmem>>
    %dma_wait3A_49 = tpu.memref_squeeze %dma_wait3A_48 : memref<1x128xi32, #tpu.memory_space<vmem>> -> memref<128xi32, #tpu.memory_space<vmem>>
    %dma_wait3A_50 = arith.constant 0 : i32
    %dma_wait3A_51 = arith.constant 0 : i32
    %dma_wait3A_52 = tpu.memref_slice %arg2[%dma_wait3A_50, %dma_wait3A_51] : memref<10008x128xf32, #tpu.memory_space<hbm>> -> memref<10008x128xf32, #tpu.memory_space<hbm>>
    tpu.wait_indirect_dma semaphore(%arg12 : memref<!tpu.dma_semaphore, #tpu.memory_space<semaphore_mem>>) src(%dma_wait3A_52 : memref<10008x128xf32, #tpu.memory_space<hbm>>) dst(%arg8 : memref<128x128xf32, #tpu.memory_space<vmem>>)
    %run_scoped3A = arith.constant 38 : i32
    "tpu.region"() ({
      %run_scoped3A_126 = tpu.sem_alloc : memref<!tpu.dma_semaphore, #tpu.memory_space<semaphore_mem>>
      %dma_start3A_127 = arith.constant 0 : i32
      %dma_start3A_128 = tpu.memref_slice %arg7[%run_scoped3A, %dma_start3A_127] : memref<40x128xi32, #tpu.memory_space<vmem>> -> memref<1x128xi32, #tpu.memory_space<vmem>>
      %dma_start3A_129 = tpu.memref_squeeze %dma_start3A_128 : memref<1x128xi32, #tpu.memory_space<vmem>> -> memref<128xi32, #tpu.memory_space<vmem>>
      %dma_start3A_130 = arith.constant 0 : i32
      %dma_start3A_131 = arith.constant 0 : i32
      %dma_start3A_132 = tpu.memref_slice %arg11[%dma_start3A_130, %dma_start3A_131] : memref<10008x128xf32, #tpu.memory_space<vmem_shared>> -> memref<10008x128xf32, #tpu.memory_space<vmem_shared>>
      tpu.enqueue_indirect_dma source(%arg8 : memref<128x128xf32, #tpu.memory_space<vmem>>) target(%dma_start3A_132 : memref<10008x128xf32, #tpu.memory_space<vmem_shared>>) offsets(%dma_start3A_129 : memref<128xi32, #tpu.memory_space<vmem>>) semaphore(%run_scoped3A_126 : memref<!tpu.dma_semaphore, #tpu.memory_space<semaphore_mem>>) {add = true}
      %dma_wait3A_133 = arith.constant 0 : i32
      %dma_wait3A_134 = tpu.memref_slice %arg7[%run_scoped3A, %dma_wait3A_133] : memref<40x128xi32, #tpu.memory_space<vmem>> -> memref<1x128xi32, #tpu.memory_space<vmem>>
      %dma_wait3A_135 = tpu.memref_squeeze %dma_wait3A_134 : memref<1x128xi32, #tpu.memory_space<vmem>> -> memref<128xi32, #tpu.memory_space<vmem>>
      %dma_wait3A_136 = arith.constant 0 : i32
      %dma_wait3A_137 = arith.constant 0 : i32
      %dma_wait3A_138 = tpu.memref_slice %arg11[%dma_wait3A_136, %dma_wait3A_137] : memref<10008x128xf32, #tpu.memory_space<vmem_shared>> -> memref<10008x128xf32, #tpu.memory_space<vmem_shared>>
      tpu.wait_indirect_dma semaphore(%run_scoped3A_126 : memref<!tpu.dma_semaphore, #tpu.memory_space<semaphore_mem>>) src(%arg8 : memref<128x128xf32, #tpu.memory_space<vmem>>) dst(%dma_wait3A_138 : memref<10008x128xf32, #tpu.memory_space<vmem_shared>>)
      tpu.yield
    }) : () -> ()
    %dma_wait3A_53 = arith.constant 39 : i32
    %dma_wait3A_54 = arith.constant 0 : i32
    %dma_wait3A_55 = tpu.memref_slice %arg6[%dma_wait3A_53, %dma_wait3A_54] : memref<40x128xi32, #tpu.memory_space<vmem>> -> memref<1x128xi32, #tpu.memory_space<vmem>>
    %dma_wait3A_56 = tpu.memref_squeeze %dma_wait3A_55 : memref<1x128xi32, #tpu.memory_space<vmem>> -> memref<128xi32, #tpu.memory_space<vmem>>
    %dma_wait3A_57 = arith.constant 0 : i32
    %dma_wait3A_58 = arith.constant 0 : i32
    %dma_wait3A_59 = tpu.memref_slice %arg2[%dma_wait3A_57, %dma_wait3A_58] : memref<10008x128xf32, #tpu.memory_space<hbm>> -> memref<10008x128xf32, #tpu.memory_space<hbm>>
    tpu.wait_indirect_dma semaphore(%arg13 : memref<!tpu.dma_semaphore, #tpu.memory_space<semaphore_mem>>) src(%dma_wait3A_59 : memref<10008x128xf32, #tpu.memory_space<hbm>>) dst(%arg9 : memref<128x128xf32, #tpu.memory_space<vmem>>)
    %run_scoped3A_60 = arith.constant 39 : i32
    "tpu.region"() ({
      %run_scoped3A_126 = tpu.sem_alloc : memref<!tpu.dma_semaphore, #tpu.memory_space<semaphore_mem>>
      %dma_start3A_127 = arith.constant 0 : i32
      %dma_start3A_128 = tpu.memref_slice %arg7[%run_scoped3A_60, %dma_start3A_127] : memref<40x128xi32, #tpu.memory_space<vmem>> -> memref<1x128xi32, #tpu.memory_space<vmem>>
      %dma_start3A_129 = tpu.memref_squeeze %dma_start3A_128 : memref<1x128xi32, #tpu.memory_space<vmem>> -> memref<128xi32, #tpu.memory_space<vmem>>
      %dma_start3A_130 = arith.constant 0 : i32
      %dma_start3A_131 = arith.constant 0 : i32
      %dma_start3A_132 = tpu.memref_slice %arg11[%dma_start3A_130, %dma_start3A_131] : memref<10008x128xf32, #tpu.memory_space<vmem_shared>> -> memref<10008x128xf32, #tpu.memory_space<vmem_shared>>
      tpu.enqueue_indirect_dma source(%arg9 : memref<128x128xf32, #tpu.memory_space<vmem>>) target(%dma_start3A_132 : memref<10008x128xf32, #tpu.memory_space<vmem_shared>>) offsets(%dma_start3A_129 : memref<128xi32, #tpu.memory_space<vmem>>) semaphore(%run_scoped3A_126 : memref<!tpu.dma_semaphore, #tpu.memory_space<semaphore_mem>>) {add = true}
      %dma_wait3A_133 = arith.constant 0 : i32
      %dma_wait3A_134 = tpu.memref_slice %arg7[%run_scoped3A_60, %dma_wait3A_133] : memref<40x128xi32, #tpu.memory_space<vmem>> -> memref<1x128xi32, #tpu.memory_space<vmem>>
      %dma_wait3A_135 = tpu.memref_squeeze %dma_wait3A_134 : memref<1x128xi32, #tpu.memory_space<vmem>> -> memref<128xi32, #tpu.memory_space<vmem>>
      %dma_wait3A_136 = arith.constant 0 : i32
      %dma_wait3A_137 = arith.constant 0 : i32
      %dma_wait3A_138 = tpu.memref_slice %arg11[%dma_wait3A_136, %dma_wait3A_137] : memref<10008x128xf32, #tpu.memory_space<vmem_shared>> -> memref<10008x128xf32, #tpu.memory_space<vmem_shared>>
      tpu.wait_indirect_dma semaphore(%run_scoped3A_126 : memref<!tpu.dma_semaphore, #tpu.memory_space<semaphore_mem>>) src(%arg9 : memref<128x128xf32, #tpu.memory_space<vmem>>) dst(%dma_wait3A_138 : memref<10008x128xf32, #tpu.memory_space<vmem_shared>>)
      tpu.yield
    }) : () -> ()
    %add3A_61 = arith.constant 40 : i32
    %add3A_62 = arith.addi %mul3A_2, %add3A_61 : i32
    "tpu.region"() ({
      %run_scoped3A_126 = tpu.sem_alloc : memref<!tpu.dma_semaphore, #tpu.memory_space<semaphore_mem>>
      %dma_start3A_127 = arith.constant 0 : i32
      %dma_start3A_128 = tpu.memref_slice %arg3[%add3A_62, %dma_start3A_127] : memref<2560x128xi32, #tpu.memory_space<hbm>> -> memref<40x128xi32, #tpu.memory_space<hbm>>
      %dma_start3A_129 = arith.constant 0 : i32
      %dma_start3A_130 = tpu.memref_slice %arg3[%add3A_62, %dma_start3A_129] : memref<2560x128xi32, #tpu.memory_space<hbm>> -> memref<40x128xi32, #tpu.memory_space<hbm>>
      tpu.enqueue_dma source(%dma_start3A_130 : memref<40x128xi32, #tpu.memory_space<hbm>>) target(%arg6 : memref<40x128xi32, #tpu.memory_space<vmem>>) target_semaphore(%run_scoped3A_126 : memref<!tpu.dma_semaphore, #tpu.memory_space<semaphore_mem>>)
      %dma_wait3A_131 = arith.constant 0 : i32
      %dma_wait3A_132 = tpu.memref_slice %arg3[%add3A_62, %dma_wait3A_131] : memref<2560x128xi32, #tpu.memory_space<hbm>> -> memref<40x128xi32, #tpu.memory_space<hbm>>
      %dma_wait3A_133 = arith.constant 0 : i32
      %dma_wait3A_134 = tpu.memref_slice %arg3[%add3A_62, %dma_wait3A_133] : memref<2560x128xi32, #tpu.memory_space<hbm>> -> memref<40x128xi32, #tpu.memory_space<hbm>>
      tpu.wait_dma2 semaphore(%run_scoped3A_126 : memref<!tpu.dma_semaphore, #tpu.memory_space<semaphore_mem>>) src(%dma_wait3A_134 : memref<40x128xi32, #tpu.memory_space<hbm>>) dst(%arg6 : memref<40x128xi32, #tpu.memory_space<vmem>>)
      tpu.yield
    }) : () -> ()
    %add3A_63 = arith.constant 40 : i32
    %add3A_64 = arith.addi %mul3A_2, %add3A_63 : i32
    "tpu.region"() ({
      %run_scoped3A_126 = tpu.sem_alloc : memref<!tpu.dma_semaphore, #tpu.memory_space<semaphore_mem>>
      %dma_start3A_127 = arith.constant 0 : i32
      %dma_start3A_128 = tpu.memref_slice %arg4[%add3A_64, %dma_start3A_127] : memref<2560x128xi32, #tpu.memory_space<hbm>> -> memref<40x128xi32, #tpu.memory_space<hbm>>
      %dma_start3A_129 = arith.constant 0 : i32
      %dma_start3A_130 = tpu.memref_slice %arg4[%add3A_64, %dma_start3A_129] : memref<2560x128xi32, #tpu.memory_space<hbm>> -> memref<40x128xi32, #tpu.memory_space<hbm>>
      tpu.enqueue_dma source(%dma_start3A_130 : memref<40x128xi32, #tpu.memory_space<hbm>>) target(%arg7 : memref<40x128xi32, #tpu.memory_space<vmem>>) target_semaphore(%run_scoped3A_126 : memref<!tpu.dma_semaphore, #tpu.memory_space<semaphore_mem>>)
      %dma_wait3A_131 = arith.constant 0 : i32
      %dma_wait3A_132 = tpu.memref_slice %arg4[%add3A_64, %dma_wait3A_131] : memref<2560x128xi32, #tpu.memory_space<hbm>> -> memref<40x128xi32, #tpu.memory_space<hbm>>
      %dma_wait3A_133 = arith.constant 0 : i32
      %dma_wait3A_134 = tpu.memref_slice %arg4[%add3A_64, %dma_wait3A_133] : memref<2560x128xi32, #tpu.memory_space<hbm>> -> memref<40x128xi32, #tpu.memory_space<hbm>>
      tpu.wait_dma2 semaphore(%run_scoped3A_126 : memref<!tpu.dma_semaphore, #tpu.memory_space<semaphore_mem>>) src(%dma_wait3A_134 : memref<40x128xi32, #tpu.memory_space<hbm>>) dst(%arg7 : memref<40x128xi32, #tpu.memory_space<vmem>>)
      tpu.yield
    }) : () -> ()
    %dma_start3A_65 = arith.constant 0 : i32
    %dma_start3A_66 = arith.constant 0 : i32
    %dma_start3A_67 = tpu.memref_slice %arg6[%dma_start3A_65, %dma_start3A_66] : memref<40x128xi32, #tpu.memory_space<vmem>> -> memref<1x128xi32, #tpu.memory_space<vmem>>
    %dma_start3A_68 = tpu.memref_squeeze %dma_start3A_67 : memref<1x128xi32, #tpu.memory_space<vmem>> -> memref<128xi32, #tpu.memory_space<vmem>>
    %dma_start3A_69 = arith.constant 0 : i32
    %dma_start3A_70 = arith.constant 0 : i32
    %dma_start3A_71 = tpu.memref_slice %arg2[%dma_start3A_69, %dma_start3A_70] : memref<10008x128xf32, #tpu.memory_space<hbm>> -> memref<10008x128xf32, #tpu.memory_space<hbm>>
    tpu.enqueue_indirect_dma source(%dma_start3A_71 : memref<10008x128xf32, #tpu.memory_space<hbm>>) target(%arg8 : memref<128x128xf32, #tpu.memory_space<vmem>>) offsets(%dma_start3A_68 : memref<128xi32, #tpu.memory_space<vmem>>) semaphore(%arg12 : memref<!tpu.dma_semaphore, #tpu.memory_space<semaphore_mem>>)
    %scan3A_72 = arith.constant 0 : i32
    %scan3A_73 = arith.constant 19 : i32
    %scan3A_74 = arith.addi %scan3A_72, %scan3A_73 : i32
    %scan3A_75 = arith.constant 1 : i32
    scf.for %scan3A_126 = %scan3A_72 to %scan3A_74 step %scan3A_75  : i32 {
      %mul3A_127 = arith.constant 1 : i32
      %mul3A_128 = arith.muli %scan3A_126, %mul3A_127 : i32
      %add3A_129 = arith.constant 0 : i32
      %add3A_130 = arith.addi %add3A_129, %mul3A_128 : i32
      %mul3A_131 = arith.constant 2 : i32
      %mul3A_132 = arith.muli %mul3A_131, %add3A_130 : i32
      %add3A_133 = arith.constant 1 : i32
      %add3A_134 = arith.addi %mul3A_132, %add3A_133 : i32
      %dma_start3A_135 = arith.constant 0 : i32
      %dma_start3A_136 = tpu.memref_slice %arg6[%add3A_134, %dma_start3A_135] : memref<40x128xi32, #tpu.memory_space<vmem>> -> memref<1x128xi32, #tpu.memory_space<vmem>>
      %dma_start3A_137 = tpu.memref_squeeze %dma_start3A_136 : memref<1x128xi32, #tpu.memory_space<vmem>> -> memref<128xi32, #tpu.memory_space<vmem>>
      %dma_start3A_138 = arith.constant 0 : i32
      %dma_start3A_139 = arith.constant 0 : i32
      %dma_start3A_140 = tpu.memref_slice %arg2[%dma_start3A_138, %dma_start3A_139] : memref<10008x128xf32, #tpu.memory_space<hbm>> -> memref<10008x128xf32, #tpu.memory_space<hbm>>
      tpu.enqueue_indirect_dma source(%dma_start3A_140 : memref<10008x128xf32, #tpu.memory_space<hbm>>) target(%arg9 : memref<128x128xf32, #tpu.memory_space<vmem>>) offsets(%dma_start3A_137 : memref<128xi32, #tpu.memory_space<vmem>>) semaphore(%arg13 : memref<!tpu.dma_semaphore, #tpu.memory_space<semaphore_mem>>)
      %dma_wait3A_141 = arith.constant 0 : i32
      %dma_wait3A_142 = tpu.memref_slice %arg6[%mul3A_132, %dma_wait3A_141] : memref<40x128xi32, #tpu.memory_space<vmem>> -> memref<1x128xi32, #tpu.memory_space<vmem>>
      %dma_wait3A_143 = tpu.memref_squeeze %dma_wait3A_142 : memref<1x128xi32, #tpu.memory_space<vmem>> -> memref<128xi32, #tpu.memory_space<vmem>>
      %dma_wait3A_144 = arith.constant 0 : i32
      %dma_wait3A_145 = arith.constant 0 : i32
      %dma_wait3A_146 = tpu.memref_slice %arg2[%dma_wait3A_144, %dma_wait3A_145] : memref<10008x128xf32, #tpu.memory_space<hbm>> -> memref<10008x128xf32, #tpu.memory_space<hbm>>
      tpu.wait_indirect_dma semaphore(%arg12 : memref<!tpu.dma_semaphore, #tpu.memory_space<semaphore_mem>>) src(%dma_wait3A_146 : memref<10008x128xf32, #tpu.memory_space<hbm>>) dst(%arg8 : memref<128x128xf32, #tpu.memory_space<vmem>>)
      "tpu.region"() ({
        %run_scoped3A_165 = tpu.sem_alloc : memref<!tpu.dma_semaphore, #tpu.memory_space<semaphore_mem>>
        %dma_start3A_166 = arith.constant 0 : i32
        %dma_start3A_167 = tpu.memref_slice %arg7[%mul3A_132, %dma_start3A_166] : memref<40x128xi32, #tpu.memory_space<vmem>> -> memref<1x128xi32, #tpu.memory_space<vmem>>
        %dma_start3A_168 = tpu.memref_squeeze %dma_start3A_167 : memref<1x128xi32, #tpu.memory_space<vmem>> -> memref<128xi32, #tpu.memory_space<vmem>>
        %dma_start3A_169 = arith.constant 0 : i32
        %dma_start3A_170 = arith.constant 0 : i32
        %dma_start3A_171 = tpu.memref_slice %arg11[%dma_start3A_169, %dma_start3A_170] : memref<10008x128xf32, #tpu.memory_space<vmem_shared>> -> memref<10008x128xf32, #tpu.memory_space<vmem_shared>>
        tpu.enqueue_indirect_dma source(%arg8 : memref<128x128xf32, #tpu.memory_space<vmem>>) target(%dma_start3A_171 : memref<10008x128xf32, #tpu.memory_space<vmem_shared>>) offsets(%dma_start3A_168 : memref<128xi32, #tpu.memory_space<vmem>>) semaphore(%run_scoped3A_165 : memref<!tpu.dma_semaphore, #tpu.memory_space<semaphore_mem>>) {add = true}
        %dma_wait3A_172 = arith.constant 0 : i32
        %dma_wait3A_173 = tpu.memref_slice %arg7[%mul3A_132, %dma_wait3A_172] : memref<40x128xi32, #tpu.memory_space<vmem>> -> memref<1x128xi32, #tpu.memory_space<vmem>>
        %dma_wait3A_174 = tpu.memref_squeeze %dma_wait3A_173 : memref<1x128xi32, #tpu.memory_space<vmem>> -> memref<128xi32, #tpu.memory_space<vmem>>
        %dma_wait3A_175 = arith.constant 0 : i32
        %dma_wait3A_176 = arith.constant 0 : i32
        %dma_wait3A_177 = tpu.memref_slice %arg11[%dma_wait3A_175, %dma_wait3A_176] : memref<10008x128xf32, #tpu.memory_space<vmem_shared>> -> memref<10008x128xf32, #tpu.memory_space<vmem_shared>>
        tpu.wait_indirect_dma semaphore(%run_scoped3A_165 : memref<!tpu.dma_semaphore, #tpu.memory_space<semaphore_mem>>) src(%arg8 : memref<128x128xf32, #tpu.memory_space<vmem>>) dst(%dma_wait3A_177 : memref<10008x128xf32, #tpu.memory_space<vmem_shared>>)
        tpu.yield
      }) : () -> ()
      %add3A_147 = arith.constant 2 : i32
      %add3A_148 = arith.addi %mul3A_132, %add3A_147 : i32
      %dma_start3A_149 = arith.constant 0 : i32
      %dma_start3A_150 = tpu.memref_slice %arg6[%add3A_148, %dma_start3A_149] : memref<40x128xi32, #tpu.memory_space<vmem>> -> memref<1x128xi32, #tpu.memory_space<vmem>>
      %dma_start3A_151 = tpu.memref_squeeze %dma_start3A_150 : memref<1x128xi32, #tpu.memory_space<vmem>> -> memref<128xi32, #tpu.memory_space<vmem>>
      %dma_start3A_152 = arith.constant 0 : i32
      %dma_start3A_153 = arith.constant 0 : i32
      %dma_start3A_154 = tpu.memref_slice %arg2[%dma_start3A_152, %dma_start3A_153] : memref<10008x128xf32, #tpu.memory_space<hbm>> -> memref<10008x128xf32, #tpu.memory_space<hbm>>
      tpu.enqueue_indirect_dma source(%dma_start3A_154 : memref<10008x128xf32, #tpu.memory_space<hbm>>) target(%arg8 : memref<128x128xf32, #tpu.memory_space<vmem>>) offsets(%dma_start3A_151 : memref<128xi32, #tpu.memory_space<vmem>>) semaphore(%arg12 : memref<!tpu.dma_semaphore, #tpu.memory_space<semaphore_mem>>)
      %add3A_155 = arith.constant 1 : i32
      %add3A_156 = arith.addi %mul3A_132, %add3A_155 : i32
      %dma_wait3A_157 = arith.constant 0 : i32
      %dma_wait3A_158 = tpu.memref_slice %arg6[%add3A_156, %dma_wait3A_157] : memref<40x128xi32, #tpu.memory_space<vmem>> -> memref<1x128xi32, #tpu.memory_space<vmem>>
      %dma_wait3A_159 = tpu.memref_squeeze %dma_wait3A_158 : memref<1x128xi32, #tpu.memory_space<vmem>> -> memref<128xi32, #tpu.memory_space<vmem>>
      %dma_wait3A_160 = arith.constant 0 : i32
      %dma_wait3A_161 = arith.constant 0 : i32
      %dma_wait3A_162 = tpu.memref_slice %arg2[%dma_wait3A_160, %dma_wait3A_161] : memref<10008x128xf32, #tpu.memory_space<hbm>> -> memref<10008x128xf32, #tpu.memory_space<hbm>>
      tpu.wait_indirect_dma semaphore(%arg13 : memref<!tpu.dma_semaphore, #tpu.memory_space<semaphore_mem>>) src(%dma_wait3A_162 : memref<10008x128xf32, #tpu.memory_space<hbm>>) dst(%arg9 : memref<128x128xf32, #tpu.memory_space<vmem>>)
      %add3A_163 = arith.constant 1 : i32
      %add3A_164 = arith.addi %mul3A_132, %add3A_163 : i32
      "tpu.region"() ({
        %run_scoped3A_165 = tpu.sem_alloc : memref<!tpu.dma_semaphore, #tpu.memory_space<semaphore_mem>>
        %dma_start3A_166 = arith.constant 0 : i32
        %dma_start3A_167 = tpu.memref_slice %arg7[%add3A_164, %dma_start3A_166] : memref<40x128xi32, #tpu.memory_space<vmem>> -> memref<1x128xi32, #tpu.memory_space<vmem>>
        %dma_start3A_168 = tpu.memref_squeeze %dma_start3A_167 : memref<1x128xi32, #tpu.memory_space<vmem>> -> memref<128xi32, #tpu.memory_space<vmem>>
        %dma_start3A_169 = arith.constant 0 : i32
        %dma_start3A_170 = arith.constant 0 : i32
        %dma_start3A_171 = tpu.memref_slice %arg11[%dma_start3A_169, %dma_start3A_170] : memref<10008x128xf32, #tpu.memory_space<vmem_shared>> -> memref<10008x128xf32, #tpu.memory_space<vmem_shared>>
        tpu.enqueue_indirect_dma source(%arg9 : memref<128x128xf32, #tpu.memory_space<vmem>>) target(%dma_start3A_171 : memref<10008x128xf32, #tpu.memory_space<vmem_shared>>) offsets(%dma_start3A_168 : memref<128xi32, #tpu.memory_space<vmem>>) semaphore(%run_scoped3A_165 : memref<!tpu.dma_semaphore, #tpu.memory_space<semaphore_mem>>) {add = true}
        %dma_wait3A_172 = arith.constant 0 : i32
        %dma_wait3A_173 = tpu.memref_slice %arg7[%add3A_164, %dma_wait3A_172] : memref<40x128xi32, #tpu.memory_space<vmem>> -> memref<1x128xi32, #tpu.memory_space<vmem>>
        %dma_wait3A_174 = tpu.memref_squeeze %dma_wait3A_173 : memref<1x128xi32, #tpu.memory_space<vmem>> -> memref<128xi32, #tpu.memory_space<vmem>>
        %dma_wait3A_175 = arith.constant 0 : i32
        %dma_wait3A_176 = arith.constant 0 : i32
        %dma_wait3A_177 = tpu.memref_slice %arg11[%dma_wait3A_175, %dma_wait3A_176] : memref<10008x128xf32, #tpu.memory_space<vmem_shared>> -> memref<10008x128xf32, #tpu.memory_space<vmem_shared>>
        tpu.wait_indirect_dma semaphore(%run_scoped3A_165 : memref<!tpu.dma_semaphore, #tpu.memory_space<semaphore_mem>>) src(%arg9 : memref<128x128xf32, #tpu.memory_space<vmem>>) dst(%dma_wait3A_177 : memref<10008x128xf32, #tpu.memory_space<vmem_shared>>)
        tpu.yield
      }) : () -> ()
    }
    %scan3A_76 = arith.constant 19 : i32
    %dma_start3A_77 = arith.constant 39 : i32
    %dma_start3A_78 = arith.constant 0 : i32
    %dma_start3A_79 = tpu.memref_slice %arg6[%dma_start3A_77, %dma_start3A_78] : memref<40x128xi32, #tpu.memory_space<vmem>> -> memref<1x128xi32, #tpu.memory_space<vmem>>
    %dma_start3A_80 = tpu.memref_squeeze %dma_start3A_79 : memref<1x128xi32, #tpu.memory_space<vmem>> -> memref<128xi32, #tpu.memory_space<vmem>>
    %dma_start3A_81 = arith.constant 0 : i32
    %dma_start3A_82 = arith.constant 0 : i32
    %dma_start3A_83 = tpu.memref_slice %arg2[%dma_start3A_81, %dma_start3A_82] : memref<10008x128xf32, #tpu.memory_space<hbm>> -> memref<10008x128xf32, #tpu.memory_space<hbm>>
    tpu.enqueue_indirect_dma source(%dma_start3A_83 : memref<10008x128xf32, #tpu.memory_space<hbm>>) target(%arg9 : memref<128x128xf32, #tpu.memory_space<vmem>>) offsets(%dma_start3A_80 : memref<128xi32, #tpu.memory_space<vmem>>) semaphore(%arg13 : memref<!tpu.dma_semaphore, #tpu.memory_space<semaphore_mem>>)
    %dma_wait3A_84 = arith.constant 38 : i32
    %dma_wait3A_85 = arith.constant 0 : i32
    %dma_wait3A_86 = tpu.memref_slice %arg6[%dma_wait3A_84, %dma_wait3A_85] : memref<40x128xi32, #tpu.memory_space<vmem>> -> memref<1x128xi32, #tpu.memory_space<vmem>>
    %dma_wait3A_87 = tpu.memref_squeeze %dma_wait3A_86 : memref<1x128xi32, #tpu.memory_space<vmem>> -> memref<128xi32, #tpu.memory_space<vmem>>
    %dma_wait3A_88 = arith.constant 0 : i32
    %dma_wait3A_89 = arith.constant 0 : i32
    %dma_wait3A_90 = tpu.memref_slice %arg2[%dma_wait3A_88, %dma_wait3A_89] : memref<10008x128xf32, #tpu.memory_space<hbm>> -> memref<10008x128xf32, #tpu.memory_space<hbm>>
    tpu.wait_indirect_dma semaphore(%arg12 : memref<!tpu.dma_semaphore, #tpu.memory_space<semaphore_mem>>) src(%dma_wait3A_90 : memref<10008x128xf32, #tpu.memory_space<hbm>>) dst(%arg8 : memref<128x128xf32, #tpu.memory_space<vmem>>)
    %run_scoped3A_91 = arith.constant 38 : i32
    "tpu.region"() ({
      %run_scoped3A_126 = tpu.sem_alloc : memref<!tpu.dma_semaphore, #tpu.memory_space<semaphore_mem>>
      %dma_start3A_127 = arith.constant 0 : i32
      %dma_start3A_128 = tpu.memref_slice %arg7[%run_scoped3A_91, %dma_start3A_127] : memref<40x128xi32, #tpu.memory_space<vmem>> -> memref<1x128xi32, #tpu.memory_space<vmem>>
      %dma_start3A_129 = tpu.memref_squeeze %dma_start3A_128 : memref<1x128xi32, #tpu.memory_space<vmem>> -> memref<128xi32, #tpu.memory_space<vmem>>
      %dma_start3A_130 = arith.constant 0 : i32
      %dma_start3A_131 = arith.constant 0 : i32
      %dma_start3A_132 = tpu.memref_slice %arg11[%dma_start3A_130, %dma_start3A_131] : memref<10008x128xf32, #tpu.memory_space<vmem_shared>> -> memref<10008x128xf32, #tpu.memory_space<vmem_shared>>
      tpu.enqueue_indirect_dma source(%arg8 : memref<128x128xf32, #tpu.memory_space<vmem>>) target(%dma_start3A_132 : memref<10008x128xf32, #tpu.memory_space<vmem_shared>>) offsets(%dma_start3A_129 : memref<128xi32, #tpu.memory_space<vmem>>) semaphore(%run_scoped3A_126 : memref<!tpu.dma_semaphore, #tpu.memory_space<semaphore_mem>>) {add = true}
      %dma_wait3A_133 = arith.constant 0 : i32
      %dma_wait3A_134 = tpu.memref_slice %arg7[%run_scoped3A_91, %dma_wait3A_133] : memref<40x128xi32, #tpu.memory_space<vmem>> -> memref<1x128xi32, #tpu.memory_space<vmem>>
      %dma_wait3A_135 = tpu.memref_squeeze %dma_wait3A_134 : memref<1x128xi32, #tpu.memory_space<vmem>> -> memref<128xi32, #tpu.memory_space<vmem>>
      %dma_wait3A_136 = arith.constant 0 : i32
      %dma_wait3A_137 = arith.constant 0 : i32
      %dma_wait3A_138 = tpu.memref_slice %arg11[%dma_wait3A_136, %dma_wait3A_137] : memref<10008x128xf32, #tpu.memory_space<vmem_shared>> -> memref<10008x128xf32, #tpu.memory_space<vmem_shared>>
      tpu.wait_indirect_dma semaphore(%run_scoped3A_126 : memref<!tpu.dma_semaphore, #tpu.memory_space<semaphore_mem>>) src(%arg8 : memref<128x128xf32, #tpu.memory_space<vmem>>) dst(%dma_wait3A_138 : memref<10008x128xf32, #tpu.memory_space<vmem_shared>>)
      tpu.yield
    }) : () -> ()
    %dma_wait3A_92 = arith.constant 39 : i32
    %dma_wait3A_93 = arith.constant 0 : i32
    %dma_wait3A_94 = tpu.memref_slice %arg6[%dma_wait3A_92, %dma_wait3A_93] : memref<40x128xi32, #tpu.memory_space<vmem>> -> memref<1x128xi32, #tpu.memory_space<vmem>>
    %dma_wait3A_95 = tpu.memref_squeeze %dma_wait3A_94 : memref<1x128xi32, #tpu.memory_space<vmem>> -> memref<128xi32, #tpu.memory_space<vmem>>
    %dma_wait3A_96 = arith.constant 0 : i32
    %dma_wait3A_97 = arith.constant 0 : i32
    %dma_wait3A_98 = tpu.memref_slice %arg2[%dma_wait3A_96, %dma_wait3A_97] : memref<10008x128xf32, #tpu.memory_space<hbm>> -> memref<10008x128xf32, #tpu.memory_space<hbm>>
    tpu.wait_indirect_dma semaphore(%arg13 : memref<!tpu.dma_semaphore, #tpu.memory_space<semaphore_mem>>) src(%dma_wait3A_98 : memref<10008x128xf32, #tpu.memory_space<hbm>>) dst(%arg9 : memref<128x128xf32, #tpu.memory_space<vmem>>)
    %run_scoped3A_99 = arith.constant 39 : i32
    "tpu.region"() ({
      %run_scoped3A_126 = tpu.sem_alloc : memref<!tpu.dma_semaphore, #tpu.memory_space<semaphore_mem>>
      %dma_start3A_127 = arith.constant 0 : i32
      %dma_start3A_128 = tpu.memref_slice %arg7[%run_scoped3A_99, %dma_start3A_127] : memref<40x128xi32, #tpu.memory_space<vmem>> -> memref<1x128xi32, #tpu.memory_space<vmem>>
      %dma_start3A_129 = tpu.memref_squeeze %dma_start3A_128 : memref<1x128xi32, #tpu.memory_space<vmem>> -> memref<128xi32, #tpu.memory_space<vmem>>
      %dma_start3A_130 = arith.constant 0 : i32
      %dma_start3A_131 = arith.constant 0 : i32
      %dma_start3A_132 = tpu.memref_slice %arg11[%dma_start3A_130, %dma_start3A_131] : memref<10008x128xf32, #tpu.memory_space<vmem_shared>> -> memref<10008x128xf32, #tpu.memory_space<vmem_shared>>
      tpu.enqueue_indirect_dma source(%arg9 : memref<128x128xf32, #tpu.memory_space<vmem>>) target(%dma_start3A_132 : memref<10008x128xf32, #tpu.memory_space<vmem_shared>>) offsets(%dma_start3A_129 : memref<128xi32, #tpu.memory_space<vmem>>) semaphore(%run_scoped3A_126 : memref<!tpu.dma_semaphore, #tpu.memory_space<semaphore_mem>>) {add = true}
      %dma_wait3A_133 = arith.constant 0 : i32
      %dma_wait3A_134 = tpu.memref_slice %arg7[%run_scoped3A_99, %dma_wait3A_133] : memref<40x128xi32, #tpu.memory_space<vmem>> -> memref<1x128xi32, #tpu.memory_space<vmem>>
      %dma_wait3A_135 = tpu.memref_squeeze %dma_wait3A_134 : memref<1x128xi32, #tpu.memory_space<vmem>> -> memref<128xi32, #tpu.memory_space<vmem>>
      %dma_wait3A_136 = arith.constant 0 : i32
      %dma_wait3A_137 = arith.constant 0 : i32
      %dma_wait3A_138 = tpu.memref_slice %arg11[%dma_wait3A_136, %dma_wait3A_137] : memref<10008x128xf32, #tpu.memory_space<vmem_shared>> -> memref<10008x128xf32, #tpu.memory_space<vmem_shared>>
      tpu.wait_indirect_dma semaphore(%run_scoped3A_126 : memref<!tpu.dma_semaphore, #tpu.memory_space<semaphore_mem>>) src(%arg9 : memref<128x128xf32, #tpu.memory_space<vmem>>) dst(%dma_wait3A_138 : memref<10008x128xf32, #tpu.memory_space<vmem_shared>>)
      tpu.yield
    }) : () -> ()
    %barrier3A_100 = arith.constant 0 : index
    tpu.barrier barrier_id(%barrier3A_100)
    %mul3A_101 = arith.constant 10008 : i32
    %mul3A_102 = arith.muli %arg0, %mul3A_101 : i32
    %sub3A_103 = arith.constant 78 : i32
    %sub3A_104 = arith.subi %sub3A_103, %arg1 : i32
    %sub3A_105 = arith.constant 16 : i32
    %sub3A_106 = arith.constant 1 : i32
    %sub3A_107 = arith.subi %sub3A_105, %sub3A_106 : i32
    %add3A_108 = arith.addi %sub3A_104, %sub3A_107 : i32
    %div3A_109 = arith.constant 16 : i32
    %div3A_110 = arith.divsi %add3A_108, %div3A_109 : i32
    %while3A_111 = arith.constant 16 : i32
    %while3A_112 = arith.constant 0 : i32
    %while3A_113 = arith.subi %div3A_110, %while3A_112 : i32
    %while3A_114 = arith.addi %while3A_112, %while3A_113 : i32
    %while3A_115 = arith.constant 1 : i32
    %while3A_116 = arith.divsi %while3A_113, %while3A_115 : i32
    %while3A_117 = arith.muli %while3A_116, %while3A_115 : i32
    %while3A_118 = arith.addi %while3A_112, %while3A_117 : i32
    %while3A_119 = arith.constant 1 : i32
    scf.for %while3A_126 = %while3A_112 to %while3A_118 step %while3A_119  : i32 {
      %mul3A_127 = arith.muli %while3A_126, %while3A_111 : i32
      %add3A_128 = arith.addi %arg1, %mul3A_127 : i32
      %mul3A_129 = arith.constant 128 : i32
      %mul3A_130 = arith.muli %add3A_128, %mul3A_129 : i32
      %mul3A_131 = arith.constant 128 : i32
      %mul3A_132 = arith.muli %add3A_128, %mul3A_131 : i32
      %add3A_133 = arith.addi %mul3A_102, %mul3A_132 : i32
      "tpu.region"() ({
        %run_scoped3A_134 = tpu.sem_alloc : memref<!tpu.dma_semaphore, #tpu.memory_space<semaphore_mem>>
        %dma_start3A_135 = arith.constant 0 : i32
        %dma_start3A_136 = tpu.memref_slice %arg5[%add3A_133, %dma_start3A_135] : memref<20016x128xf32, #tpu.memory_space<hbm>> -> memref<128x128xf32, #tpu.memory_space<hbm>>
        %dma_start3A_137 = arith.constant 0 : i32
        %dma_start3A_138 = tpu.memref_slice %arg11[%mul3A_130, %dma_start3A_137] : memref<10008x128xf32, #tpu.memory_space<vmem_shared>> -> memref<128x128xf32, #tpu.memory_space<vmem_shared>>
        tpu.enqueue_dma source(%dma_start3A_138 : memref<128x128xf32, #tpu.memory_space<vmem_shared>>) target(%dma_start3A_136 : memref<128x128xf32, #tpu.memory_space<hbm>>) target_semaphore(%run_scoped3A_134 : memref<!tpu.dma_semaphore, #tpu.memory_space<semaphore_mem>>)
        %dma_wait3A_139 = arith.constant 0 : i32
        %dma_wait3A_140 = tpu.memref_slice %arg5[%add3A_133, %dma_wait3A_139] : memref<20016x128xf32, #tpu.memory_space<hbm>> -> memref<128x128xf32, #tpu.memory_space<hbm>>
        %dma_wait3A_141 = arith.constant 0 : i32
        %dma_wait3A_142 = tpu.memref_slice %arg11[%mul3A_130, %dma_wait3A_141] : memref<10008x128xf32, #tpu.memory_space<vmem_shared>> -> memref<128x128xf32, #tpu.memory_space<vmem_shared>>
        tpu.wait_dma2 semaphore(%run_scoped3A_134 : memref<!tpu.dma_semaphore, #tpu.memory_space<semaphore_mem>>) src(%dma_wait3A_142 : memref<128x128xf32, #tpu.memory_space<vmem_shared>>) dst(%dma_wait3A_140 : memref<128x128xf32, #tpu.memory_space<hbm>>)
        tpu.yield
      }) : () -> ()
    }
    %while3A_120 = arith.constant 1 : i32
    scf.for %while3A_126 = %while3A_118 to %while3A_114 step %while3A_120  : i32 {
      %mul3A_127 = arith.muli %while3A_126, %while3A_111 : i32
      %add3A_128 = arith.addi %arg1, %mul3A_127 : i32
      %mul3A_129 = arith.constant 128 : i32
      %mul3A_130 = arith.muli %add3A_128, %mul3A_129 : i32
      %mul3A_131 = arith.constant 128 : i32
      %mul3A_132 = arith.muli %add3A_128, %mul3A_131 : i32
      %add3A_133 = arith.addi %mul3A_102, %mul3A_132 : i32
      "tpu.region"() ({
        %run_scoped3A_134 = tpu.sem_alloc : memref<!tpu.dma_semaphore, #tpu.memory_space<semaphore_mem>>
        %dma_start3A_135 = arith.constant 0 : i32
        %dma_start3A_136 = tpu.memref_slice %arg5[%add3A_133, %dma_start3A_135] : memref<20016x128xf32, #tpu.memory_space<hbm>> -> memref<128x128xf32, #tpu.memory_space<hbm>>
        %dma_start3A_137 = arith.constant 0 : i32
        %dma_start3A_138 = tpu.memref_slice %arg11[%mul3A_130, %dma_start3A_137] : memref<10008x128xf32, #tpu.memory_space<vmem_shared>> -> memref<128x128xf32, #tpu.memory_space<vmem_shared>>
        tpu.enqueue_dma source(%dma_start3A_138 : memref<128x128xf32, #tpu.memory_space<vmem_shared>>) target(%dma_start3A_136 : memref<128x128xf32, #tpu.memory_space<hbm>>) target_semaphore(%run_scoped3A_134 : memref<!tpu.dma_semaphore, #tpu.memory_space<semaphore_mem>>)
        %dma_wait3A_139 = arith.constant 0 : i32
        %dma_wait3A_140 = tpu.memref_slice %arg5[%add3A_133, %dma_wait3A_139] : memref<20016x128xf32, #tpu.memory_space<hbm>> -> memref<128x128xf32, #tpu.memory_space<hbm>>
        %dma_wait3A_141 = arith.constant 0 : i32
        %dma_wait3A_142 = tpu.memref_slice %arg11[%mul3A_130, %dma_wait3A_141] : memref<10008x128xf32, #tpu.memory_space<vmem_shared>> -> memref<128x128xf32, #tpu.memory_space<vmem_shared>>
        tpu.wait_dma2 semaphore(%run_scoped3A_134 : memref<!tpu.dma_semaphore, #tpu.memory_space<semaphore_mem>>) src(%dma_wait3A_142 : memref<128x128xf32, #tpu.memory_space<vmem_shared>>) dst(%dma_wait3A_140 : memref<128x128xf32, #tpu.memory_space<hbm>>)
        tpu.yield
      }) : () -> ()
    }
    %eq3A_121 = arith.constant 0 : i32
    %eq3A_122 = arith.cmpi eq, %arg1, %eq3A_121 : i32
    %convert_element_type3A_123 = arith.extui %eq3A_122 : i1 to i32
    %cond3A_124 = arith.constant 0 : i32
    %cond3A_125 = arith.cmpi ne, %convert_element_type3A_123, %cond3A_124 : i32
    scf.if %cond3A_125 {
      %add3A_126 = arith.constant 9984 : i32
      %add3A_127 = arith.addi %mul3A_102, %add3A_126 : i32
      "tpu.region"() ({
        %run_scoped3A_128 = tpu.sem_alloc : memref<!tpu.dma_semaphore, #tpu.memory_space<semaphore_mem>>
        %dma_start3A_129 = arith.constant 0 : i32
        %dma_start3A_130 = tpu.memref_slice %arg5[%add3A_127, %dma_start3A_129] : memref<20016x128xf32, #tpu.memory_space<hbm>> -> memref<24x128xf32, #tpu.memory_space<hbm>>
        %dma_start3A_131 = arith.constant 9984 : i32
        %dma_start3A_132 = arith.constant 0 : i32
        %dma_start3A_133 = tpu.memref_slice %arg11[%dma_start3A_131, %dma_start3A_132] : memref<10008x128xf32, #tpu.memory_space<vmem_shared>> -> memref<24x128xf32, #tpu.memory_space<vmem_shared>>
        tpu.enqueue_dma source(%dma_start3A_133 : memref<24x128xf32, #tpu.memory_space<vmem_shared>>) target(%dma_start3A_130 : memref<24x128xf32, #tpu.memory_space<hbm>>) target_semaphore(%run_scoped3A_128 : memref<!tpu.dma_semaphore, #tpu.memory_space<semaphore_mem>>)
        %dma_wait3A_134 = arith.constant 0 : i32
        %dma_wait3A_135 = tpu.memref_slice %arg5[%add3A_127, %dma_wait3A_134] : memref<20016x128xf32, #tpu.memory_space<hbm>> -> memref<24x128xf32, #tpu.memory_space<hbm>>
        %dma_wait3A_136 = arith.constant 9984 : i32
        %dma_wait3A_137 = arith.constant 0 : i32
        %dma_wait3A_138 = tpu.memref_slice %arg11[%dma_wait3A_136, %dma_wait3A_137] : memref<10008x128xf32, #tpu.memory_space<vmem_shared>> -> memref<24x128xf32, #tpu.memory_space<vmem_shared>>
        tpu.wait_dma2 semaphore(%run_scoped3A_128 : memref<!tpu.dma_semaphore, #tpu.memory_space<semaphore_mem>>) src(%dma_wait3A_138 : memref<24x128xf32, #tpu.memory_space<vmem_shared>>) dst(%dma_wait3A_135 : memref<24x128xf32, #tpu.memory_space<hbm>>)
        tpu.yield
      }) : () -> ()
    } else {
    }
    return
  }
}

module attributes {stable_mosaic.version = 14 : i64} {
  func.func @body(%arg0: memref<10000x128xf32, #tpu.memory_space<vmem>>, %arg1: memref<128x128xf32, #tpu.memory_space<vmem>>, %arg2: memref<10000x128xf32, #tpu.memory_space<vmem>>) attributes {dimension_semantics = [], scalar_prefetch = 0 : i64, scratch_operands = 0 : i64, tpu.core_type = #tpu.core_type<tc>} {
    %get3A = arith.constant 0 : index
    %get3A_0 = arith.constant 0 : index
    %get3A_1 = vector.load %arg0[%get3A, %get3A_0] : memref<10000x128xf32, #tpu.memory_space<vmem>>, vector<10000x128xf32>
    %get3A_2 = arith.constant 0 : index
    %get3A_3 = arith.constant 0 : index
    %get3A_4 = vector.load %arg1[%get3A_2, %get3A_3] : memref<128x128xf32, #tpu.memory_space<vmem>>, vector<128x128xf32>
    %dot_general3A = arith.constant dense<0.000000e+00> : vector<10000x128xf32>
    %dot_general3A_5 = tpu.matmul %get3A_1, %get3A_4, %dot_general3A {dimension_numbers = #tpu.dot_dimension_numbers<[1], [0], [0], [1], [0, 0, 1, 1], [], []>, transpose_lhs_hint = false} : vector<10000x128xf32>, vector<128x128xf32>, vector<10000x128xf32> -> vector<10000x128xf32>
    %swap3A = arith.constant 0 : index
    %swap3A_6 = arith.constant 0 : index
    %swap3A_7 = vector.load %arg2[%swap3A, %swap3A_6] : memref<10000x128xf32, #tpu.memory_space<vmem>>, vector<10000x128xf32>
    tpu.vector_store %arg2[%swap3A, %swap3A_6], %dot_general3A_5 {strides = array<i32>} : memref<10000x128xf32, #tpu.memory_space<vmem>>, vector<10000x128xf32>,
    return
  }
}

module attributes {stable_mosaic.version = 14 : i64} {
  func.func @body(%arg0: memref<10000x128xf32, #tpu.memory_space<vmem>>, %arg1: memref<20016x16xf32, #tpu.memory_space<vmem>>, %arg2: memref<10008x128xf32, #tpu.memory_space<vmem>>, %arg3: memref<10000x1xf32, #tpu.memory_space<vmem>>) attributes {dimension_semantics = [], scalar_prefetch = 0 : i64, scratch_operands = 0 : i64, tpu.core_type = #tpu.core_type<tc>} {
    %get3A = arith.constant 0 : index
    %get3A_0 = arith.constant 0 : index
    %get3A_1 = vector.load %arg1[%get3A, %get3A_0] : memref<20016x16xf32, #tpu.memory_space<vmem>>, vector<10000x1xf32>
    %get3A_2 = vector.shape_cast %get3A_1 : vector<10000x1xf32> to vector<10000xf32>
    %add3A = arith.constant 1.000000e+00 : f32
    %add3A_3 = vector.broadcast %add3A : f32 to vector<10000xf32>
    %add3A_4 = arith.addf %add3A_3, %get3A_2 : vector<10000xf32>
    %get3A_5 = arith.constant 10008 : index
    %get3A_6 = arith.constant 0 : index
    %get3A_7 = vector.load %arg1[%get3A_5, %get3A_6] : memref<20016x16xf32, #tpu.memory_space<vmem>>, vector<10000x1xf32>
    %get3A_8 = vector.shape_cast %get3A_7 : vector<10000x1xf32> to vector<10000xf32>
    %add3A_9 = arith.addf %add3A_4, %get3A_8 : vector<10000xf32>
    %rsqrt3A = math.rsqrt %add3A_9 : vector<10000xf32>
    %broadcast_in_dim3A = vector.shape_cast %rsqrt3A : vector<10000xf32> to vector<10000x1xf32>
    %swap3A = arith.constant 0 : index
    %swap3A_10 = arith.constant 0 : index
    %swap3A_11 = vector.load %arg3[%swap3A, %swap3A_10] : memref<10000x1xf32, #tpu.memory_space<vmem>>, vector<10000x1xf32>
    tpu.vector_store %arg3[%swap3A, %swap3A_10], %broadcast_in_dim3A {strides = array<i32>} : memref<10000x1xf32, #tpu.memory_space<vmem>>, vector<10000x1xf32>,
    %get3A_12 = arith.constant 0 : index
    %get3A_13 = arith.constant 0 : index
    %get3A_14 = vector.load %arg0[%get3A_12, %get3A_13] : memref<10000x128xf32, #tpu.memory_space<vmem>>, vector<10000x128xf32>
    %broadcast_in_dim3A_15 = vector.shape_cast %rsqrt3A : vector<10000xf32> to vector<10000x1xf32>
    %mul3A = vector.broadcast %broadcast_in_dim3A_15 : vector<10000x1xf32> to vector<10000x128xf32>
    %mul3A_16 = arith.mulf %get3A_14, %mul3A : vector<10000x128xf32>
    %swap3A_17 = arith.constant 0 : index
    %swap3A_18 = arith.constant 0 : index
    %swap3A_19 = vector.load %arg2[%swap3A_17, %swap3A_18] : memref<10008x128xf32, #tpu.memory_space<vmem>>, vector<10000x128xf32>
    tpu.vector_store %arg2[%swap3A_17, %swap3A_18], %mul3A_16 {strides = array<i32>} : memref<10008x128xf32, #tpu.memory_space<vmem>>, vector<10000x128xf32>,
    %broadcast_in_dim3A_20 = arith.constant 0.000000e+00 : f32
    %broadcast_in_dim3A_21 = vector.broadcast %broadcast_in_dim3A_20 : f32 to vector<8x128xf32>
    %swap3A_22 = arith.constant 10000 : index
    %swap3A_23 = arith.constant 0 : index
    %swap3A_24 = vector.load %arg2[%swap3A_22, %swap3A_23] : memref<10008x128xf32, #tpu.memory_space<vmem>>, vector<8x128xf32>
    tpu.vector_store %arg2[%swap3A_22, %swap3A_23], %broadcast_in_dim3A_21 {strides = array<i32>} : memref<10008x128xf32, #tpu.memory_space<vmem>>, vector<8x128xf32>,
    return
  }
}

module attributes {stable_mosaic.version = 14 : i64} {
  func.func @body(%arg0: memref<20016x128xf32, #tpu.memory_space<vmem>>, %arg1: memref<10008x128xf32, #tpu.memory_space<vmem>>, %arg2: memref<10000x1xf32, #tpu.memory_space<vmem>>, %arg3: memref<128xf32, #tpu.memory_space<vmem>>, %arg4: memref<128x64xf32, #tpu.memory_space<vmem>>, %arg5: memref<10008x64xf32, #tpu.memory_space<vmem>>) attributes {dimension_semantics = [], scalar_prefetch = 0 : i64, scratch_operands = 0 : i64, tpu.core_type = #tpu.core_type<tc>} {
    %get3A = arith.constant 0 : index
    %get3A_0 = arith.constant 0 : index
    %get3A_1 = vector.load %arg0[%get3A, %get3A_0] : memref<20016x128xf32, #tpu.memory_space<vmem>>, vector<10000x128xf32>
    %get3A_2 = arith.constant 10008 : index
    %get3A_3 = arith.constant 0 : index
    %get3A_4 = vector.load %arg0[%get3A_2, %get3A_3] : memref<20016x128xf32, #tpu.memory_space<vmem>>, vector<10000x128xf32>
    %add3A = arith.addf %get3A_1, %get3A_4 : vector<10000x128xf32>
    %get3A_5 = arith.constant 0 : index
    %get3A_6 = arith.constant 0 : index
    %get3A_7 = vector.load %arg1[%get3A_5, %get3A_6] : memref<10008x128xf32, #tpu.memory_space<vmem>>, vector<10000x128xf32>
    %add3A_8 = arith.addf %add3A, %get3A_7 : vector<10000x128xf32>
    %get3A_9 = arith.constant 0 : index
    %get3A_10 = arith.constant 0 : index
    %get3A_11 = vector.load %arg2[%get3A_9, %get3A_10] : memref<10000x1xf32, #tpu.memory_space<vmem>>, vector<10000x1xf32>
    %mul3A = vector.broadcast %get3A_11 : vector<10000x1xf32> to vector<10000x128xf32>
    %mul3A_12 = arith.mulf %add3A_8, %mul3A : vector<10000x128xf32>
    %get3A_13 = arith.constant 0 : index
    %get3A_14 = vector.load %arg3[%get3A_13] : memref<128xf32, #tpu.memory_space<vmem>>, vector<128xf32>
    %broadcast_in_dim3A = vector.shape_cast %get3A_14 : vector<128xf32> to vector<1x128xf32>
    %add3A_15 = vector.broadcast %broadcast_in_dim3A : vector<1x128xf32> to vector<10000x128xf32>
    %add3A_16 = arith.addf %mul3A_12, %add3A_15 : vector<10000x128xf32>
    %max3A = arith.constant 0.000000e+00 : f32
    %max3A_17 = vector.broadcast %max3A : f32 to vector<10000x128xf32>
    %max3A_18 = arith.maximumf %add3A_16, %max3A_17 : vector<10000x128xf32>
    %get3A_19 = arith.constant 0 : index
    %get3A_20 = arith.constant 0 : index
    %get3A_21 = vector.load %arg4[%get3A_19, %get3A_20] : memref<128x64xf32, #tpu.memory_space<vmem>>, vector<128x64xf32>
    %dot_general3A = arith.constant dense<0.000000e+00> : vector<10000x64xf32>
    %dot_general3A_22 = tpu.matmul %max3A_18, %get3A_21, %dot_general3A {dimension_numbers = #tpu.dot_dimension_numbers<[1], [0], [0], [1], [0, 0, 1, 1], [], []>, transpose_lhs_hint = false} : vector<10000x128xf32>, vector<128x64xf32>, vector<10000x64xf32> -> vector<10000x64xf32>
    %get3A_23 = arith.constant 0 : index
    %get3A_24 = arith.constant 0 : index
    %get3A_25 = vector.load %arg2[%get3A_23, %get3A_24] : memref<10000x1xf32, #tpu.memory_space<vmem>>, vector<10000x1xf32>
    %mul3A_26 = vector.broadcast %get3A_25 : vector<10000x1xf32> to vector<10000x64xf32>
    %mul3A_27 = arith.mulf %dot_general3A_22, %mul3A_26 : vector<10000x64xf32>
    %swap3A = arith.constant 0 : index
    %swap3A_28 = arith.constant 0 : index
    %swap3A_29 = vector.load %arg5[%swap3A, %swap3A_28] : memref<10008x64xf32, #tpu.memory_space<vmem>>, vector<10000x64xf32>
    tpu.vector_store %arg5[%swap3A, %swap3A_28], %mul3A_27 {strides = array<i32>} : memref<10008x64xf32, #tpu.memory_space<vmem>>, vector<10000x64xf32>,
    %broadcast_in_dim3A_30 = arith.constant 0.000000e+00 : f32
    %broadcast_in_dim3A_31 = vector.broadcast %broadcast_in_dim3A_30 : f32 to vector<8x64xf32>
    %swap3A_32 = arith.constant 10000 : index
    %swap3A_33 = arith.constant 0 : index
    %swap3A_34 = vector.load %arg5[%swap3A_32, %swap3A_33] : memref<10008x64xf32, #tpu.memory_space<vmem>>, vector<8x64xf32>
    tpu.vector_store %arg5[%swap3A_32, %swap3A_33], %broadcast_in_dim3A_31 {strides = array<i32>} : memref<10008x64xf32, #tpu.memory_space<vmem>>, vector<8x64xf32>,
    return
  }
}

module attributes {stable_mosaic.version = 14 : i64} {
  func.func @body(%arg0: memref<20016x64xf32, #tpu.memory_space<vmem>>, %arg1: memref<10008x64xf32, #tpu.memory_space<vmem>>, %arg2: memref<10000x1xf32, #tpu.memory_space<vmem>>, %arg3: memref<64xf32, #tpu.memory_space<vmem>>, %arg4: memref<10000x64xf32, #tpu.memory_space<vmem>>) attributes {dimension_semantics = [], scalar_prefetch = 0 : i64, scratch_operands = 0 : i64, tpu.core_type = #tpu.core_type<tc>} {
    %get3A = arith.constant 0 : index
    %get3A_0 = arith.constant 0 : index
    %get3A_1 = vector.load %arg0[%get3A, %get3A_0] : memref<20016x64xf32, #tpu.memory_space<vmem>>, vector<10000x64xf32>
    %get3A_2 = arith.constant 10008 : index
    %get3A_3 = arith.constant 0 : index
    %get3A_4 = vector.load %arg0[%get3A_2, %get3A_3] : memref<20016x64xf32, #tpu.memory_space<vmem>>, vector<10000x64xf32>
    %add3A = arith.addf %get3A_1, %get3A_4 : vector<10000x64xf32>
    %get3A_5 = arith.constant 0 : index
    %get3A_6 = arith.constant 0 : index
    %get3A_7 = vector.load %arg1[%get3A_5, %get3A_6] : memref<10008x64xf32, #tpu.memory_space<vmem>>, vector<10000x64xf32>
    %add3A_8 = arith.addf %add3A, %get3A_7 : vector<10000x64xf32>
    %get3A_9 = arith.constant 0 : index
    %get3A_10 = arith.constant 0 : index
    %get3A_11 = vector.load %arg2[%get3A_9, %get3A_10] : memref<10000x1xf32, #tpu.memory_space<vmem>>, vector<10000x1xf32>
    %mul3A = vector.broadcast %get3A_11 : vector<10000x1xf32> to vector<10000x64xf32>
    %mul3A_12 = arith.mulf %add3A_8, %mul3A : vector<10000x64xf32>
    %get3A_13 = arith.constant 0 : index
    %get3A_14 = vector.load %arg3[%get3A_13] : memref<64xf32, #tpu.memory_space<vmem>>, vector<64xf32>
    %broadcast_in_dim3A = vector.shape_cast %get3A_14 : vector<64xf32> to vector<1x64xf32>
    %add3A_15 = vector.broadcast %broadcast_in_dim3A : vector<1x64xf32> to vector<10000x64xf32>
    %add3A_16 = arith.addf %mul3A_12, %add3A_15 : vector<10000x64xf32>
    %max3A = arith.constant 0.000000e+00 : f32
    %max3A_17 = vector.broadcast %max3A : f32 to vector<10000x64xf32>
    %max3A_18 = arith.maximumf %add3A_16, %max3A_17 : vector<10000x64xf32>
    %swap3A = arith.constant 0 : index
    %swap3A_19 = arith.constant 0 : index
    %swap3A_20 = vector.load %arg4[%swap3A, %swap3A_19] : memref<10000x64xf32, #tpu.memory_space<vmem>>, vector<10000x64xf32>
    tpu.vector_store %arg4[%swap3A, %swap3A_19], %max3A_18 {strides = array<i32>} : memref<10000x64xf32, #tpu.memory_space<vmem>>, vector<10000x64xf32>,
    return
  }
}

</mosaic_0001>

<sc_bundles>
// kernel: gather_offload_async_start.1
scs
__scs_entry_jumppad:
0x0: {  	(pc) =	sbr.rel $0x88, $3  }
0x1: {  	(tag) =	ssettag $0x0;
	lr =	simm.s32 $0x1  }
0x2: {  	[smem:$0x3F9B] =	sst lr;
	_ =	strace $0xD0000000  }
0x3: {  	_ = 	snop  }
0x4: {  	_ = 	snop  }
0x5: {  	_ = 	snop  }
0x6: {  	_ = 	snop  }
0x7: {  	_ = 	snop  }
__scs_overlays_trampoline_lowered:
0x8: {  	[smem:$0x3FAA] =	sst s0  }
0x9: {  	[smem:$0x3FAB] =	sst s1  }
0xa: {  	[smem:$0x3FAC] =	sst s2  }
0xb: {  	[smem:$0x3FAD] =	sst s3  }
0xc: {  	[smem:$0x3FAE] =	sst s4  }
0xd: {  	[smem:$0x3FAF] =	sst s5  }
0xe: {  	[smem:$0x3FB0] =	sst s6  }
0xf: {  	[smem:$0x3FB1] =	sst s7  }
0x10: {  	[smem:$0x3FB2] =	sst s8  }
0x11: {  	[smem:$0x3FB3] =	sst s9;
	s0 =	simm.s32 @!p0 $0x0  }
0x12: {  	s1 =	sld [smem:$0x3F99];
	s0 =	simm.s32 @p0 $0x1  }
0x13: {  	[smem:$0x3FB4] =	sst s0;
	s0 =	simm.s32 @!p1 $0x0  }
0x14: {  	s2 =	sld [smem:$0x3F98];
	s0 =	simm.s32 @p1 $0x1  }
0x15: {  	[smem:$0x3FB5] =	sst s0;
	s0 =	simm.s32 @!p2 $0x0  }
0x16: {  	s3 =	sld [smem:$0x3FDB];
	s0 =	simm.s32 @p2 $0x1  }
0x17: {  	s4 =	simm.s32 $0x1BF5;
	[smem:$0x3FB7] =	sst s0  }
0x18: {  	s0 =	sld [smem:$0x3F9A];
	_ =	swait.ge [sflag:s4], $0x0  }
0x19: {  	s7 =	sld [smem:$0x3F9B]  }
0x1a: {  	s8 =	sadd.s32 $0xFFFFE003, lr  }
0x1b: {  	s9 =	sadd.s32 $0xFFFFFEF7, lr;
	s5 =	simm.s32 $0xFFFFFFFF;
	p2 =	slt.u32 s8, $0xFFFFF086  }
0x1c: {  	p1 =	slt.u32 s9, $0xF7A;
	s5 =	simm.s32 @!p2 $0x0  }
0x1d: {  	s5 =	simm.s32 @p1 $0x1;
	p0 =	seq.s32 s7, s2  }
0x1e: {  	s7 =	smul.u32 @!p0 $0xF7A, s2;
	p2 =	seq.s32 @!p0 s5, $0x0  }
0x1f: {  	s9 =	smul.u32 $0xF7A, s1;
	s8 =	simm.s32 @!p0 $0x1BF5;
	p2 =	por !p2, p0  }
0x20: {  	[sflag:s8] =	ssyncset.s32 @!p0 $0xFFFFF086;
	s6 =	sadd.s32 @!p0 s3, s7;
	s7 =	simm.s32 @!p0 $0x108  }
0x21: {  	s3 =	sadd.s32 s3, s9;
	s6 =	sadd.s32 @!p0 $0x88, s6;
	s7 =	simm.s32 @p2 $0x1082  }
0x22: {  	[simem:s7], [sflag:s8] =	dma.local @!p0 [hbm:s6], $0xF7A  }
0x23: {  	s9 =	sor.u32 $0xD0000000, s2;
	s6 =	simm.s32 $0x108;
	_ =	swait.ge @!p0 [sflag:s8], $0x0  }
0x24: {  	s3 =	sadd.s32 $0x88, s3;
	s6 =	simm.s32 @!p1 $0x1082;
	[sflag:s4] =	ssyncset.s32 $0xFFFFF086  }
0x25: {  	[simem:s6], [sflag:s4] =	dma.local [hbm:s3], $0xF7A  }
0x26: {  	[smem:$0x3F9B] =	sst s1;
	(tag) =	ssettag s2;
	_ =	strace s9  }
0x27: {  	s1 =	sld [smem:$0x3FAB]  }
0x28: {  	s2 =	sld [smem:$0x3FAC]  }
0x29: {  	s4 =	sld [smem:$0x3FAE]  }
0x2a: {  	p0 =	seq.s32 s5, $0x0;
	s5 =	sld [smem:$0x3FAF]  }
0x2b: {  	s6 =	sld [smem:$0x3FB0]  }
0x2c: {  	s7 =	sld [smem:$0x3FB1]  }
0x2d: {  	s3 =	simm.s32 $0x108;
	s8 =	sld [smem:$0x3FB2]  }
0x2e: {  	s3 =	simm.s32 @!p0 $0x1082;
	s9 =	sld [smem:$0x3FB3]  }
0x2f: {  	lr =	sadd.s32 s0, s3;
	s0 =	sld [smem:$0x3FAA]  }
0x30: {  	s3 =	sld [smem:$0x3FAD]  }
0x31: {  	[smem:$0x3FB6] =	sst s10  }
0x32: {  	s10 =	sld [smem:$0x3FB4];
	_ =	sdelay $0x3  }
0x33: {  	p0 =	seq.s32 s10, $0x1;
	s10 =	sld [smem:$0x3FB6];
	_ =	sdelay $0x3  }
0x34: {  	[smem:$0x3FB6] =	sst s10  }
0x35: {  	s10 =	sld [smem:$0x3FB5];
	_ =	sdelay $0x3  }
0x36: {  	p1 =	seq.s32 s10, $0x1;
	s10 =	sld [smem:$0x3FB6];
	_ =	sdelay $0x3  }
0x37: {  	[smem:$0x3FB6] =	sst s10  }
0x38: {  	s10 =	sld [smem:$0x3FB7]  }
0x39: {  	_ = 	snop;
	(pc) =	sbr.ind lr, $3  }
0x3a: {  	_ = 	snop  }
0x3b: {  	_ = 	snop  }
0x3c: {  	p2 =	seq.s32 s10, $0x1;
	s10 =	sld [smem:$0x3FB6]  }
0x3d: {  	_ =	shalt  }
0x3e: {  	_ =	shalt  }
0x3f: {  	_ =	shalt  }
0x40: {  	_ =	shalt  }
0x41: {  	_ =	shalt  }
0x42: {  	_ =	shalt  }
0x43: {  	_ =	shalt  }
0x44: {  	_ =	shalt  }
0x45: {  	_ =	shalt  }
0x46: {  	_ =	shalt  }
0x47: {  	_ =	shalt  }
0x48: {  	_ =	shalt  }
0x49: {  	_ =	shalt  }
0x4a: {  	_ =	shalt  }
0x4b: {  	_ =	shalt  }
0x4c: {  	_ =	shalt  }
0x4d: {  	_ =	shalt  }
0x4e: {  	_ =	shalt  }
0x4f: {  	_ =	shalt  }
0x50: {  	_ =	shalt  }
0x51: {  	_ =	shalt  }
0x52: {  	_ =	shalt  }
0x53: {  	_ =	shalt  }
0x54: {  	_ =	shalt  }
0x55: {  	_ =	shalt  }
0x56: {  	_ =	shalt  }
0x57: {  	_ =	shalt  }
0x58: {  	_ =	shalt  }
0x59: {  	_ =	shalt  }
0x5a: {  	_ =	shalt  }
0x5b: {  	_ =	shalt  }
0x5c: {  	_ =	shalt  }
0x5d: {  	_ =	shalt  }
0x5e: {  	_ =	shalt  }
0x5f: {  	_ =	shalt  }
0x60: {  	_ =	shalt  }
0x61: {  	_ =	shalt  }
0x62: {  	_ =	shalt  }
0x63: {  	_ =	shalt  }
0x64: {  	_ =	shalt  }
0x65: {  	_ =	shalt  }
0x66: {  	_ =	shalt  }
0x67: {  	_ =	shalt  }
0x68: {  	_ =	shalt  }
0x69: {  	_ =	shalt  }
0x6a: {  	_ =	shalt  }
0x6b: {  	_ =	shalt  }
0x6c: {  	_ =	shalt  }
0x6d: {  	_ =	shalt  }
0x6e: {  	_ =	shalt  }
0x6f: {  	_ =	shalt  }
0x70: {  	_ =	shalt  }
0x71: {  	_ =	shalt  }
0x72: {  	_ =	shalt  }
0x73: {  	_ =	shalt  }
0x74: {  	_ =	shalt  }
0x75: {  	_ =	shalt  }
0x76: {  	_ =	shalt  }
0x77: {  	_ =	shalt  }
0x78: {  	_ =	shalt  }
0x79: {  	_ =	shalt  }
0x7a: {  	_ =	shalt  }
0x7b: {  	_ =	shalt  }
0x7c: {  	_ =	shalt  }
0x7d: {  	_ =	shalt  }
0x7e: {  	_ =	shalt  }
0x7f: {  	_ =	shalt  }
0x80: {  	_ =	shalt  }
0x81: {  	_ =	shalt  }
0x82: {  	_ =	shalt  }
0x83: {  	_ =	shalt  }
0x84: {  	_ =	shalt  }
0x85: {  	_ =	shalt  }
0x86: {  	_ =	shalt  }
0x87: {  	_ =	shalt  }
.Lfunc_end0:
.L_simem_size_0:
called_computation.1_lowered:
.L_overlay_start_0:
0x88: {  	s2 =	sld [smem:$0x3FD9]  }
0x89: {  	s3 =	sld [smem:$0x3FFE];
	_ =	sdelay $0x1  }
0x8a: {  	s1 =	srdreg.scid  }
0x8b: {  	s0 =	sand.u32 $0x1, s1  }
0x8c: {  	s17 =	sshll.u32 s0, $0xA;
	s2 =	sadd.s32 s3, s2  }
0x8d: {  	s2 =	sadd.s32 s2, s17  }
0x8e: {  	[smem:$0x3FC2] =	sst s2  }
0x8f: {  	_ = 	snop  }
0x90: {  	s18 =	sld [smem:$0x3FD0];
	(tm) =	ssettm $0x1  }
0x91: {  	s19 =	sld [smem:$0x3FFB];
	_ =	sdelay $0x3  }
0x92: {  	_ =	strace s19  }
0x93: {  	s2 =	sld [smem:$0x3FFC];
	_ =	sdelay $0x3  }
0x94: {  	_ =	strace s2  }
0x95: {  	s2 =	sld [smem:$0x3FFD];
	_ =	sdelay $0x3  }
0x96: {  	_ =	strace s2  }
0x97: {  	_ =	strace $0x8FFFFFFF  }
0x98: {  	s20 =	sld [smem:$0x3FDB];
	_ =	sdelay $0x1  }
0x99: {  	s4 =	simm.s32 $_scs_section_size  }
0x9a: {  	s5 =	simm.s32 $_size__tile_overlayer_lowered;
	s6 =	simm.s32 $_tile_overlayer_lowered  }
0x9b: {  	s7 =	simm.s32 $0x1BFF;
	s21 =	sshll.u32 s6, $0x1;
	s4 =	sadd.s32 s4, s20  }
0x9c: {  	s22 =	simm.s32 $0x0;
	s5 =	sshll.u32 s5, $0x1;
	s6 =	sadd.s32 s21, s4  }
0x9d: {  	[timem:s22], [sflag:s7] =	dma.local [hbm:s6], s5  }
0x9e: {  	_ =	swait.ge [sflag:s7], s5  }
0x9f: {  	s5 =	ssub.s32 $0x0, s5;
	[sflag:s7] =	ssyncset.done $0x0  }
0xa0: {  	[sflag:s7] =	ssyncadd.s32 s5;
	_ =	sdelay $0x1  }
0xa1: {  	s23 =	simm.s32 $0x1B8B  }
0xa2: {  	_ =	swait.ge [sflag:s23], $0x1  }
0xa3: {  	[sflag:s23] =	ssyncset.done $0x0  }
0xa4: {  	[sflag:s23] =	ssyncadd.s32 $0xFFFFFFFF  }
0xa5: {  	s5 =	sld [smem:$0x0]  }
0xa6: {  	s6 =	sand.u32 $0xFFFFFFFE, s1  }
0xa7: {  	p0 =	sne.s32 s1, s6  }
0xa8: {  	s6 =	sshll.u32 @p0 s6, $0xE  }
0xa9: {  	s6 =	sadd.s32 @p0 $0x11B8D, s6;
	s7 =	sshll.u32 @p0 s5, $0x11  }
0xaa: {  	s6 =	sor.u32 @p0 s7, s6  }
0xab: {  	[sflag:s6] =	ssyncadd.remote.s32 @p0 $0x1;
	_ =	sdelay $0x1  }
0xac: {  	s6 =	simm.s32 @p0 $0x1B8D  }
0xad: {  	_ =	swait.eq @p0 [sflag:s6], $0x1  }
0xae: {  	[sflag:s6] =	ssyncadd.s32 @p0 $0xFFFFFFFF  }
0xaf: {  	s7 =	sshll.u32 @!p0 s1, $0xE  }
0xb0: {  	s7 =	sor.u32 @!p0 $0x4000, s7;
	s6 =	simm.s32 @!p0 $0x1B8D  }
0xb1: {  	s5 =	sshll.u32 @!p0 s5, $0x11;
	s7 =	sadd.s32 @!p0 $0x11B8D, s7;
	_ =	swait.eq @!p0 [sflag:s6], $0x1  }
0xb2: {  	s5 =	sor.u32 @!p0 s5, s7;
	[sflag:s6] =	ssyncadd.s32 @!p0 $0xFFFFFFFF  }
0xb3: {  	s25 =	simm.s32 $0x1B8E;
	s24 =	sld [smem:$0x3FFE];
	[sflag:s5] =	ssyncadd.remote.s32 @!p0 $0x1  }
0xb4: {  	s26 =	simm.s32 $execute0_lowered;
	[smem:$0x3FD2] =	sst s25  }
0xb5: {  	s6 =	sshll.u32 s26, $0x1;
	_ =	strace $0x8000004C;
	[dreg:$0x1] =	wrdreg $0xFFFFFFFF  }
0xb6: {  	s28 =	simm.s32 $_size_execute0_lowered;
	s4 =	sadd.s32 s4, s6;
	[dreg:$0x0] =	wrdreg $0x0  }
0xb7: {  	s6 =	sshll.u32 s28, $0x1;
	[dreg:$0x2] =	wrdreg s4  }
0xb8: {  	[dreg:$0x3] =	wrdreg s6  }
0xb9: {  	[dreg:$0x4] =	wrdreg $0xC0  }
0xba: {  	_ =	task [dreg:s22], $0x5FFFF  }
0xbb: {  	[dreg:$0x1] =	wrdreg $0xFFFFFFFF  }
0xbc: {  	[dreg:$0x0] =	wrdreg $0x60  }
0xbd: {  	[dreg:$0x2] =	wrdreg s18  }
0xbe: {  	[dreg:$0x3] =	wrdreg s24  }
0xbf: {  	[dreg:$0x4] =	wrdreg $0xA  }
0xc0: {  	_ =	task.clear_ibuf [dreg:s22], $0x5FFFF;
	_ =	strace $0x9000004C  }
0xc1: {  	s29 =	simm.s32 $0xA;
	_ =	strace $0x8000004E  }
0xc2: {  	_ =	swait.ge [sflag:s29], $0x1  }
0xc3: {  	[sflag:s29] =	ssyncadd.s32 $0xFFFFFFFF  }
0xc4: {  	_ =	strace $0x9000004E  }
0xc5: {  	_ =	sfence  }
0xc6: {  	s30 =	sld [smem:$0x0];
	_ =	sdelay $0x2  }
0xc7: {  	s31 =	sshll.u32 s1, $0xD;
	s1 =	sshrl.u32 s1, $0x2  }
0xc8: {  	s4 =	sand.u32 $0x4000, s31;
	s1 =	sadd.s32 s1, s30  }
0xc9: {  	s0 =	sor.u32 s4, s0;
	s1 =	sshll.u32 s1, $0x11  }
0xca: {  	s0 =	sor.u32 s1, s0  }
0xcb: {  	s0 =	sadd.s32 $0x8F2B, s0  }
0xcc: {  	[sflag:s0] =	ssyncadd.remote.s32 $0x1  }
0xcd: {  	_ =	sfence.sel $0xFFFF  }
0xce: {  	[dreg:$0x0] =	wrdreg $0xFFFFFFFF;
	(pc) =	sbr.abs _section_cstart, $3  }
0xcf: {  	[dreg:$0x1] =	wrdreg $0xFFFFFFFF  }
0xd0: {  	_ =	task.clear_ibuf [dreg:s22], $0x2FFFF;
	_ =	strace $0x9FFFFFFF  }
0xd1: {  	(tm) =	ssettm $0x7FFFFFFF  }
tec
execute0_lowered:
.L_overlay_start_1:
0x0: {  	(tag) =	ssettag $0x1  }
0x1: {  	s0 =	srdreg.scid  }
0x2: {  	s1 =	sshll.u32 s0, $0x4  }
0x3: {  	s0 =	stileid.u32;
	s1 =	sand.u32 $0x10, s1  }
0x4: {  	s1 =	sor.u32 s0, s1  }
0x5: {  	s9 =	rddreg [dreg:$0x1];
	s6 =	simm.s32 $0x1;
	s2 =	smin.u32 s1, $0x8  }
0x6: {  	p0 =	slt.u32 s1, $0x8;
	s3 =	sadd.s32 s1, s2;
	s1 =	simm.s32 $0x80  }
0x7: {  	s7 =	simm.s32 $0x2;
	s3 =	sshll.u32 s3, $0x6;
	s1 =	simm.s32 @!p0 $0x40  }
0x8: {  	s10 =	simm.s32 $0x3;
	s13 =	simm.s32 $0x0;
	s4 =	sadd.s32 s1, s3  }
0x9: {  	s12 =	simm.s32 $0x0;
	s5 =	sadd.s32 $0x2E00, s9;
	s4 =	smin.u32 s4, $0xA00  }
.Ltmp0:
0xa: {  	s2 =	rddreg [dreg:$0x0];
	s8 =	ssub.s32 s4, s3;
	(pc) =	sbr.rel .LBB2_1-.Ltmp0, $4  }
0xb: {  	s1 =	rddreg [dreg:$0x2];
	_ =	strace $0x8000004D;
	p0 =	sgt.s32 s8, $0x0  }
0xc: {  	s9 =	sadd.s32 $0x21000, s9;
	[sflag:s6] =	ssyncpa.u1 $0x0;
	s8 =	simm.s32 @!p0 $0x0  }
0xd: {  	s11 =	smov.u32 s3;
	[sflag:s7] =	ssyncpa.u1 $0x0;
	s8 =	sshrl.u32 s8, $0x6  }
0xe: {  	vm0 =	vmmov $0xff;
	vm1 =	vcmask $0x3F20;
	[sflag:s10] =	ssyncpa.u1 $0x0;
	p0 =	por $0x0, $0x0;
	s10 =	sadd.s32 $0x1, s8  }
.LBB2_6:
0xf: {  	[hbm:s17] =	stream.linear.scatter [tilespmem:s14], [sflag:$0x3], $0x400, $0x38;
	[tilespmem:$0x4080] =	vst v63  }
.LBB2_7:
0x10: {  	s13 =	sadd.s32 $0x40, s11  }
0x11: {  	s15 =	smov.u32 s3;
	p2 =	slt.s32 s13, s4  }
0x12: {  	s15 =	smov.u32 @p2 s13;
	p2 =	sne.s32 s12, s10  }
.Ltmp1:
0x13: {  	p1 =	slt.u32 s12, $0x2;
	(pc) =	sbr.rel @!p2 .LBB2_8-.Ltmp1, $4  }
0x14: {  	s14 =	simm.s32 @!p1 $0x3  }
0x15: {  	s16 =	sadd.s32 $0x1, s12;
	_ =	swait.ge @!p1 [sflag:s14], $0x2000  }
0x16: {  	p0 =	por !p0, !p0;
	s13 =	smov.u32 s11;
	[sflag:s14] =	ssyncset.done @!p1 $0x0  }
0x17: {  	s12 =	smov.u32 s16;
	s11 =	smov.u32 s15;
	[sflag:s14] =	ssyncadd.s32 @!p1 $0xFFFFE000  }
.LBB2_1:
0x18: {  	p1 =	sge.u32 s12, s8  }
0x19: {  	s14 =	sxor.u32 @!p1 $0xFFFFFFFF, s12  }
0x1a: {  	s31 =	sadd.s32 $0xFFFFFFFF, s12;
	s15 =	sshrl.u32 @!p1 s11, $0x3;
	s14 =	sshll.u32 @!p1 s14, $0x6  }
0x1b: {  	s16 =	sand.u32 @!p1 $0x7, s11;
	s15 =	sadd.s32 @!p1 s5, s15;
	s14 =	sand.u32 @!p1 $0x40, s14  }
0x1c: {  	[tilespmem:s14], [sflag:$0x2] =	stream.linear.gather @!p1 [hbm4b:s15+s16], $0x40, $0x38;
	[tilespmem:$0x4080] =	vst v63  }
0x1d: {  	p1 =	sge.u32 s31, s8  }
.Ltmp2:
0x1e: {  	_ = 	snop;
	(pc) =	sbr.rel @p1 .LBB2_7-.Ltmp2, $1  }
0x1f: {  	_ =	sdelay $0x3  }
0x20: {  	s14 =	simm.s32 $0x1  }
0x21: {  	_ =	swait.ge [sflag:s7], $0x40;
	s14 =	simm.s32 @!p0 $0x0  }
0x22: {  	[sflag:s7] =	ssyncset.done $0x0;
	s16 =	sshll.u32 s14, $0x6  }
0x23: {  	[sflag:s7] =	ssyncadd.s32 $0xFFFFFFC0;
	s15 =	sadd.s32 $0x0, s16  }
0x24: {  	v0 =	vld.msk [tilespmem:s15+$0x0 ss:$0x1], $0xffff;
	_ =	sdelay $0x4  }
0x25: {  	vm2 =	vgt.s32 v0, $0x0  }
0x26: {  	v0 =	vnsel vm2, $0x0, v0  }
0x27: {  	v0 =	vmin.u32 v0, $0x9FF  }
0x28: {  	v0 =	vshll.u32 v0, $0x4;
	_ =	sdelay $0x2  }
0x29: {  	s14 =	sshll.u32 s14, $0xD  }
0x2a: {  	s14 =	sor.u32 $0x80, s14  }
0x2b: {  	[tilespmem:s14], [sflag:$0x1] =	stream.indirect_vreg.gather [hbm:s2], $0x80, v0, vm0, $0x38;
	[tilespmem:$0x4080] =	vst v63  }
0x2c: {  	s17 =	sadd.s32 $0x10, s16;
	s15 =	sadd.s32 $0x400, s14  }
0x2d: {  	[tilespmem:s15], [sflag:$0x1] =	stream.indirect_vreg.gather [hbm:s2], $0x80, v0, vm1, $0x38;
	[tilespmem:$0x4080] =	vst v63  }
0x2e: {  	s18 =	simm.s32 $0x80;
	v0 =	vld.msk [tilespmem:s17+$0x0 ss:$0x1], $0xffff;
	s17 =	smov.u32 s14  }
.LBB2_3:
0x2f: {  	p1 =	sne.s32 s18, $0xC0;
	_ =	sdelay $0x4  }
0x30: {  	vm2 =	vgt.s32 v0, $0x0  }
0x31: {  	v0 =	vnsel vm2, $0x0, v0  }
0x32: {  	v0 =	vmin.u32 v0, $0x9FF  }
0x33: {  	v0 =	vshll.u32 v0, $0x4;
	_ =	sdelay $0x3  }
.Ltmp3:
0x34: {  	s19 =	sshra.s32 s18, $0x2;
	s17 =	sadd.s32 $0x800, s17;
	(pc) =	sbr.rel @p1 .LBB2_3-.Ltmp3, $4  }
0x35: {  	[tilespmem:s17], [sflag:$0x1] =	stream.indirect_vreg.gather [hbm:s2], $0x80, v0, vm0, $0x38;
	[tilespmem:$0x4080] =	vst v63  }
0x36: {  	s19 =	sadd.s32 s19, s16;
	s20 =	sadd.s32 $0x400, s17  }
0x37: {  	[tilespmem:s20], [sflag:$0x1] =	stream.indirect_vreg.gather [hbm:s2], $0x80, v0, vm1, $0x38;
	[tilespmem:$0x4080] =	vst v63  }
0x38: {  	s18 =	sadd.s32 $0x40, s18;
	v0 =	vld.msk [tilespmem:s19+$0x0 ss:$0x1], $0xffff  }
0x39: {  	_ =	sdelay $0x3  }
0x3a: {  	vm2 =	vgt.s32 v0, $0x0  }
0x3b: {  	v0 =	vnsel vm2, $0x0, v0  }
0x3c: {  	v0 =	vmin.u32 v0, $0x9FF  }
0x3d: {  	v0 =	vshll.u32 v0, $0x4;
	_ =	sdelay $0x3  }
0x3e: {  	s16 =	sadd.s32 $0x800, s17  }
0x3f: {  	[tilespmem:s16], [sflag:$0x1] =	stream.indirect_vreg.gather [hbm:s2], $0x80, v0, vm0, $0x38;
	[tilespmem:$0x4080] =	vst v63  }
0x40: {  	s16 =	sadd.s32 $0x400, s16  }
0x41: {  	[tilespmem:s16], [sflag:$0x1] =	stream.indirect_vreg.gather [hbm:s2], $0x80, v0, vm1, $0x38;
	[tilespmem:$0x4080] =	vst v63  }
0x42: {  	s13 =	sshll.u32 s13, $0x4;
	_ =	swait.ge [sflag:s6], $0x2000  }
0x43: {  	s13 =	sadd.s32 s13, s9;
	[sflag:s6] =	ssyncset.done $0x0  }
0x44: {  	s17 =	sadd.s32 $0x0, s13;
	s16 =	simm.s32 $0x80;
	[sflag:s6] =	ssyncadd.s32 $0xFFFFE000  }
.LBB2_5:
0x45: {  	[hbm:s17] =	stream.linear.scatter [tilespmem:s14], [sflag:$0x3], $0x400, $0x38;
	[tilespmem:$0x4080] =	vst v63  }
0x46: {  	s17 =	smov.u32 s16;
	s14 =	smov.u32 s15;
	p1 =	sne.s32 s16, $0x380  }
.Ltmp4:
0x47: {  	s16 =	sadd.s32 $0x80, s16;
	(pc) =	sbr.rel @p1 .LBB2_5-.Ltmp4, $2  }
0x48: {  	_ =	sdelay $0x2  }
0x49: {  	s15 =	sadd.s32 $0x400, s15;
	s17 =	sadd.s32 s17, s13  }
.Ltmp5:
0x4a: {  	_ = 	snop;
	(pc) =	sbr.rel .LBB2_6-.Ltmp5, $1  }
0x4b: {  	_ =	sdelay $0x3  }
.LBB2_8:
0x4c: {  	_ =	sfence.sel $0x180000  }
0x4d: {  	s2 =	simm.s32 $0x2;
	[bflag:$0x0] =	sbarrier.arrive $0xFFFF  }
0x4e: {  	s30 =	simm.s32 $0x3;
	[sflag:s2] =	ssyncpa.u1 $0x1  }
0x4f: {  	s31 =	simm.s32 $0x1;
	[sflag:s30] =	ssyncpa.u1 $0x1  }
0x50: {  	[sflag:s31] =	ssyncpa.u1 $0x1  }
0x51: {  	p0 =	sne.s32 s0, $0x0;
	_ =	strace $0x9000004D  }
0x52: {  	s0 =	sadd.s32 @!p0 $0x100000, s1;
	[bflag:$0x2] =	sbarrier.arrive $0xFFFF  }
0x53: {  	[sflag:s0] =	ssyncadd.tile.s32 @!p0 $0x1;
	_ =	shalt  }
.Lfunc_end2:
_tile_overlayer_lowered:
.L_overlay_start_2:
0x54: {  	(tag) =	ssettag $0x2  }
0x55: {  	s0 =	rddreg [dreg:$0x0];
	s2 =	stileid.u32  }
0x56: {  	s1 =	rddreg [dreg:$0x1];
	p0 =	sne.s32 s2, $0x0  }
0x57: {  	s3 =	rddreg [dreg:$0x2];
	[bflag:$0x3] =	sbarrier.arrive $0xFFFF;
	s2 =	simm.s32 @!p0 $0x1C01  }
0x58: {  	[timem:s3], [sflag:s2] =	dma.local @!p0 [hbm:s0], s1  }
0x59: {  	s0 =	simm.s32 @!p0 $0x1  }
0x5a: {  	_ =	swait.ge @!p0 [sflag:s0], s1  }
0x5b: {  	s1 =	ssub.s32 @!p0 $0x0, s1;
	[sflag:s0] =	ssyncset.done @!p0 $0x0  }
0x5c: {  	[sflag:s0] =	ssyncadd.s32 @!p0 s1  }
0x5d: {  	[bflag:$0x3] =	sbarrier.arrive $0xFFFF  }
0x5e: {  	_ =	shalt  }

// kernel: gather_offload_async_start.2
scs
__scs_entry_jumppad:
0x0: {  	(pc) =	sbr.rel $0x88, $3  }
0x1: {  	(tag) =	ssettag $0x0;
	lr =	simm.s32 $0x1  }
0x2: {  	[smem:$0x3F9B] =	sst lr;
	_ =	strace $0xD0000000  }
0x3: {  	_ = 	snop  }
0x4: {  	_ = 	snop  }
0x5: {  	_ = 	snop  }
0x6: {  	_ = 	snop  }
0x7: {  	_ = 	snop  }
__scs_overlays_trampoline_lowered:
0x8: {  	[smem:$0x3FAA] =	sst s0  }
0x9: {  	[smem:$0x3FAB] =	sst s1  }
0xa: {  	[smem:$0x3FAC] =	sst s2  }
0xb: {  	[smem:$0x3FAD] =	sst s3  }
0xc: {  	[smem:$0x3FAE] =	sst s4  }
0xd: {  	[smem:$0x3FAF] =	sst s5  }
0xe: {  	[smem:$0x3FB0] =	sst s6  }
0xf: {  	[smem:$0x3FB1] =	sst s7  }
0x10: {  	[smem:$0x3FB2] =	sst s8  }
0x11: {  	[smem:$0x3FB3] =	sst s9;
	s0 =	simm.s32 @!p0 $0x0  }
0x12: {  	s1 =	sld [smem:$0x3F99];
	s0 =	simm.s32 @p0 $0x1  }
0x13: {  	[smem:$0x3FB4] =	sst s0;
	s0 =	simm.s32 @!p1 $0x0  }
0x14: {  	s2 =	sld [smem:$0x3F98];
	s0 =	simm.s32 @p1 $0x1  }
0x15: {  	[smem:$0x3FB5] =	sst s0;
	s0 =	simm.s32 @!p2 $0x0  }
0x16: {  	s3 =	sld [smem:$0x3FDB];
	s0 =	simm.s32 @p2 $0x1  }
0x17: {  	s4 =	simm.s32 $0x1BF5;
	[smem:$0x3FB7] =	sst s0  }
0x18: {  	s0 =	sld [smem:$0x3F9A];
	_ =	swait.ge [sflag:s4], $0x0  }
0x19: {  	s7 =	sld [smem:$0x3F9B]  }
0x1a: {  	s8 =	sadd.s32 $0xFFFFE003, lr  }
0x1b: {  	s9 =	sadd.s32 $0xFFFFFEF7, lr;
	s5 =	simm.s32 $0xFFFFFFFF;
	p2 =	slt.u32 s8, $0xFFFFF086  }
0x1c: {  	p1 =	slt.u32 s9, $0xF7A;
	s5 =	simm.s32 @!p2 $0x0  }
0x1d: {  	s5 =	simm.s32 @p1 $0x1;
	p0 =	seq.s32 s7, s2  }
0x1e: {  	s7 =	smul.u32 @!p0 $0xF7A, s2;
	p2 =	seq.s32 @!p0 s5, $0x0  }
0x1f: {  	s9 =	smul.u32 $0xF7A, s1;
	s8 =	simm.s32 @!p0 $0x1BF5;
	p2 =	por !p2, p0  }
0x20: {  	[sflag:s8] =	ssyncset.s32 @!p0 $0xFFFFF086;
	s6 =	sadd.s32 @!p0 s3, s7;
	s7 =	simm.s32 @!p0 $0x108  }
0x21: {  	s3 =	sadd.s32 s3, s9;
	s6 =	sadd.s32 @!p0 $0x88, s6;
	s7 =	simm.s32 @p2 $0x1082  }
0x22: {  	[simem:s7], [sflag:s8] =	dma.local @!p0 [hbm:s6], $0xF7A  }
0x23: {  	s9 =	sor.u32 $0xD0000000, s2;
	s6 =	simm.s32 $0x108;
	_ =	swait.ge @!p0 [sflag:s8], $0x0  }
0x24: {  	s3 =	sadd.s32 $0x88, s3;
	s6 =	simm.s32 @!p1 $0x1082;
	[sflag:s4] =	ssyncset.s32 $0xFFFFF086  }
0x25: {  	[simem:s6], [sflag:s4] =	dma.local [hbm:s3], $0xF7A  }
0x26: {  	[smem:$0x3F9B] =	sst s1;
	(tag) =	ssettag s2;
	_ =	strace s9  }
0x27: {  	s1 =	sld [smem:$0x3FAB]  }
0x28: {  	s2 =	sld [smem:$0x3FAC]  }
0x29: {  	s4 =	sld [smem:$0x3FAE]  }
0x2a: {  	p0 =	seq.s32 s5, $0x0;
	s5 =	sld [smem:$0x3FAF]  }
0x2b: {  	s6 =	sld [smem:$0x3FB0]  }
0x2c: {  	s7 =	sld [smem:$0x3FB1]  }
0x2d: {  	s3 =	simm.s32 $0x108;
	s8 =	sld [smem:$0x3FB2]  }
0x2e: {  	s3 =	simm.s32 @!p0 $0x1082;
	s9 =	sld [smem:$0x3FB3]  }
0x2f: {  	lr =	sadd.s32 s0, s3;
	s0 =	sld [smem:$0x3FAA]  }
0x30: {  	s3 =	sld [smem:$0x3FAD]  }
0x31: {  	[smem:$0x3FB6] =	sst s10  }
0x32: {  	s10 =	sld [smem:$0x3FB4];
	_ =	sdelay $0x3  }
0x33: {  	p0 =	seq.s32 s10, $0x1;
	s10 =	sld [smem:$0x3FB6];
	_ =	sdelay $0x3  }
0x34: {  	[smem:$0x3FB6] =	sst s10  }
0x35: {  	s10 =	sld [smem:$0x3FB5];
	_ =	sdelay $0x3  }
0x36: {  	p1 =	seq.s32 s10, $0x1;
	s10 =	sld [smem:$0x3FB6];
	_ =	sdelay $0x3  }
0x37: {  	[smem:$0x3FB6] =	sst s10  }
0x38: {  	s10 =	sld [smem:$0x3FB7]  }
0x39: {  	_ = 	snop;
	(pc) =	sbr.ind lr, $3  }
0x3a: {  	_ = 	snop  }
0x3b: {  	_ = 	snop  }
0x3c: {  	p2 =	seq.s32 s10, $0x1;
	s10 =	sld [smem:$0x3FB6]  }
0x3d: {  	_ =	shalt  }
0x3e: {  	_ =	shalt  }
0x3f: {  	_ =	shalt  }
0x40: {  	_ =	shalt  }
0x41: {  	_ =	shalt  }
0x42: {  	_ =	shalt  }
0x43: {  	_ =	shalt  }
0x44: {  	_ =	shalt  }
0x45: {  	_ =	shalt  }
0x46: {  	_ =	shalt  }
0x47: {  	_ =	shalt  }
0x48: {  	_ =	shalt  }
0x49: {  	_ =	shalt  }
0x4a: {  	_ =	shalt  }
0x4b: {  	_ =	shalt  }
0x4c: {  	_ =	shalt  }
0x4d: {  	_ =	shalt  }
0x4e: {  	_ =	shalt  }
0x4f: {  	_ =	shalt  }
0x50: {  	_ =	shalt  }
0x51: {  	_ =	shalt  }
0x52: {  	_ =	shalt  }
0x53: {  	_ =	shalt  }
0x54: {  	_ =	shalt  }
0x55: {  	_ =	shalt  }
0x56: {  	_ =	shalt  }
0x57: {  	_ =	shalt  }
0x58: {  	_ =	shalt  }
0x59: {  	_ =	shalt  }
0x5a: {  	_ =	shalt  }
0x5b: {  	_ =	shalt  }
0x5c: {  	_ =	shalt  }
0x5d: {  	_ =	shalt  }
0x5e: {  	_ =	shalt  }
0x5f: {  	_ =	shalt  }
0x60: {  	_ =	shalt  }
0x61: {  	_ =	shalt  }
0x62: {  	_ =	shalt  }
0x63: {  	_ =	shalt  }
0x64: {  	_ =	shalt  }
0x65: {  	_ =	shalt  }
0x66: {  	_ =	shalt  }
0x67: {  	_ =	shalt  }
0x68: {  	_ =	shalt  }
0x69: {  	_ =	shalt  }
0x6a: {  	_ =	shalt  }
0x6b: {  	_ =	shalt  }
0x6c: {  	_ =	shalt  }
0x6d: {  	_ =	shalt  }
0x6e: {  	_ =	shalt  }
0x6f: {  	_ =	shalt  }
0x70: {  	_ =	shalt  }
0x71: {  	_ =	shalt  }
0x72: {  	_ =	shalt  }
0x73: {  	_ =	shalt  }
0x74: {  	_ =	shalt  }
0x75: {  	_ =	shalt  }
0x76: {  	_ =	shalt  }
0x77: {  	_ =	shalt  }
0x78: {  	_ =	shalt  }
0x79: {  	_ =	shalt  }
0x7a: {  	_ =	shalt  }
0x7b: {  	_ =	shalt  }
0x7c: {  	_ =	shalt  }
0x7d: {  	_ =	shalt  }
0x7e: {  	_ =	shalt  }
0x7f: {  	_ =	shalt  }
0x80: {  	_ =	shalt  }
0x81: {  	_ =	shalt  }
0x82: {  	_ =	shalt  }
0x83: {  	_ =	shalt  }
0x84: {  	_ =	shalt  }
0x85: {  	_ =	shalt  }
0x86: {  	_ =	shalt  }
0x87: {  	_ =	shalt  }
.Lfunc_end0:
.L_simem_size_0:
called_computation.2_lowered:
.L_overlay_start_0:
0x88: {  	s2 =	sld [smem:$0x3FD9]  }
0x89: {  	s3 =	sld [smem:$0x3FFE];
	_ =	sdelay $0x1  }
0x8a: {  	s1 =	srdreg.scid  }
0x8b: {  	s0 =	sand.u32 $0x1, s1  }
0x8c: {  	s16 =	sshll.u32 s0, $0xA;
	s2 =	sadd.s32 s3, s2  }
0x8d: {  	s2 =	sadd.s32 s2, s16  }
0x8e: {  	[smem:$0x3FC2] =	sst s2  }
0x8f: {  	_ = 	snop  }
0x90: {  	(tm) =	ssettm $0x1  }
0x91: {  	s17 =	sld [smem:$0x3FFB];
	_ =	sdelay $0x3  }
0x92: {  	_ =	strace s17  }
0x93: {  	s2 =	sld [smem:$0x3FFC];
	_ =	sdelay $0x3  }
0x94: {  	_ =	strace s2  }
0x95: {  	s2 =	sld [smem:$0x3FFD];
	_ =	sdelay $0x3  }
0x96: {  	_ =	strace s2  }
0x97: {  	_ =	strace $0x8FFFFFFF  }
0x98: {  	s18 =	sld [smem:$0x3FDB];
	_ =	sdelay $0x1  }
0x99: {  	s19 =	simm.s32 $_scs_section_size  }
0x9a: {  	s4 =	simm.s32 $_size__tile_overlayer_lowered;
	s5 =	simm.s32 $_tile_overlayer_lowered  }
0x9b: {  	s22 =	simm.s32 $0x1BFF;
	s21 =	sshll.u32 s5, $0x1;
	s2 =	sadd.s32 s19, s18  }
0x9c: {  	s6 =	simm.s32 $0x0;
	s20 =	sshll.u32 s4, $0x1;
	s4 =	sadd.s32 s21, s2  }
0x9d: {  	[timem:s6], [sflag:s22] =	dma.local [hbm:s4], s20  }
0x9e: {  	_ =	swait.ge [sflag:s22], s20  }
0x9f: {  	s3 =	ssub.s32 $0x0, s20;
	[sflag:s22] =	ssyncset.done $0x0  }
0xa0: {  	[sflag:s22] =	ssyncadd.s32 s3;
	_ =	sdelay $0x1  }
0xa1: {  	s23 =	simm.s32 $0x1B8B  }
0xa2: {  	_ =	swait.ge [sflag:s23], $0x1  }
0xa3: {  	[sflag:s23] =	ssyncset.done $0x0  }
0xa4: {  	s25 =	simm.s32 $0x1B8E;
	s24 =	sld [smem:$0x3FFE];
	[sflag:s23] =	ssyncadd.s32 $0xFFFFFFFF  }
0xa5: {  	s26 =	simm.s32 $execute0_lowered;
	[smem:$0x3FD2] =	sst s25  }
0xa6: {  	s4 =	sshll.u32 s26, $0x1;
	_ =	strace $0x80000046;
	[dreg:$0x1] =	wrdreg $0xFFFFFFFF  }
0xa7: {  	s28 =	simm.s32 $_size_execute0_lowered;
	s2 =	sadd.s32 s2, s4;
	[dreg:$0x0] =	wrdreg $0x0  }
0xa8: {  	s4 =	sshll.u32 s28, $0x1;
	[dreg:$0x2] =	wrdreg s2  }
0xa9: {  	[dreg:$0x3] =	wrdreg s4  }
0xaa: {  	[dreg:$0x4] =	wrdreg $0xC0  }
0xab: {  	_ =	task [dreg:s6], $0x5FFFF  }
0xac: {  	[dreg:$0x1] =	wrdreg $0xFFFFFFFF  }
0xad: {  	[dreg:$0x0] =	wrdreg $0x60  }
0xae: {  	[dreg:$0x2] =	wrdreg s24  }
0xaf: {  	[dreg:$0x3] =	wrdreg $0x9  }
0xb0: {  	_ =	task.clear_ibuf [dreg:s6], $0x4FFFF;
	_ =	strace $0x90000046  }
0xb1: {  	s29 =	simm.s32 $0x9;
	_ =	strace $0x80000048  }
0xb2: {  	_ =	swait.ge [sflag:s29], $0x1  }
0xb3: {  	[sflag:s29] =	ssyncadd.s32 $0xFFFFFFFF  }
0xb4: {  	_ =	strace $0x90000048  }
0xb5: {  	_ =	sfence  }
0xb6: {  	s30 =	sld [smem:$0x0];
	_ =	sdelay $0x2  }
0xb7: {  	s31 =	sshll.u32 s1, $0xD;
	s1 =	sshrl.u32 s1, $0x2  }
0xb8: {  	s3 =	sand.u32 $0x4000, s31;
	s1 =	sadd.s32 s1, s30  }
0xb9: {  	s0 =	sor.u32 s3, s0;
	s1 =	sshll.u32 s1, $0x11  }
0xba: {  	s0 =	sor.u32 s1, s0  }
0xbb: {  	s0 =	sadd.s32 $0x8F2B, s0  }
0xbc: {  	[sflag:s0] =	ssyncadd.remote.s32 $0x1  }
0xbd: {  	_ =	sfence.sel $0xFFFF  }
0xbe: {  	[dreg:$0x0] =	wrdreg $0xFFFFFFFF;
	(pc) =	sbr.abs _section_cstart, $3  }
0xbf: {  	[dreg:$0x1] =	wrdreg $0xFFFFFFFF  }
0xc0: {  	_ =	task.clear_ibuf [dreg:s6], $0x2FFFF;
	_ =	strace $0x9FFFFFFF  }
0xc1: {  	(tm) =	ssettm $0x7FFFFFFF  }
tec
execute0_lowered:
.L_overlay_start_1:
0x0: {  	(tag) =	ssettag $0x1  }
0x1: {  	s0 =	srdreg.scid  }
0x2: {  	s1 =	sshll.u32 s0, $0x4  }
0x3: {  	s0 =	stileid.u32;
	s1 =	sand.u32 $0x10, s1  }
0x4: {  	s1 =	sor.u32 s0, s1  }
0x5: {  	s9 =	rddreg [dreg:$0x0];
	s6 =	simm.s32 $0x1;
	s2 =	smin.u32 s1, $0x8  }
0x6: {  	p0 =	slt.u32 s1, $0x8;
	s2 =	sadd.s32 s1, s2;
	s1 =	simm.s32 $0x80  }
0x7: {  	s7 =	simm.s32 $0x2;
	s2 =	sshll.u32 s2, $0x6;
	s1 =	simm.s32 @!p0 $0x40  }
0x8: {  	s10 =	simm.s32 $0x3;
	s13 =	simm.s32 $0x0;
	s3 =	sadd.s32 s1, s2  }
0x9: {  	s12 =	simm.s32 $0x0;
	s4 =	sadd.s32 $0x3000, s9;
	s3 =	smin.u32 s3, $0xA00  }
.Ltmp0:
0xa: {  	s5 =	sadd.s32 $0x2E00, s9;
	s8 =	ssub.s32 s3, s2;
	(pc) =	sbr.rel .LBB2_1-.Ltmp0, $4  }
0xb: {  	s1 =	rddreg [dreg:$0x1];
	_ =	strace $0x80000047;
	p0 =	sgt.s32 s8, $0x0  }
0xc: {  	s9 =	sadd.s32 $0x17000, s9;
	[sflag:s6] =	ssyncpa.u1 $0x0;
	s8 =	simm.s32 @!p0 $0x0  }
0xd: {  	s11 =	smov.u32 s2;
	[sflag:s7] =	ssyncpa.u1 $0x0;
	s8 =	sshrl.u32 s8, $0x6  }
0xe: {  	vm0 =	vmmov $0xff;
	vm1 =	vcmask $0x3F20;
	[sflag:s10] =	ssyncpa.u1 $0x0;
	p0 =	por $0x0, $0x0;
	s10 =	sadd.s32 $0x1, s8  }
.LBB2_6:
0xf: {  	[hbm:s17] =	stream.linear.scatter [tilespmem:s14], [sflag:$0x3], $0x400, $0x38;
	[tilespmem:$0x4080] =	vst v63  }
.LBB2_7:
0x10: {  	s13 =	sadd.s32 $0x40, s11  }
0x11: {  	s15 =	smov.u32 s2;
	p2 =	slt.s32 s13, s3  }
0x12: {  	s15 =	smov.u32 @p2 s13;
	p2 =	sne.s32 s12, s10  }
.Ltmp1:
0x13: {  	p1 =	slt.u32 s12, $0x2;
	(pc) =	sbr.rel @!p2 .LBB2_8-.Ltmp1, $4  }
0x14: {  	s14 =	simm.s32 @!p1 $0x3  }
0x15: {  	s16 =	sadd.s32 $0x1, s12;
	_ =	swait.ge @!p1 [sflag:s14], $0x2000  }
0x16: {  	p0 =	por !p0, !p0;
	s13 =	smov.u32 s11;
	[sflag:s14] =	ssyncset.done @!p1 $0x0  }
0x17: {  	s12 =	smov.u32 s16;
	s11 =	smov.u32 s15;
	[sflag:s14] =	ssyncadd.s32 @!p1 $0xFFFFE000  }
.LBB2_1:
0x18: {  	p1 =	sge.u32 s12, s8  }
0x19: {  	s14 =	sxor.u32 @!p1 $0xFFFFFFFF, s12  }
0x1a: {  	s31 =	sadd.s32 $0xFFFFFFFF, s12;
	s15 =	sshrl.u32 @!p1 s11, $0x3;
	s14 =	sshll.u32 @!p1 s14, $0x6  }
0x1b: {  	s16 =	sand.u32 @!p1 $0x7, s11;
	s15 =	sadd.s32 @!p1 s5, s15;
	s14 =	sand.u32 @!p1 $0x40, s14  }
0x1c: {  	[tilespmem:s14], [sflag:$0x2] =	stream.linear.gather @!p1 [hbm4b:s15+s16], $0x40, $0x38;
	[tilespmem:$0x4080] =	vst v63  }
0x1d: {  	p1 =	sge.u32 s31, s8  }
.Ltmp2:
0x1e: {  	_ = 	snop;
	(pc) =	sbr.rel @p1 .LBB2_7-.Ltmp2, $1  }
0x1f: {  	_ =	sdelay $0x3  }
0x20: {  	s14 =	simm.s32 $0x1  }
0x21: {  	_ =	swait.ge [sflag:s7], $0x40;
	s14 =	simm.s32 @!p0 $0x0  }
0x22: {  	[sflag:s7] =	ssyncset.done $0x0;
	s16 =	sshll.u32 s14, $0x6  }
0x23: {  	[sflag:s7] =	ssyncadd.s32 $0xFFFFFFC0;
	s15 =	sadd.s32 $0x0, s16  }
0x24: {  	v0 =	vld.msk [tilespmem:s15+$0x0 ss:$0x1], $0xffff;
	_ =	sdelay $0x4  }
0x25: {  	vm2 =	vgt.s32 v0, $0x0  }
0x26: {  	v0 =	vnsel vm2, $0x0, v0  }
0x27: {  	v0 =	vmin.u32 v0, $0x9FF  }
0x28: {  	v0 =	vshll.u32 v0, $0x4;
	_ =	sdelay $0x2  }
0x29: {  	s14 =	sshll.u32 s14, $0xD  }
0x2a: {  	s14 =	sor.u32 $0x80, s14  }
0x2b: {  	[tilespmem:s14], [sflag:$0x1] =	stream.indirect_vreg.gather [hbm:s4], $0x80, v0, vm0, $0x38;
	[tilespmem:$0x4080] =	vst v63  }
0x2c: {  	s17 =	sadd.s32 $0x10, s16;
	s15 =	sadd.s32 $0x400, s14  }
0x2d: {  	[tilespmem:s15], [sflag:$0x1] =	stream.indirect_vreg.gather [hbm:s4], $0x80, v0, vm1, $0x38;
	[tilespmem:$0x4080] =	vst v63  }
0x2e: {  	s18 =	simm.s32 $0x80;
	v0 =	vld.msk [tilespmem:s17+$0x0 ss:$0x1], $0xffff;
	s17 =	smov.u32 s14  }
.LBB2_3:
0x2f: {  	p1 =	sne.s32 s18, $0xC0;
	_ =	sdelay $0x4  }
0x30: {  	vm2 =	vgt.s32 v0, $0x0  }
0x31: {  	v0 =	vnsel vm2, $0x0, v0  }
0x32: {  	v0 =	vmin.u32 v0, $0x9FF  }
0x33: {  	v0 =	vshll.u32 v0, $0x4;
	_ =	sdelay $0x3  }
.Ltmp3:
0x34: {  	s19 =	sshra.s32 s18, $0x2;
	s17 =	sadd.s32 $0x800, s17;
	(pc) =	sbr.rel @p1 .LBB2_3-.Ltmp3, $4  }
0x35: {  	[tilespmem:s17], [sflag:$0x1] =	stream.indirect_vreg.gather [hbm:s4], $0x80, v0, vm0, $0x38;
	[tilespmem:$0x4080] =	vst v63  }
0x36: {  	s19 =	sadd.s32 s19, s16;
	s20 =	sadd.s32 $0x400, s17  }
0x37: {  	[tilespmem:s20], [sflag:$0x1] =	stream.indirect_vreg.gather [hbm:s4], $0x80, v0, vm1, $0x38;
	[tilespmem:$0x4080] =	vst v63  }
0x38: {  	s18 =	sadd.s32 $0x40, s18;
	v0 =	vld.msk [tilespmem:s19+$0x0 ss:$0x1], $0xffff  }
0x39: {  	_ =	sdelay $0x3  }
0x3a: {  	vm2 =	vgt.s32 v0, $0x0  }
0x3b: {  	v0 =	vnsel vm2, $0x0, v0  }
0x3c: {  	v0 =	vmin.u32 v0, $0x9FF  }
0x3d: {  	v0 =	vshll.u32 v0, $0x4;
	_ =	sdelay $0x3  }
0x3e: {  	s16 =	sadd.s32 $0x800, s17  }
0x3f: {  	[tilespmem:s16], [sflag:$0x1] =	stream.indirect_vreg.gather [hbm:s4], $0x80, v0, vm0, $0x38;
	[tilespmem:$0x4080] =	vst v63  }
0x40: {  	s16 =	sadd.s32 $0x400, s16  }
0x41: {  	[tilespmem:s16], [sflag:$0x1] =	stream.indirect_vreg.gather [hbm:s4], $0x80, v0, vm1, $0x38;
	[tilespmem:$0x4080] =	vst v63  }
0x42: {  	s13 =	sshll.u32 s13, $0x4;
	_ =	swait.ge [sflag:s6], $0x2000  }
0x43: {  	s13 =	sadd.s32 s13, s9;
	[sflag:s6] =	ssyncset.done $0x0  }
0x44: {  	s17 =	sadd.s32 $0x0, s13;
	s16 =	simm.s32 $0x80;
	[sflag:s6] =	ssyncadd.s32 $0xFFFFE000  }
.LBB2_5:
0x45: {  	[hbm:s17] =	stream.linear.scatter [tilespmem:s14], [sflag:$0x3], $0x400, $0x38;
	[tilespmem:$0x4080] =	vst v63  }
0x46: {  	s17 =	smov.u32 s16;
	s14 =	smov.u32 s15;
	p1 =	sne.s32 s16, $0x380  }
.Ltmp4:
0x47: {  	s16 =	sadd.s32 $0x80, s16;
	(pc) =	sbr.rel @p1 .LBB2_5-.Ltmp4, $2  }
0x48: {  	_ =	sdelay $0x2  }
0x49: {  	s15 =	sadd.s32 $0x400, s15;
	s17 =	sadd.s32 s17, s13  }
.Ltmp5:
0x4a: {  	_ = 	snop;
	(pc) =	sbr.rel .LBB2_6-.Ltmp5, $1  }
0x4b: {  	_ =	sdelay $0x3  }
.LBB2_8:
0x4c: {  	_ =	sfence.sel $0x180000  }
0x4d: {  	s2 =	simm.s32 $0x2;
	[bflag:$0x0] =	sbarrier.arrive $0xFFFF  }
0x4e: {  	s30 =	simm.s32 $0x3;
	[sflag:s2] =	ssyncpa.u1 $0x1  }
0x4f: {  	s31 =	simm.s32 $0x1;
	[sflag:s30] =	ssyncpa.u1 $0x1  }
0x50: {  	[sflag:s31] =	ssyncpa.u1 $0x1  }
0x51: {  	p0 =	sne.s32 s0, $0x0;
	_ =	strace $0x90000047  }
0x52: {  	s0 =	sadd.s32 @!p0 $0x100000, s1;
	[bflag:$0x2] =	sbarrier.arrive $0xFFFF  }
0x53: {  	[sflag:s0] =	ssyncadd.tile.s32 @!p0 $0x1;
	_ =	shalt  }
.Lfunc_end2:
_tile_overlayer_lowered:
.L_overlay_start_2:
0x54: {  	(tag) =	ssettag $0x2  }
0x55: {  	s0 =	rddreg [dreg:$0x0];
	s2 =	stileid.u32  }
0x56: {  	s1 =	rddreg [dreg:$0x1];
	p0 =	sne.s32 s2, $0x0  }
0x57: {  	s3 =	rddreg [dreg:$0x2];
	[bflag:$0x3] =	sbarrier.arrive $0xFFFF;
	s2 =	simm.s32 @!p0 $0x1C01  }
0x58: {  	[timem:s3], [sflag:s2] =	dma.local @!p0 [hbm:s0], s1  }
0x59: {  	s0 =	simm.s32 @!p0 $0x1  }
0x5a: {  	_ =	swait.ge @!p0 [sflag:s0], s1  }
0x5b: {  	s1 =	ssub.s32 @!p0 $0x0, s1;
	[sflag:s0] =	ssyncset.done @!p0 $0x0  }
0x5c: {  	[sflag:s0] =	ssyncadd.s32 @!p0 s1  }
0x5d: {  	[bflag:$0x3] =	sbarrier.arrive $0xFFFF  }
0x5e: {  	_ =	shalt  }

// kernel: gather_offload_async_start
scs
__scs_entry_jumppad:
0x0: {  	(pc) =	sbr.rel $0x88, $3  }
0x1: {  	(tag) =	ssettag $0x0;
	lr =	simm.s32 $0x1  }
0x2: {  	[smem:$0x3F9B] =	sst lr;
	_ =	strace $0xD0000000  }
0x3: {  	_ = 	snop  }
0x4: {  	_ = 	snop  }
0x5: {  	_ = 	snop  }
0x6: {  	_ = 	snop  }
0x7: {  	_ = 	snop  }
__scs_overlays_trampoline_lowered:
0x8: {  	[smem:$0x3FAA] =	sst s0  }
0x9: {  	[smem:$0x3FAB] =	sst s1  }
0xa: {  	[smem:$0x3FAC] =	sst s2  }
0xb: {  	[smem:$0x3FAD] =	sst s3  }
0xc: {  	[smem:$0x3FAE] =	sst s4  }
0xd: {  	[smem:$0x3FAF] =	sst s5  }
0xe: {  	[smem:$0x3FB0] =	sst s6  }
0xf: {  	[smem:$0x3FB1] =	sst s7  }
0x10: {  	[smem:$0x3FB2] =	sst s8  }
0x11: {  	[smem:$0x3FB3] =	sst s9;
	s0 =	simm.s32 @!p0 $0x0  }
0x12: {  	s1 =	sld [smem:$0x3F99];
	s0 =	simm.s32 @p0 $0x1  }
0x13: {  	[smem:$0x3FB4] =	sst s0;
	s0 =	simm.s32 @!p1 $0x0  }
0x14: {  	s2 =	sld [smem:$0x3F98];
	s0 =	simm.s32 @p1 $0x1  }
0x15: {  	[smem:$0x3FB5] =	sst s0;
	s0 =	simm.s32 @!p2 $0x0  }
0x16: {  	s3 =	sld [smem:$0x3FDB];
	s0 =	simm.s32 @p2 $0x1  }
0x17: {  	s4 =	simm.s32 $0x1BF5;
	[smem:$0x3FB7] =	sst s0  }
0x18: {  	s0 =	sld [smem:$0x3F9A];
	_ =	swait.ge [sflag:s4], $0x0  }
0x19: {  	s7 =	sld [smem:$0x3F9B]  }
0x1a: {  	s8 =	sadd.s32 $0xFFFFE003, lr  }
0x1b: {  	s9 =	sadd.s32 $0xFFFFFEF7, lr;
	s5 =	simm.s32 $0xFFFFFFFF;
	p2 =	slt.u32 s8, $0xFFFFF086  }
0x1c: {  	p1 =	slt.u32 s9, $0xF7A;
	s5 =	simm.s32 @!p2 $0x0  }
0x1d: {  	s5 =	simm.s32 @p1 $0x1;
	p0 =	seq.s32 s7, s2  }
0x1e: {  	s7 =	smul.u32 @!p0 $0xF7A, s2;
	p2 =	seq.s32 @!p0 s5, $0x0  }
0x1f: {  	s9 =	smul.u32 $0xF7A, s1;
	s8 =	simm.s32 @!p0 $0x1BF5;
	p2 =	por !p2, p0  }
0x20: {  	[sflag:s8] =	ssyncset.s32 @!p0 $0xFFFFF086;
	s6 =	sadd.s32 @!p0 s3, s7;
	s7 =	simm.s32 @!p0 $0x108  }
0x21: {  	s3 =	sadd.s32 s3, s9;
	s6 =	sadd.s32 @!p0 $0x88, s6;
	s7 =	simm.s32 @p2 $0x1082  }
0x22: {  	[simem:s7], [sflag:s8] =	dma.local @!p0 [hbm:s6], $0xF7A  }
0x23: {  	s9 =	sor.u32 $0xD0000000, s2;
	s6 =	simm.s32 $0x108;
	_ =	swait.ge @!p0 [sflag:s8], $0x0  }
0x24: {  	s3 =	sadd.s32 $0x88, s3;
	s6 =	simm.s32 @!p1 $0x1082;
	[sflag:s4] =	ssyncset.s32 $0xFFFFF086  }
0x25: {  	[simem:s6], [sflag:s4] =	dma.local [hbm:s3], $0xF7A  }
0x26: {  	[smem:$0x3F9B] =	sst s1;
	(tag) =	ssettag s2;
	_ =	strace s9  }
0x27: {  	s1 =	sld [smem:$0x3FAB]  }
0x28: {  	s2 =	sld [smem:$0x3FAC]  }
0x29: {  	s4 =	sld [smem:$0x3FAE]  }
0x2a: {  	p0 =	seq.s32 s5, $0x0;
	s5 =	sld [smem:$0x3FAF]  }
0x2b: {  	s6 =	sld [smem:$0x3FB0]  }
0x2c: {  	s7 =	sld [smem:$0x3FB1]  }
0x2d: {  	s3 =	simm.s32 $0x108;
	s8 =	sld [smem:$0x3FB2]  }
0x2e: {  	s3 =	simm.s32 @!p0 $0x1082;
	s9 =	sld [smem:$0x3FB3]  }
0x2f: {  	lr =	sadd.s32 s0, s3;
	s0 =	sld [smem:$0x3FAA]  }
0x30: {  	s3 =	sld [smem:$0x3FAD]  }
0x31: {  	[smem:$0x3FB6] =	sst s10  }
0x32: {  	s10 =	sld [smem:$0x3FB4];
	_ =	sdelay $0x3  }
0x33: {  	p0 =	seq.s32 s10, $0x1;
	s10 =	sld [smem:$0x3FB6];
	_ =	sdelay $0x3  }
0x34: {  	[smem:$0x3FB6] =	sst s10  }
0x35: {  	s10 =	sld [smem:$0x3FB5];
	_ =	sdelay $0x3  }
0x36: {  	p1 =	seq.s32 s10, $0x1;
	s10 =	sld [smem:$0x3FB6];
	_ =	sdelay $0x3  }
0x37: {  	[smem:$0x3FB6] =	sst s10  }
0x38: {  	s10 =	sld [smem:$0x3FB7]  }
0x39: {  	_ = 	snop;
	(pc) =	sbr.ind lr, $3  }
0x3a: {  	_ = 	snop  }
0x3b: {  	_ = 	snop  }
0x3c: {  	p2 =	seq.s32 s10, $0x1;
	s10 =	sld [smem:$0x3FB6]  }
0x3d: {  	_ =	shalt  }
0x3e: {  	_ =	shalt  }
0x3f: {  	_ =	shalt  }
0x40: {  	_ =	shalt  }
0x41: {  	_ =	shalt  }
0x42: {  	_ =	shalt  }
0x43: {  	_ =	shalt  }
0x44: {  	_ =	shalt  }
0x45: {  	_ =	shalt  }
0x46: {  	_ =	shalt  }
0x47: {  	_ =	shalt  }
0x48: {  	_ =	shalt  }
0x49: {  	_ =	shalt  }
0x4a: {  	_ =	shalt  }
0x4b: {  	_ =	shalt  }
0x4c: {  	_ =	shalt  }
0x4d: {  	_ =	shalt  }
0x4e: {  	_ =	shalt  }
0x4f: {  	_ =	shalt  }
0x50: {  	_ =	shalt  }
0x51: {  	_ =	shalt  }
0x52: {  	_ =	shalt  }
0x53: {  	_ =	shalt  }
0x54: {  	_ =	shalt  }
0x55: {  	_ =	shalt  }
0x56: {  	_ =	shalt  }
0x57: {  	_ =	shalt  }
0x58: {  	_ =	shalt  }
0x59: {  	_ =	shalt  }
0x5a: {  	_ =	shalt  }
0x5b: {  	_ =	shalt  }
0x5c: {  	_ =	shalt  }
0x5d: {  	_ =	shalt  }
0x5e: {  	_ =	shalt  }
0x5f: {  	_ =	shalt  }
0x60: {  	_ =	shalt  }
0x61: {  	_ =	shalt  }
0x62: {  	_ =	shalt  }
0x63: {  	_ =	shalt  }
0x64: {  	_ =	shalt  }
0x65: {  	_ =	shalt  }
0x66: {  	_ =	shalt  }
0x67: {  	_ =	shalt  }
0x68: {  	_ =	shalt  }
0x69: {  	_ =	shalt  }
0x6a: {  	_ =	shalt  }
0x6b: {  	_ =	shalt  }
0x6c: {  	_ =	shalt  }
0x6d: {  	_ =	shalt  }
0x6e: {  	_ =	shalt  }
0x6f: {  	_ =	shalt  }
0x70: {  	_ =	shalt  }
0x71: {  	_ =	shalt  }
0x72: {  	_ =	shalt  }
0x73: {  	_ =	shalt  }
0x74: {  	_ =	shalt  }
0x75: {  	_ =	shalt  }
0x76: {  	_ =	shalt  }
0x77: {  	_ =	shalt  }
0x78: {  	_ =	shalt  }
0x79: {  	_ =	shalt  }
0x7a: {  	_ =	shalt  }
0x7b: {  	_ =	shalt  }
0x7c: {  	_ =	shalt  }
0x7d: {  	_ =	shalt  }
0x7e: {  	_ =	shalt  }
0x7f: {  	_ =	shalt  }
0x80: {  	_ =	shalt  }
0x81: {  	_ =	shalt  }
0x82: {  	_ =	shalt  }
0x83: {  	_ =	shalt  }
0x84: {  	_ =	shalt  }
0x85: {  	_ =	shalt  }
0x86: {  	_ =	shalt  }
0x87: {  	_ =	shalt  }
.Lfunc_end0:
.L_simem_size_0:
called_computation_lowered:
.L_overlay_start_0:
0x88: {  	s2 =	sld [smem:$0x3FD9]  }
0x89: {  	s3 =	sld [smem:$0x3FFE];
	_ =	sdelay $0x1  }
0x8a: {  	s1 =	srdreg.scid  }
0x8b: {  	s0 =	sand.u32 $0x1, s1  }
0x8c: {  	s17 =	sshll.u32 s0, $0xA;
	s2 =	sadd.s32 s3, s2  }
0x8d: {  	s2 =	sadd.s32 s2, s17  }
0x8e: {  	[smem:$0x3FC2] =	sst s2  }
0x8f: {  	_ = 	snop  }
0x90: {  	(tm) =	ssettm $0x1  }
0x91: {  	s18 =	sld [smem:$0x3FFB];
	_ =	sdelay $0x3  }
0x92: {  	_ =	strace s18  }
0x93: {  	s2 =	sld [smem:$0x3FFC];
	_ =	sdelay $0x3  }
0x94: {  	_ =	strace s2  }
0x95: {  	s2 =	sld [smem:$0x3FFD];
	_ =	sdelay $0x3  }
0x96: {  	_ =	strace s2  }
0x97: {  	_ =	strace $0x8FFFFFFF  }
0x98: {  	s19 =	sld [smem:$0x3FDB];
	_ =	sdelay $0x1  }
0x99: {  	s20 =	simm.s32 $_scs_section_size  }
0x9a: {  	s4 =	simm.s32 $_size__tile_overlayer_lowered;
	s5 =	simm.s32 $_tile_overlayer_lowered  }
0x9b: {  	s6 =	simm.s32 $0x1BFF;
	s21 =	sshll.u32 s5, $0x1;
	s3 =	sadd.s32 s20, s19  }
0x9c: {  	s22 =	simm.s32 $0x0;
	s4 =	sshll.u32 s4, $0x1;
	s5 =	sadd.s32 s21, s3  }
0x9d: {  	[timem:s22], [sflag:s6] =	dma.local [hbm:s5], s4  }
0x9e: {  	_ =	swait.ge [sflag:s6], s4  }
0x9f: {  	s4 =	ssub.s32 $0x0, s4;
	[sflag:s6] =	ssyncset.done $0x0  }
0xa0: {  	[sflag:s6] =	ssyncadd.s32 s4;
	_ =	sdelay $0x1  }
0xa1: {  	s23 =	simm.s32 $0x1B8B  }
0xa2: {  	_ =	swait.ge [sflag:s23], $0x1  }
0xa3: {  	[sflag:s23] =	ssyncset.done $0x0  }
0xa4: {  	[sflag:s23] =	ssyncadd.s32 $0xFFFFFFFF  }
0xa5: {  	s4 =	sld [smem:$0x0]  }
0xa6: {  	s5 =	sand.u32 $0xFFFFFFFE, s1  }
0xa7: {  	p0 =	sne.s32 s1, s5  }
0xa8: {  	s5 =	sshll.u32 @p0 s5, $0xE  }
0xa9: {  	s5 =	sadd.s32 @p0 $0x11B8D, s5;
	s6 =	sshll.u32 @p0 s4, $0x11  }
0xaa: {  	s5 =	sor.u32 @p0 s6, s5  }
0xab: {  	[sflag:s5] =	ssyncadd.remote.s32 @p0 $0x1;
	_ =	sdelay $0x1  }
0xac: {  	s5 =	simm.s32 @p0 $0x1B8D  }
0xad: {  	_ =	swait.eq @p0 [sflag:s5], $0x1  }
0xae: {  	[sflag:s5] =	ssyncadd.s32 @p0 $0xFFFFFFFF  }
0xaf: {  	s6 =	sshll.u32 @!p0 s1, $0xE  }
0xb0: {  	s6 =	sor.u32 @!p0 $0x4000, s6;
	s5 =	simm.s32 @!p0 $0x1B8D  }
0xb1: {  	s4 =	sshll.u32 @!p0 s4, $0x11;
	s6 =	sadd.s32 @!p0 $0x11B8D, s6;
	_ =	swait.eq @!p0 [sflag:s5], $0x1  }
0xb2: {  	s4 =	sor.u32 @!p0 s4, s6;
	[sflag:s5] =	ssyncadd.s32 @!p0 $0xFFFFFFFF  }
0xb3: {  	s25 =	simm.s32 $0x1B8E;
	s24 =	sld [smem:$0x3FFE];
	[sflag:s4] =	ssyncadd.remote.s32 @!p0 $0x1  }
0xb4: {  	s26 =	simm.s32 $execute0_lowered;
	[smem:$0x3FD2] =	sst s25  }
0xb5: {  	s5 =	sshll.u32 s26, $0x1;
	_ =	strace $0x8000004F;
	[dreg:$0x1] =	wrdreg $0xFFFFFFFF  }
0xb6: {  	s28 =	simm.s32 $_size_execute0_lowered;
	s3 =	sadd.s32 s3, s5;
	[dreg:$0x0] =	wrdreg $0x0  }
0xb7: {  	s5 =	sshll.u32 s28, $0x1;
	[dreg:$0x2] =	wrdreg s3  }
0xb8: {  	[dreg:$0x3] =	wrdreg s5  }
0xb9: {  	[dreg:$0x4] =	wrdreg $0xC0  }
0xba: {  	_ =	task [dreg:s22], $0x5FFFF  }
0xbb: {  	[dreg:$0x1] =	wrdreg $0xFFFFFFFF  }
0xbc: {  	[dreg:$0x0] =	wrdreg $0x60  }
0xbd: {  	[dreg:$0x2] =	wrdreg s24  }
0xbe: {  	[dreg:$0x3] =	wrdreg $0x9  }
0xbf: {  	_ =	task.clear_ibuf [dreg:s22], $0x4FFFF;
	_ =	strace $0x9000004F  }
0xc0: {  	s29 =	simm.s32 $0x9;
	_ =	strace $0x80000051  }
0xc1: {  	_ =	swait.ge [sflag:s29], $0x1  }
0xc2: {  	[sflag:s29] =	ssyncadd.s32 $0xFFFFFFFF  }
0xc3: {  	_ =	strace $0x90000051  }
0xc4: {  	_ =	sfence  }
0xc5: {  	s30 =	sld [smem:$0x0];
	_ =	sdelay $0x2  }
0xc6: {  	s31 =	sshll.u32 s1, $0xD;
	s1 =	sshrl.u32 s1, $0x2  }
0xc7: {  	s4 =	sand.u32 $0x4000, s31;
	s1 =	sadd.s32 s1, s30  }
0xc8: {  	s0 =	sor.u32 s4, s0;
	s1 =	sshll.u32 s1, $0x11  }
0xc9: {  	s0 =	sor.u32 s1, s0  }
0xca: {  	s0 =	sadd.s32 $0x8F2B, s0  }
0xcb: {  	[sflag:s0] =	ssyncadd.remote.s32 $0x1  }
0xcc: {  	_ =	sfence.sel $0xFFFF  }
0xcd: {  	[dreg:$0x0] =	wrdreg $0xFFFFFFFF;
	(pc) =	sbr.abs _section_cstart, $3  }
0xce: {  	[dreg:$0x1] =	wrdreg $0xFFFFFFFF  }
0xcf: {  	_ =	task.clear_ibuf [dreg:s22], $0x2FFFF;
	_ =	strace $0x9FFFFFFF  }
0xd0: {  	(tm) =	ssettm $0x7FFFFFFF  }
0xd1: {  	_ =	shalt  }
tec
execute0_lowered:
.L_overlay_start_1:
0x0: {  	(tag) =	ssettag $0x1  }
0x1: {  	s0 =	srdreg.scid  }
0x2: {  	s1 =	sshll.u32 s0, $0x4  }
0x3: {  	s0 =	stileid.u32;
	s1 =	sand.u32 $0x10, s1  }
0x4: {  	s1 =	sor.u32 s0, s1  }
0x5: {  	s9 =	rddreg [dreg:$0x0];
	s6 =	simm.s32 $0x1;
	s2 =	smin.u32 s1, $0x8  }
0x6: {  	p0 =	slt.u32 s1, $0x8;
	s2 =	sadd.s32 s1, s2;
	s1 =	simm.s32 $0x80  }
0x7: {  	s7 =	simm.s32 $0x2;
	s2 =	sshll.u32 s2, $0x6;
	s1 =	simm.s32 @!p0 $0x40  }
0x8: {  	s10 =	simm.s32 $0x3;
	s13 =	simm.s32 $0x0;
	s3 =	sadd.s32 s1, s2  }
0x9: {  	s12 =	simm.s32 $0x0;
	s4 =	sadd.s32 $0xD000, s9;
	s3 =	smin.u32 s3, $0xA00  }
.Ltmp0:
0xa: {  	s5 =	sadd.s32 $0x2E00, s9;
	s8 =	ssub.s32 s3, s2;
	(pc) =	sbr.rel .LBB2_1-.Ltmp0, $4  }
0xb: {  	s1 =	rddreg [dreg:$0x1];
	_ =	strace $0x80000050;
	p0 =	sgt.s32 s8, $0x0  }
0xc: {  	s9 =	sadd.s32 $0x2B000, s9;
	[sflag:s6] =	ssyncpa.u1 $0x0;
	s8 =	simm.s32 @!p0 $0x0  }
0xd: {  	s11 =	smov.u32 s2;
	[sflag:s7] =	ssyncpa.u1 $0x0;
	s8 =	sshrl.u32 s8, $0x6  }
0xe: {  	vm0 =	vmmov $0xff;
	vm1 =	vcmask $0x3F20;
	[sflag:s10] =	ssyncpa.u1 $0x0;
	p0 =	por $0x0, $0x0;
	s10 =	sadd.s32 $0x1, s8  }
.LBB2_6:
0xf: {  	[hbm:s17] =	stream.linear.scatter [tilespmem:s14], [sflag:$0x3], $0x400, $0x38;
	[tilespmem:$0x4080] =	vst v63  }
.LBB2_7:
0x10: {  	s13 =	sadd.s32 $0x40, s11  }
0x11: {  	s15 =	smov.u32 s2;
	p2 =	slt.s32 s13, s3  }
0x12: {  	s15 =	smov.u32 @p2 s13;
	p2 =	sne.s32 s12, s10  }
.Ltmp1:
0x13: {  	p1 =	slt.u32 s12, $0x2;
	(pc) =	sbr.rel @!p2 .LBB2_8-.Ltmp1, $4  }
0x14: {  	s14 =	simm.s32 @!p1 $0x3  }
0x15: {  	s16 =	sadd.s32 $0x1, s12;
	_ =	swait.ge @!p1 [sflag:s14], $0x2000  }
0x16: {  	p0 =	por !p0, !p0;
	s13 =	smov.u32 s11;
	[sflag:s14] =	ssyncset.done @!p1 $0x0  }
0x17: {  	s12 =	smov.u32 s16;
	s11 =	smov.u32 s15;
	[sflag:s14] =	ssyncadd.s32 @!p1 $0xFFFFE000  }
.LBB2_1:
0x18: {  	p1 =	sge.u32 s12, s8  }
0x19: {  	s14 =	sxor.u32 @!p1 $0xFFFFFFFF, s12  }
0x1a: {  	s31 =	sadd.s32 $0xFFFFFFFF, s12;
	s15 =	sshrl.u32 @!p1 s11, $0x3;
	s14 =	sshll.u32 @!p1 s14, $0x6  }
0x1b: {  	s16 =	sand.u32 @!p1 $0x7, s11;
	s15 =	sadd.s32 @!p1 s5, s15;
	s14 =	sand.u32 @!p1 $0x40, s14  }
0x1c: {  	[tilespmem:s14], [sflag:$0x2] =	stream.linear.gather @!p1 [hbm4b:s15+s16], $0x40, $0x38;
	[tilespmem:$0x4080] =	vst v63  }
0x1d: {  	p1 =	sge.u32 s31, s8  }
.Ltmp2:
0x1e: {  	_ = 	snop;
	(pc) =	sbr.rel @p1 .LBB2_7-.Ltmp2, $1  }
0x1f: {  	_ =	sdelay $0x3  }
0x20: {  	s14 =	simm.s32 $0x1  }
0x21: {  	_ =	swait.ge [sflag:s7], $0x40;
	s14 =	simm.s32 @!p0 $0x0  }
0x22: {  	[sflag:s7] =	ssyncset.done $0x0;
	s16 =	sshll.u32 s14, $0x6  }
0x23: {  	[sflag:s7] =	ssyncadd.s32 $0xFFFFFFC0;
	s15 =	sadd.s32 $0x0, s16  }
0x24: {  	v0 =	vld.msk [tilespmem:s15+$0x0 ss:$0x1], $0xffff;
	_ =	sdelay $0x4  }
0x25: {  	vm2 =	vgt.s32 v0, $0x0  }
0x26: {  	v0 =	vnsel vm2, $0x0, v0  }
0x27: {  	v0 =	vmin.u32 v0, $0x9FF  }
0x28: {  	v0 =	vshll.u32 v0, $0x4;
	_ =	sdelay $0x2  }
0x29: {  	s14 =	sshll.u32 s14, $0xD  }
0x2a: {  	s14 =	sor.u32 $0x80, s14  }
0x2b: {  	[tilespmem:s14], [sflag:$0x1] =	stream.indirect_vreg.gather [hbm:s4], $0x80, v0, vm0, $0x38;
	[tilespmem:$0x4080] =	vst v63  }
0x2c: {  	s17 =	sadd.s32 $0x10, s16;
	s15 =	sadd.s32 $0x400, s14  }
0x2d: {  	[tilespmem:s15], [sflag:$0x1] =	stream.indirect_vreg.gather [hbm:s4], $0x80, v0, vm1, $0x38;
	[tilespmem:$0x4080] =	vst v63  }
0x2e: {  	s18 =	simm.s32 $0x80;
	v0 =	vld.msk [tilespmem:s17+$0x0 ss:$0x1], $0xffff;
	s17 =	smov.u32 s14  }
.LBB2_3:
0x2f: {  	p1 =	sne.s32 s18, $0xC0;
	_ =	sdelay $0x4  }
0x30: {  	vm2 =	vgt.s32 v0, $0x0  }
0x31: {  	v0 =	vnsel vm2, $0x0, v0  }
0x32: {  	v0 =	vmin.u32 v0, $0x9FF  }
0x33: {  	v0 =	vshll.u32 v0, $0x4;
	_ =	sdelay $0x3  }
.Ltmp3:
0x34: {  	s19 =	sshra.s32 s18, $0x2;
	s17 =	sadd.s32 $0x800, s17;
	(pc) =	sbr.rel @p1 .LBB2_3-.Ltmp3, $4  }
0x35: {  	[tilespmem:s17], [sflag:$0x1] =	stream.indirect_vreg.gather [hbm:s4], $0x80, v0, vm0, $0x38;
	[tilespmem:$0x4080] =	vst v63  }
0x36: {  	s19 =	sadd.s32 s19, s16;
	s20 =	sadd.s32 $0x400, s17  }
0x37: {  	[tilespmem:s20], [sflag:$0x1] =	stream.indirect_vreg.gather [hbm:s4], $0x80, v0, vm1, $0x38;
	[tilespmem:$0x4080] =	vst v63  }
0x38: {  	s18 =	sadd.s32 $0x40, s18;
	v0 =	vld.msk [tilespmem:s19+$0x0 ss:$0x1], $0xffff  }
0x39: {  	_ =	sdelay $0x3  }
0x3a: {  	vm2 =	vgt.s32 v0, $0x0  }
0x3b: {  	v0 =	vnsel vm2, $0x0, v0  }
0x3c: {  	v0 =	vmin.u32 v0, $0x9FF  }
0x3d: {  	v0 =	vshll.u32 v0, $0x4;
	_ =	sdelay $0x3  }
0x3e: {  	s16 =	sadd.s32 $0x800, s17  }
0x3f: {  	[tilespmem:s16], [sflag:$0x1] =	stream.indirect_vreg.gather [hbm:s4], $0x80, v0, vm0, $0x38;
	[tilespmem:$0x4080] =	vst v63  }
0x40: {  	s16 =	sadd.s32 $0x400, s16  }
0x41: {  	[tilespmem:s16], [sflag:$0x1] =	stream.indirect_vreg.gather [hbm:s4], $0x80, v0, vm1, $0x38;
	[tilespmem:$0x4080] =	vst v63  }
0x42: {  	s13 =	sshll.u32 s13, $0x4;
	_ =	swait.ge [sflag:s6], $0x2000  }
0x43: {  	s13 =	sadd.s32 s13, s9;
	[sflag:s6] =	ssyncset.done $0x0  }
0x44: {  	s17 =	sadd.s32 $0x0, s13;
	s16 =	simm.s32 $0x80;
	[sflag:s6] =	ssyncadd.s32 $0xFFFFE000  }
.LBB2_5:
0x45: {  	[hbm:s17] =	stream.linear.scatter [tilespmem:s14], [sflag:$0x3], $0x400, $0x38;
	[tilespmem:$0x4080] =	vst v63  }
0x46: {  	s17 =	smov.u32 s16;
	s14 =	smov.u32 s15;
	p1 =	sne.s32 s16, $0x380  }
.Ltmp4:
0x47: {  	s16 =	sadd.s32 $0x80, s16;
	(pc) =	sbr.rel @p1 .LBB2_5-.Ltmp4, $2  }
0x48: {  	_ =	sdelay $0x2  }
0x49: {  	s15 =	sadd.s32 $0x400, s15;
	s17 =	sadd.s32 s17, s13  }
.Ltmp5:
0x4a: {  	_ = 	snop;
	(pc) =	sbr.rel .LBB2_6-.Ltmp5, $1  }
0x4b: {  	_ =	sdelay $0x3  }
.LBB2_8:
0x4c: {  	_ =	sfence.sel $0x180000  }
0x4d: {  	s2 =	simm.s32 $0x2;
	[bflag:$0x0] =	sbarrier.arrive $0xFFFF  }
0x4e: {  	s30 =	simm.s32 $0x3;
	[sflag:s2] =	ssyncpa.u1 $0x1  }
0x4f: {  	s31 =	simm.s32 $0x1;
	[sflag:s30] =	ssyncpa.u1 $0x1  }
0x50: {  	[sflag:s31] =	ssyncpa.u1 $0x1  }
0x51: {  	p0 =	sne.s32 s0, $0x0;
	_ =	strace $0x90000050  }
0x52: {  	s0 =	sadd.s32 @!p0 $0x100000, s1;
	[bflag:$0x2] =	sbarrier.arrive $0xFFFF  }
0x53: {  	[sflag:s0] =	ssyncadd.tile.s32 @!p0 $0x1;
	_ =	shalt  }
.Lfunc_end2:
_tile_overlayer_lowered:
.L_overlay_start_2:
0x54: {  	(tag) =	ssettag $0x2  }
0x55: {  	s0 =	rddreg [dreg:$0x0];
	s2 =	stileid.u32  }
0x56: {  	s1 =	rddreg [dreg:$0x1];
	p0 =	sne.s32 s2, $0x0  }
0x57: {  	s3 =	rddreg [dreg:$0x2];
	[bflag:$0x3] =	sbarrier.arrive $0xFFFF;
	s2 =	simm.s32 @!p0 $0x1C01  }
0x58: {  	[timem:s3], [sflag:s2] =	dma.local @!p0 [hbm:s0], s1  }
0x59: {  	s0 =	simm.s32 @!p0 $0x1  }
0x5a: {  	_ =	swait.ge @!p0 [sflag:s0], s1  }
0x5b: {  	s1 =	ssub.s32 @!p0 $0x0, s1;
	[sflag:s0] =	ssyncset.done @!p0 $0x0  }
0x5c: {  	[sflag:s0] =	ssyncadd.s32 @!p0 s1  }
0x5d: {  	[bflag:$0x3] =	sbarrier.arrive $0xFFFF  }
0x5e: {  	_ =	shalt  }

// kernel: kernel.12.cloned.1.call-start
scs
__scs_entry_jumppad:
0x0: {  	(pc) =	sbr.rel $0x88, $3  }
0x1: {  	(tag) =	ssettag $0x0;
	lr =	simm.s32 $0x1  }
0x2: {  	[smem:$0x3F9B] =	sst lr;
	_ =	strace $0xD0000000  }
0x3: {  	_ = 	snop  }
0x4: {  	_ = 	snop  }
0x5: {  	_ = 	snop  }
0x6: {  	_ = 	snop  }
0x7: {  	_ = 	snop  }
__scs_overlays_trampoline_lowered:
0x8: {  	[smem:$0x3FAA] =	sst s0  }
0x9: {  	[smem:$0x3FAB] =	sst s1  }
0xa: {  	[smem:$0x3FAC] =	sst s2  }
0xb: {  	[smem:$0x3FAD] =	sst s3  }
0xc: {  	[smem:$0x3FAE] =	sst s4  }
0xd: {  	[smem:$0x3FAF] =	sst s5  }
0xe: {  	[smem:$0x3FB0] =	sst s6  }
0xf: {  	[smem:$0x3FB1] =	sst s7  }
0x10: {  	[smem:$0x3FB2] =	sst s8  }
0x11: {  	[smem:$0x3FB3] =	sst s9;
	s0 =	simm.s32 @!p0 $0x0  }
0x12: {  	s1 =	sld [smem:$0x3F99];
	s0 =	simm.s32 @p0 $0x1  }
0x13: {  	[smem:$0x3FB4] =	sst s0;
	s0 =	simm.s32 @!p1 $0x0  }
0x14: {  	s2 =	sld [smem:$0x3F98];
	s0 =	simm.s32 @p1 $0x1  }
0x15: {  	[smem:$0x3FB5] =	sst s0;
	s0 =	simm.s32 @!p2 $0x0  }
0x16: {  	s3 =	sld [smem:$0x3FDB];
	s0 =	simm.s32 @p2 $0x1  }
0x17: {  	s4 =	simm.s32 $0x1BF5;
	[smem:$0x3FB7] =	sst s0  }
0x18: {  	s0 =	sld [smem:$0x3F9A];
	_ =	swait.ge [sflag:s4], $0x0  }
0x19: {  	s7 =	sld [smem:$0x3F9B]  }
0x1a: {  	s8 =	sadd.s32 $0xFFFFE003, lr  }
0x1b: {  	s9 =	sadd.s32 $0xFFFFFEF7, lr;
	s5 =	simm.s32 $0xFFFFFFFF;
	p2 =	slt.u32 s8, $0xFFFFF086  }
0x1c: {  	p1 =	slt.u32 s9, $0xF7A;
	s5 =	simm.s32 @!p2 $0x0  }
0x1d: {  	s5 =	simm.s32 @p1 $0x1;
	p0 =	seq.s32 s7, s2  }
0x1e: {  	s7 =	smul.u32 @!p0 $0xF7A, s2;
	p2 =	seq.s32 @!p0 s5, $0x0  }
0x1f: {  	s9 =	smul.u32 $0xF7A, s1;
	s8 =	simm.s32 @!p0 $0x1BF5;
	p2 =	por !p2, p0  }
0x20: {  	[sflag:s8] =	ssyncset.s32 @!p0 $0xFFFFF086;
	s6 =	sadd.s32 @!p0 s3, s7;
	s7 =	simm.s32 @!p0 $0x108  }
0x21: {  	s3 =	sadd.s32 s3, s9;
	s6 =	sadd.s32 @!p0 $0x88, s6;
	s7 =	simm.s32 @p2 $0x1082  }
0x22: {  	[simem:s7], [sflag:s8] =	dma.local @!p0 [hbm:s6], $0xF7A  }
0x23: {  	s9 =	sor.u32 $0xD0000000, s2;
	s6 =	simm.s32 $0x108;
	_ =	swait.ge @!p0 [sflag:s8], $0x0  }
0x24: {  	s3 =	sadd.s32 $0x88, s3;
	s6 =	simm.s32 @!p1 $0x1082;
	[sflag:s4] =	ssyncset.s32 $0xFFFFF086  }
0x25: {  	[simem:s6], [sflag:s4] =	dma.local [hbm:s3], $0xF7A  }
0x26: {  	[smem:$0x3F9B] =	sst s1;
	(tag) =	ssettag s2;
	_ =	strace s9  }
0x27: {  	s1 =	sld [smem:$0x3FAB]  }
0x28: {  	s2 =	sld [smem:$0x3FAC]  }
0x29: {  	s4 =	sld [smem:$0x3FAE]  }
0x2a: {  	p0 =	seq.s32 s5, $0x0;
	s5 =	sld [smem:$0x3FAF]  }
0x2b: {  	s6 =	sld [smem:$0x3FB0]  }
0x2c: {  	s7 =	sld [smem:$0x3FB1]  }
0x2d: {  	s3 =	simm.s32 $0x108;
	s8 =	sld [smem:$0x3FB2]  }
0x2e: {  	s3 =	simm.s32 @!p0 $0x1082;
	s9 =	sld [smem:$0x3FB3]  }
0x2f: {  	lr =	sadd.s32 s0, s3;
	s0 =	sld [smem:$0x3FAA]  }
0x30: {  	s3 =	sld [smem:$0x3FAD]  }
0x31: {  	[smem:$0x3FB6] =	sst s10  }
0x32: {  	s10 =	sld [smem:$0x3FB4];
	_ =	sdelay $0x3  }
0x33: {  	p0 =	seq.s32 s10, $0x1;
	s10 =	sld [smem:$0x3FB6];
	_ =	sdelay $0x3  }
0x34: {  	[smem:$0x3FB6] =	sst s10  }
0x35: {  	s10 =	sld [smem:$0x3FB5];
	_ =	sdelay $0x3  }
0x36: {  	p1 =	seq.s32 s10, $0x1;
	s10 =	sld [smem:$0x3FB6];
	_ =	sdelay $0x3  }
0x37: {  	[smem:$0x3FB6] =	sst s10  }
0x38: {  	s10 =	sld [smem:$0x3FB7]  }
0x39: {  	_ = 	snop;
	(pc) =	sbr.ind lr, $3  }
0x3a: {  	_ = 	snop  }
0x3b: {  	_ = 	snop  }
0x3c: {  	p2 =	seq.s32 s10, $0x1;
	s10 =	sld [smem:$0x3FB6]  }
0x3d: {  	_ =	shalt  }
0x3e: {  	_ =	shalt  }
0x3f: {  	_ =	shalt  }
0x40: {  	_ =	shalt  }
0x41: {  	_ =	shalt  }
0x42: {  	_ =	shalt  }
0x43: {  	_ =	shalt  }
0x44: {  	_ =	shalt  }
0x45: {  	_ =	shalt  }
0x46: {  	_ =	shalt  }
0x47: {  	_ =	shalt  }
0x48: {  	_ =	shalt  }
0x49: {  	_ =	shalt  }
0x4a: {  	_ =	shalt  }
0x4b: {  	_ =	shalt  }
0x4c: {  	_ =	shalt  }
0x4d: {  	_ =	shalt  }
0x4e: {  	_ =	shalt  }
0x4f: {  	_ =	shalt  }
0x50: {  	_ =	shalt  }
0x51: {  	_ =	shalt  }
0x52: {  	_ =	shalt  }
0x53: {  	_ =	shalt  }
0x54: {  	_ =	shalt  }
0x55: {  	_ =	shalt  }
0x56: {  	_ =	shalt  }
0x57: {  	_ =	shalt  }
0x58: {  	_ =	shalt  }
0x59: {  	_ =	shalt  }
0x5a: {  	_ =	shalt  }
0x5b: {  	_ =	shalt  }
0x5c: {  	_ =	shalt  }
0x5d: {  	_ =	shalt  }
0x5e: {  	_ =	shalt  }
0x5f: {  	_ =	shalt  }
0x60: {  	_ =	shalt  }
0x61: {  	_ =	shalt  }
0x62: {  	_ =	shalt  }
0x63: {  	_ =	shalt  }
0x64: {  	_ =	shalt  }
0x65: {  	_ =	shalt  }
0x66: {  	_ =	shalt  }
0x67: {  	_ =	shalt  }
0x68: {  	_ =	shalt  }
0x69: {  	_ =	shalt  }
0x6a: {  	_ =	shalt  }
0x6b: {  	_ =	shalt  }
0x6c: {  	_ =	shalt  }
0x6d: {  	_ =	shalt  }
0x6e: {  	_ =	shalt  }
0x6f: {  	_ =	shalt  }
0x70: {  	_ =	shalt  }
0x71: {  	_ =	shalt  }
0x72: {  	_ =	shalt  }
0x73: {  	_ =	shalt  }
0x74: {  	_ =	shalt  }
0x75: {  	_ =	shalt  }
0x76: {  	_ =	shalt  }
0x77: {  	_ =	shalt  }
0x78: {  	_ =	shalt  }
0x79: {  	_ =	shalt  }
0x7a: {  	_ =	shalt  }
0x7b: {  	_ =	shalt  }
0x7c: {  	_ =	shalt  }
0x7d: {  	_ =	shalt  }
0x7e: {  	_ =	shalt  }
0x7f: {  	_ =	shalt  }
0x80: {  	_ =	shalt  }
0x81: {  	_ =	shalt  }
0x82: {  	_ =	shalt  }
0x83: {  	_ =	shalt  }
0x84: {  	_ =	shalt  }
0x85: {  	_ =	shalt  }
0x86: {  	_ =	shalt  }
0x87: {  	_ =	shalt  }
.Lfunc_end0:
.L_simem_size_0:
called_computation.4_lowered:
.L_overlay_start_0:
0x88: {  	s2 =	sld [smem:$0x3FD9]  }
0x89: {  	s3 =	sld [smem:$0x3FFE];
	_ =	sdelay $0x1  }
0x8a: {  	s1 =	srdreg.scid  }
0x8b: {  	s0 =	sand.u32 $0x1, s1  }
0x8c: {  	s16 =	sshll.u32 s0, $0xA;
	s2 =	sadd.s32 s3, s2  }
0x8d: {  	s2 =	sadd.s32 s2, s16  }
0x8e: {  	[smem:$0x3FC2] =	sst s2  }
0x8f: {  	_ = 	snop  }
0x90: {  	(tm) =	ssettm $0x1  }
0x91: {  	s17 =	sld [smem:$0x3FFB];
	_ =	sdelay $0x3  }
0x92: {  	_ =	strace s17  }
0x93: {  	s2 =	sld [smem:$0x3FFC];
	_ =	sdelay $0x3  }
0x94: {  	_ =	strace s2  }
0x95: {  	s2 =	sld [smem:$0x3FFD];
	_ =	sdelay $0x3  }
0x96: {  	_ =	strace s2  }
0x97: {  	_ =	strace $0x8FFFFFFF  }
0x98: {  	s18 =	sld [smem:$0x3FDB];
	_ =	sdelay $0x1  }
0x99: {  	s19 =	simm.s32 $_scs_section_size  }
0x9a: {  	s4 =	simm.s32 $_size__tile_overlayer_lowered;
	s5 =	simm.s32 $_tile_overlayer_lowered  }
0x9b: {  	s22 =	simm.s32 $0x1BFF;
	s21 =	sshll.u32 s5, $0x1;
	s2 =	sadd.s32 s19, s18  }
0x9c: {  	s6 =	simm.s32 $0x0;
	s20 =	sshll.u32 s4, $0x1;
	s4 =	sadd.s32 s21, s2  }
0x9d: {  	[timem:s6], [sflag:s22] =	dma.local [hbm:s4], s20  }
0x9e: {  	_ =	swait.ge [sflag:s22], s20  }
0x9f: {  	s3 =	ssub.s32 $0x0, s20;
	[sflag:s22] =	ssyncset.done $0x0  }
0xa0: {  	[sflag:s22] =	ssyncadd.s32 s3;
	_ =	sdelay $0x1  }
0xa1: {  	s23 =	simm.s32 $0x1B8B  }
0xa2: {  	_ =	swait.ge [sflag:s23], $0x1  }
0xa3: {  	[sflag:s23] =	ssyncset.done $0x0  }
0xa4: {  	s25 =	simm.s32 $0x1B8E;
	s24 =	sld [smem:$0x3FFE];
	[sflag:s23] =	ssyncadd.s32 $0xFFFFFFFF  }
0xa5: {  	s26 =	simm.s32 $execute0_lowered;
	[smem:$0x3FD2] =	sst s25  }
0xa6: {  	s4 =	sshll.u32 s26, $0x1;
	_ =	strace $0x80000052;
	[dreg:$0x1] =	wrdreg $0xFFFFFFFF  }
0xa7: {  	s28 =	simm.s32 $_size_execute0_lowered;
	s2 =	sadd.s32 s2, s4;
	[dreg:$0x0] =	wrdreg $0x0  }
0xa8: {  	s4 =	sshll.u32 s28, $0x1;
	[dreg:$0x2] =	wrdreg s2  }
0xa9: {  	[dreg:$0x3] =	wrdreg s4  }
0xaa: {  	[dreg:$0x4] =	wrdreg $0xC0  }
0xab: {  	_ =	task [dreg:s6], $0x5FFFF  }
0xac: {  	[dreg:$0x1] =	wrdreg $0xFFFFFFFF  }
0xad: {  	[dreg:$0x0] =	wrdreg $0x60  }
0xae: {  	[dreg:$0x2] =	wrdreg s24  }
0xaf: {  	[dreg:$0x3] =	wrdreg $0xB8000  }
0xb0: {  	[dreg:$0x4] =	wrdreg $0x9  }
0xb1: {  	_ =	task.clear_ibuf [dreg:s6], $0x5FFFF;
	_ =	strace $0x90000052  }
0xb2: {  	s29 =	simm.s32 $0x9;
	_ =	strace $0x80000054  }
0xb3: {  	_ =	swait.ge [sflag:s29], $0x1  }
0xb4: {  	[sflag:s29] =	ssyncadd.s32 $0xFFFFFFFF  }
0xb5: {  	_ =	strace $0x90000054  }
0xb6: {  	_ =	sfence  }
0xb7: {  	s30 =	sld [smem:$0x0];
	_ =	sdelay $0x2  }
0xb8: {  	s31 =	sshll.u32 s1, $0xD;
	s1 =	sshrl.u32 s1, $0x2  }
0xb9: {  	s3 =	sand.u32 $0x4000, s31;
	s1 =	sadd.s32 s1, s30  }
0xba: {  	s0 =	sor.u32 s3, s0;
	s1 =	sshll.u32 s1, $0x11  }
0xbb: {  	s0 =	sor.u32 s1, s0  }
0xbc: {  	s0 =	sadd.s32 $0x8F2B, s0  }
0xbd: {  	[sflag:s0] =	ssyncadd.remote.s32 $0x1  }
0xbe: {  	_ =	sfence.sel $0xFFFF  }
0xbf: {  	[dreg:$0x0] =	wrdreg $0xFFFFFFFF;
	(pc) =	sbr.abs _section_cstart, $3  }
0xc0: {  	[dreg:$0x1] =	wrdreg $0xFFFFFFFF  }
0xc1: {  	_ =	task.clear_ibuf [dreg:s6], $0x2FFFF;
	_ =	strace $0x9FFFFFFF  }
0xc2: {  	(tm) =	ssettm $0x7FFFFFFF  }
0xc3: {  	_ =	shalt  }
tec
execute0_lowered:
.L_overlay_start_1:
0x0: {  	(tag) =	ssettag $0x1  }
0x1: {  	s0 =	rddreg [dreg:$0x0]  }
0x2: {  	s1 =	rddreg [dreg:$0x1];
	s2 =	simm.s32 $0x0;
	s5 =	srdreg.scid  }
0x3: {  	s4 =	stileid.u32;
	s19 =	simm.s32 $0x1400;
	s20 =	simm.s32 $0x80  }
0x4: {  	s21 =	simm.s32 $0x2800;
	s22 =	simm.s32 $0x6800;
	s23 =	simm.s32 $0x1  }
0x5: {  	s28 =	simm.s32 $0x2780;
	[smem:$0x7FF] =	sst s2;
	s3 =	sadd.s32 $0x35000, s0  }
0x6: {  	s10 =	sadd.s32 $0x2B000, s0;
	s11 =	sand.u32 $0x1, s5;
	s12 =	sadd.s32 $0x21000, s0  }
0x7: {  	s6 =	sshll.u32 s4, $0x1;
	s0 =	sadd.s32 $0x5C200, s0;
	s24 =	ssub.s32 $0x147, s4  }
0x8: {  	s16 =	sshll.u32 s4, $0xE;
	s29 =	ssub.s32 $0x5D, s4;
	s31 =	sshll.u32 s4, $0xB  }
0x9: {  	p0 =	sne.s32 s4, $0x0;
	_ =	strace $0x80000053;
	s17 =	smul.u32 $0x138C00, s11  }
0xa: {  	s5 =	ssub.s32 $0x2, s11;
	s8 =	sor.u32 s11, s6;
	s18 =	smul.u32 $0x27180, s11  }
0xb: {  	s25 =	sshrl.u32 s16, $0x2;
	s7 =	sshrl.u32 s5, $0x1;
	s9 =	smul.u32 $0x2800, s8  }
0xc: {  	s6 =	sadd.s32 s25, s1;
	s13 =	smul.u32 $0x500, s8;
	s25 =	simm.s32 $0x1380  }
0xd: {  	s14 =	ssub.s32 s5, s7;
	s5 =	sshrl.u32 s24, $0x4;
	s7 =	sadd.s32 $0x138000, s1  }
0xe: {  	s17 =	sshrl.u32 s17, $0x3;
	s24 =	simm.s32 $0x2;
	s26 =	sshrl.u32 s9, $0x3  }
0xf: {  	s8 =	sadd.s32 s10, s13;
	s9 =	sadd.s32 s12, s13;
	s30 =	sadd.s32 s0, s17  }
0x10: {  	s0 =	sadd.s32 s18, s0;
	s14 =	smax.u32 s14, $0x1;
	s17 =	simm.s32 $0xA800  }
0x11: {  	s18 =	simm.s32 $0x3;
	s15 =	sadd.s32 $0x280, s26;
	s13 =	sadd.s32 $0x27000, s30  }
0x12: {  	s26 =	simm.s32 $0x2700;
	s10 =	sadd.s32 s10, s15;
	s11 =	sadd.s32 s12, s15  }
0x13: {  	v0 =	vimm.f32 $0.0e+00;
	s12 =	sshrl.u32 s29, $0x4;
	s15 =	sadd.s32 s31, s0;
	s0 =	sadd.s32 s16, s1  }
.LBB2_1:
0x14: {  	s29 =	simm.s32 $0x0;
	s30 =	simm.s32 $0x200  }
.LBB2_2:
0x15: {  	p1 =	sne.s32 s30, $0x3E00;
	[tilespmem:s29+$0xA870] =	vst v0  }
0x16: {  	[tilespmem:s29+$0xA800] =	vst v0  }
0x17: {  	[tilespmem:s29+$0xA810] =	vst v0  }
.Ltmp0:
0x18: {  	[tilespmem:s29+$0xA820] =	vst v0;
	(pc) =	sbr.rel @p1 .LBB2_2-.Ltmp0, $4  }
0x19: {  	[tilespmem:s29+$0xA830] =	vst v0  }
0x1a: {  	[tilespmem:s29+$0xA840] =	vst v0  }
0x1b: {  	[tilespmem:s29+$0xA850] =	vst v0  }
0x1c: {  	[tilespmem:s29+$0xA860] =	vst v0;
	s29 =	sshra.s32 s30, $0x2;
	s30 =	sadd.s32 $0x200, s30  }
0x1d: {  	[tilespmem:s29+$0xA870] =	vst v0  }
0x1e: {  	[tilespmem:s29+$0xA800] =	vst v0  }
0x1f: {  	[tilespmem:s29+$0xA810] =	vst v0  }
0x20: {  	[tilespmem:s29+$0xA820] =	vst v0  }
0x21: {  	[tilespmem:s29+$0xA830] =	vst v0  }
0x22: {  	[tilespmem:s29+$0xA840] =	vst v0;
	p1 =	sne.s32 s5, $0x1  }
.Ltmp1:
0x23: {  	[tilespmem:s29+$0xA850] =	vst v0;
	(pc) =	sbr.rel @!p1 .LBB2_5-.Ltmp1, $4  }
0x24: {  	[tilespmem:s29+$0xA860] =	vst v0  }
0x25: {  	[spmem:s6] =	stream.linear.scatter [tilespmem:s17], [sflag:$0x3], $0x1000, $0x38;
	[tilespmem:$0x1F0C0] =	vst v63  }
0x26: {  	_ =	swait.ge [sflag:s18], $0x1000  }
0x27: {  	s29 =	sadd.s32 $0xFFFFFFFF, s5;
	s16 =	smov.u32 s6;
	[sflag:s18] =	ssyncset.done $0x0  }
.LBB2_4:
0x28: {  	p1 =	sne.s32 s29, $0x1;
	[sflag:s18] =	ssyncadd.s32 $0xFFFFF000;
	s16 =	sadd.s32 $0x10000, s16  }
.Ltmp2:
0x29: {  	s29 =	sadd.s32 $0xFFFFFFFF, s29;
	(pc) =	sbr.rel @p1 .LBB2_4-.Ltmp2, $4  }
0x2a: {  	_ = 	snop  }
0x2b: {  	[spmem:s16] =	stream.linear.scatter [tilespmem:s17], [sflag:$0x3], $0x1000, $0x38;
	[tilespmem:$0x1F0C0] =	vst v63  }
0x2c: {  	_ =	swait.ge [sflag:s18], $0x1000  }
0x2d: {  	[sflag:s18] =	ssyncset.done $0x0  }
.LBB2_5:
0x2e: {  	[sflag:s18] =	ssyncadd.s32 $0xFFFFF000;
	s16 =	simm.s32 @!p0 $0xA800  }
0x2f: {  	[spmem:s7] =	stream.linear.scatter @!p0 [tilespmem:s16], [sflag:$0x3], $0xC00, $0x38;
	[tilespmem:$0x1F0C0] =	vst v63  }
0x30: {  	s16 =	simm.s32 @!p0 $0x3  }
0x31: {  	_ =	swait.ge @!p0 [sflag:s16], $0xC00  }
0x32: {  	[sflag:s16] =	ssyncset.done @!p0 $0x0  }
0x33: {  	s30 =	simm.s32 $0x0;
	[sflag:s16] =	ssyncadd.s32 @!p0 $0xFFFFF400  }
0x34: {  	[tilespmem:s30], [sflag:$0x3] =	stream.linear.gather [hbm4b:s8+s30], $0x1400, $0x38;
	[tilespmem:$0x1F0C0] =	vst v63  }
0x35: {  	_ =	swait.ge [sflag:s18], $0x1400  }
0x36: {  	[sflag:s18] =	ssyncset.done $0x0  }
0x37: {  	[sflag:s18] =	ssyncadd.s32 $0xFFFFEC00  }
0x38: {  	[tilespmem:s19], [sflag:$0x3] =	stream.linear.gather [hbm4b:s9+s30], $0x1400, $0x38;
	[tilespmem:$0x1F0C0] =	vst v63  }
0x39: {  	_ =	swait.ge [sflag:s18], $0x1400  }
0x3a: {  	[sflag:s18] =	ssyncset.done $0x0  }
0x3b: {  	[sflag:s18] =	ssyncadd.s32 $0xFFFFEC00  }
0x3c: {  	[bflag:$0x0] =	sbarrier.arrive $0xFFFF  }
0x3d: {  	[tilespmem:s21], [sflag:$0x1] =	stream.indirect.gather [hbm4b:s3+s20], $0x80, s30, s20, $0xb8;
	[tilespmem:$0x1F0C0] =	vst v63  }
0x3e: {  	s31 =	simm.s32 $0x80  }
0x3f: {  	[tilespmem:s22], [sflag:$0x2] =	stream.indirect.gather [hbm4b:s3+s20], $0x80, s31, s20, $0xb8;
	[tilespmem:$0x1F0C0] =	vst v63  }
0x40: {  	_ =	swait.ge [sflag:s23], $0x4000  }
0x41: {  	[sflag:s23] =	ssyncset.done $0x0  }
0x42: {  	s4 =	simm.s32 $0x1400;
	[sflag:s23] =	ssyncadd.s32 $0xFFFFC000  }
0x43: {  	[spmem:s1] =	stream.indirect.scatter.add.f32 [tilespmem:s21], [sflag:$0x3], $0x80, s4, s20, $0xb8;
	[tilespmem:$0x1F0C0] =	vst v63  }
0x44: {  	_ =	swait.ge [sflag:s18], $0x4000  }
0x45: {  	[sflag:s18] =	ssyncset.done $0x0  }
0x46: {  	s30 =	simm.s32 $0x100;
	[sflag:s18] =	ssyncadd.s32 $0xFFFFC000  }
0x47: {  	[tilespmem:s21], [sflag:$0x1] =	stream.indirect.gather [hbm4b:s3+s20], $0x80, s30, s20, $0xb8;
	[tilespmem:$0x1F0C0] =	vst v63  }
0x48: {  	_ =	swait.ge [sflag:s24], $0x4000  }
0x49: {  	[sflag:s24] =	ssyncset.done $0x0  }
0x4a: {  	s31 =	simm.s32 $0x1480;
	[sflag:s24] =	ssyncadd.s32 $0xFFFFC000  }
0x4b: {  	[spmem:s1] =	stream.indirect.scatter.add.f32 [tilespmem:s22], [sflag:$0x3], $0x80, s31, s20, $0xb8;
	[tilespmem:$0x1F0C0] =	vst v63  }
0x4c: {  	_ =	swait.ge [sflag:s18], $0x4000  }
0x4d: {  	s29 =	simm.s32 $0x100;
	s16 =	simm.s32 $0x800;
	[sflag:s18] =	ssyncset.done $0x0  }
.LBB2_6:
0x4e: {  	s30 =	sadd.s32 $0x80, s29  }
0x4f: {  	[sflag:s18] =	ssyncadd.s32 $0xFFFFC000;
	s31 =	smov.u32 s16;
	s4 =	sadd.s32 $0x400, s16  }
0x50: {  	[tilespmem:s22], [sflag:$0x2] =	stream.indirect.gather [hbm4b:s3+s20], $0x80, s30, s20, $0xb8;
	[tilespmem:$0x1F0C0] =	vst v63  }
0x51: {  	p1 =	sne.s32 s16, $0x4800;
	_ =	swait.ge [sflag:s23], $0x4000  }
0x52: {  	[sflag:s23] =	ssyncset.done $0x0  }
0x53: {  	s16 =	sadd.s32 $0x1400, s29;
	[sflag:s23] =	ssyncadd.s32 $0xFFFFC000  }
0x54: {  	[spmem:s1] =	stream.indirect.scatter.add.f32 [tilespmem:s21], [sflag:$0x3], $0x80, s16, s20, $0xb8;
	[tilespmem:$0x1F0C0] =	vst v63  }
0x55: {  	_ =	swait.ge [sflag:s18], $0x4000  }
0x56: {  	[sflag:s18] =	ssyncset.done $0x0  }
0x57: {  	s16 =	sadd.s32 $0x100, s29;
	[sflag:s18] =	ssyncadd.s32 $0xFFFFC000  }
0x58: {  	[tilespmem:s21], [sflag:$0x1] =	stream.indirect.gather [hbm4b:s3+s20], $0x80, s16, s20, $0xb8;
	[tilespmem:$0x1F0C0] =	vst v63  }
0x59: {  	_ =	swait.ge [sflag:s24], $0x4000  }
.Ltmp3:
0x5a: {  	[sflag:s24] =	ssyncset.done $0x0;
	(pc) =	sbr.rel @p1 .LBB2_6-.Ltmp3, $4  }
0x5b: {  	s16 =	sadd.s32 $0x1480, s29;
	[sflag:s24] =	ssyncadd.s32 $0xFFFFC000  }
0x5c: {  	[spmem:s1] =	stream.indirect.scatter.add.f32 [tilespmem:s22], [sflag:$0x3], $0x80, s16, s20, $0xb8;
	[tilespmem:$0x1F0C0] =	vst v63  }
0x5d: {  	_ =	swait.ge [sflag:s18], $0x4000  }
0x5e: {  	s29 =	sshra.s32 s31, $0x2;
	s16 =	smov.u32 s4;
	[sflag:s18] =	ssyncset.done $0x0  }
0x5f: {  	s4 =	sadd.s32 $0x80, s29;
	[sflag:s18] =	ssyncadd.s32 $0xFFFFC000  }
0x60: {  	[tilespmem:s22], [sflag:$0x2] =	stream.indirect.gather [hbm4b:s3+s20], $0x80, s4, s20, $0xb8;
	[tilespmem:$0x1F0C0] =	vst v63  }
0x61: {  	_ =	swait.ge [sflag:s23], $0x4000  }
0x62: {  	[sflag:s23] =	ssyncset.done $0x0  }
0x63: {  	s30 =	sadd.s32 $0x1400, s29;
	[sflag:s23] =	ssyncadd.s32 $0xFFFFC000  }
0x64: {  	[spmem:s1] =	stream.indirect.scatter.add.f32 [tilespmem:s21], [sflag:$0x3], $0x80, s30, s20, $0xb8;
	[tilespmem:$0x1F0C0] =	vst v63  }
0x65: {  	_ =	swait.ge [sflag:s18], $0x4000  }
0x66: {  	[sflag:s18] =	ssyncset.done $0x0  }
0x67: {  	s31 =	sadd.s32 $0x100, s29;
	[sflag:s18] =	ssyncadd.s32 $0xFFFFC000  }
0x68: {  	[tilespmem:s21], [sflag:$0x1] =	stream.indirect.gather [hbm4b:s3+s20], $0x80, s31, s20, $0xb8;
	[tilespmem:$0x1F0C0] =	vst v63  }
0x69: {  	_ =	swait.ge [sflag:s24], $0x4000  }
0x6a: {  	[sflag:s24] =	ssyncset.done $0x0  }
0x6b: {  	s16 =	sadd.s32 $0x1480, s29;
	[sflag:s24] =	ssyncadd.s32 $0xFFFFC000  }
0x6c: {  	[spmem:s1] =	stream.indirect.scatter.add.f32 [tilespmem:s22], [sflag:$0x3], $0x80, s16, s20, $0xb8;
	[tilespmem:$0x1F0C0] =	vst v63  }
0x6d: {  	_ =	swait.ge [sflag:s18], $0x4000  }
0x6e: {  	[sflag:s18] =	ssyncset.done $0x0  }
0x6f: {  	[sflag:s18] =	ssyncadd.s32 $0xFFFFC000  }
0x70: {  	[tilespmem:s22], [sflag:$0x2] =	stream.indirect.gather [hbm4b:s3+s20], $0x80, s25, s20, $0xb8;
	[tilespmem:$0x1F0C0] =	vst v63  }
0x71: {  	_ =	swait.ge [sflag:s23], $0x4000  }
0x72: {  	[sflag:s23] =	ssyncset.done $0x0  }
0x73: {  	[sflag:s23] =	ssyncadd.s32 $0xFFFFC000  }
0x74: {  	[spmem:s1] =	stream.indirect.scatter.add.f32 [tilespmem:s21], [sflag:$0x3], $0x80, s26, s20, $0xb8;
	[tilespmem:$0x1F0C0] =	vst v63  }
0x75: {  	_ =	swait.ge [sflag:s18], $0x4000  }
0x76: {  	[sflag:s18] =	ssyncset.done $0x0  }
0x77: {  	[sflag:s18] =	ssyncadd.s32 $0xFFFFC000  }
0x78: {  	_ =	swait.ge [sflag:s24], $0x4000  }
0x79: {  	[sflag:s24] =	ssyncset.done $0x0  }
0x7a: {  	[sflag:s24] =	ssyncadd.s32 $0xFFFFC000  }
0x7b: {  	[spmem:s1] =	stream.indirect.scatter.add.f32 [tilespmem:s22], [sflag:$0x3], $0x80, s28, s20, $0xb8;
	[tilespmem:$0x1F0C0] =	vst v63  }
0x7c: {  	_ =	swait.ge [sflag:s18], $0x4000  }
0x7d: {  	[sflag:s18] =	ssyncset.done $0x0  }
0x7e: {  	s30 =	simm.s32 $0x0;
	[sflag:s18] =	ssyncadd.s32 $0xFFFFC000  }
0x7f: {  	[tilespmem:s30], [sflag:$0x3] =	stream.linear.gather [hbm4b:s10+s30], $0x1400, $0x38;
	[tilespmem:$0x1F0C0] =	vst v63  }
0x80: {  	_ =	swait.ge [sflag:s18], $0x1400  }
0x81: {  	[sflag:s18] =	ssyncset.done $0x0  }
0x82: {  	[sflag:s18] =	ssyncadd.s32 $0xFFFFEC00  }
0x83: {  	[tilespmem:s19], [sflag:$0x3] =	stream.linear.gather [hbm4b:s11+s30], $0x1400, $0x38;
	[tilespmem:$0x1F0C0] =	vst v63  }
0x84: {  	_ =	swait.ge [sflag:s18], $0x1400  }
0x85: {  	[sflag:s18] =	ssyncset.done $0x0  }
0x86: {  	[sflag:s18] =	ssyncadd.s32 $0xFFFFEC00  }
0x87: {  	[tilespmem:s21], [sflag:$0x1] =	stream.indirect.gather [hbm4b:s3+s20], $0x80, s30, s20, $0xb8;
	[tilespmem:$0x1F0C0] =	vst v63  }
0x88: {  	s31 =	simm.s32 $0x80  }
0x89: {  	[tilespmem:s22], [sflag:$0x2] =	stream.indirect.gather [hbm4b:s3+s20], $0x80, s31, s20, $0xb8;
	[tilespmem:$0x1F0C0] =	vst v63  }
0x8a: {  	_ =	swait.ge [sflag:s23], $0x4000  }
0x8b: {  	[sflag:s23] =	ssyncset.done $0x0  }
0x8c: {  	s16 =	simm.s32 $0x1400;
	[sflag:s23] =	ssyncadd.s32 $0xFFFFC000  }
0x8d: {  	[spmem:s1] =	stream.indirect.scatter.add.f32 [tilespmem:s21], [sflag:$0x3], $0x80, s16, s20, $0xb8;
	[tilespmem:$0x1F0C0] =	vst v63  }
0x8e: {  	_ =	swait.ge [sflag:s18], $0x4000  }
0x8f: {  	[sflag:s18] =	ssyncset.done $0x0  }
0x90: {  	s30 =	simm.s32 $0x100;
	[sflag:s18] =	ssyncadd.s32 $0xFFFFC000  }
0x91: {  	[tilespmem:s21], [sflag:$0x1] =	stream.indirect.gather [hbm4b:s3+s20], $0x80, s30, s20, $0xb8;
	[tilespmem:$0x1F0C0] =	vst v63  }
0x92: {  	_ =	swait.ge [sflag:s24], $0x4000  }
0x93: {  	[sflag:s24] =	ssyncset.done $0x0  }
0x94: {  	s31 =	simm.s32 $0x1480;
	[sflag:s24] =	ssyncadd.s32 $0xFFFFC000  }
0x95: {  	[spmem:s1] =	stream.indirect.scatter.add.f32 [tilespmem:s22], [sflag:$0x3], $0x80, s31, s20, $0xb8;
	[tilespmem:$0x1F0C0] =	vst v63  }
0x96: {  	_ =	swait.ge [sflag:s18], $0x4000  }
0x97: {  	s29 =	simm.s32 $0x100;
	s16 =	simm.s32 $0x800;
	[sflag:s18] =	ssyncset.done $0x0  }
.LBB2_8:
0x98: {  	s4 =	sadd.s32 $0x80, s29  }
0x99: {  	[sflag:s18] =	ssyncadd.s32 $0xFFFFC000;
	s30 =	smov.u32 s16;
	s31 =	sadd.s32 $0x400, s16  }
0x9a: {  	[tilespmem:s22], [sflag:$0x2] =	stream.indirect.gather [hbm4b:s3+s20], $0x80, s4, s20, $0xb8;
	[tilespmem:$0x1F0C0] =	vst v63  }
0x9b: {  	p1 =	sne.s32 s16, $0x4800;
	_ =	swait.ge [sflag:s23], $0x4000  }
0x9c: {  	[sflag:s23] =	ssyncset.done $0x0  }
0x9d: {  	s4 =	sadd.s32 $0x1400, s29;
	[sflag:s23] =	ssyncadd.s32 $0xFFFFC000  }
0x9e: {  	[spmem:s1] =	stream.indirect.scatter.add.f32 [tilespmem:s21], [sflag:$0x3], $0x80, s4, s20, $0xb8;
	[tilespmem:$0x1F0C0] =	vst v63  }
0x9f: {  	_ =	swait.ge [sflag:s18], $0x4000  }
0xa0: {  	[sflag:s18] =	ssyncset.done $0x0  }
0xa1: {  	s4 =	sadd.s32 $0x100, s29;
	[sflag:s18] =	ssyncadd.s32 $0xFFFFC000  }
0xa2: {  	[tilespmem:s21], [sflag:$0x1] =	stream.indirect.gather [hbm4b:s3+s20], $0x80, s4, s20, $0xb8;
	[tilespmem:$0x1F0C0] =	vst v63  }
0xa3: {  	_ =	swait.ge [sflag:s24], $0x4000  }
.Ltmp4:
0xa4: {  	[sflag:s24] =	ssyncset.done $0x0;
	(pc) =	sbr.rel @p1 .LBB2_8-.Ltmp4, $4  }
0xa5: {  	s4 =	sadd.s32 $0x1480, s29;
	[sflag:s24] =	ssyncadd.s32 $0xFFFFC000  }
0xa6: {  	[spmem:s1] =	stream.indirect.scatter.add.f32 [tilespmem:s22], [sflag:$0x3], $0x80, s4, s20, $0xb8;
	[tilespmem:$0x1F0C0] =	vst v63  }
0xa7: {  	_ =	swait.ge [sflag:s18], $0x4000  }
0xa8: {  	s16 =	smov.u32 s31;
	s29 =	sshra.s32 s30, $0x2;
	[sflag:s18] =	ssyncset.done $0x0  }
0xa9: {  	s4 =	sadd.s32 $0x80, s29;
	[sflag:s18] =	ssyncadd.s32 $0xFFFFC000  }
0xaa: {  	[tilespmem:s22], [sflag:$0x2] =	stream.indirect.gather [hbm4b:s3+s20], $0x80, s4, s20, $0xb8;
	[tilespmem:$0x1F0C0] =	vst v63  }
0xab: {  	_ =	swait.ge [sflag:s23], $0x4000  }
0xac: {  	[sflag:s23] =	ssyncset.done $0x0  }
0xad: {  	s16 =	sadd.s32 $0x1400, s29;
	[sflag:s23] =	ssyncadd.s32 $0xFFFFC000  }
0xae: {  	[spmem:s1] =	stream.indirect.scatter.add.f32 [tilespmem:s21], [sflag:$0x3], $0x80, s16, s20, $0xb8;
	[tilespmem:$0x1F0C0] =	vst v63  }
0xaf: {  	_ =	swait.ge [sflag:s18], $0x4000  }
0xb0: {  	[sflag:s18] =	ssyncset.done $0x0  }
0xb1: {  	s16 =	sadd.s32 $0x100, s29;
	[sflag:s18] =	ssyncadd.s32 $0xFFFFC000  }
0xb2: {  	[tilespmem:s21], [sflag:$0x1] =	stream.indirect.gather [hbm4b:s3+s20], $0x80, s16, s20, $0xb8;
	[tilespmem:$0x1F0C0] =	vst v63  }
0xb3: {  	_ =	swait.ge [sflag:s24], $0x4000  }
0xb4: {  	[sflag:s24] =	ssyncset.done $0x0  }
0xb5: {  	s16 =	sadd.s32 $0x1480, s29;
	[sflag:s24] =	ssyncadd.s32 $0xFFFFC000  }
0xb6: {  	[spmem:s1] =	stream.indirect.scatter.add.f32 [tilespmem:s22], [sflag:$0x3], $0x80, s16, s20, $0xb8;
	[tilespmem:$0x1F0C0] =	vst v63  }
0xb7: {  	_ =	swait.ge [sflag:s18], $0x4000  }
0xb8: {  	[sflag:s18] =	ssyncset.done $0x0  }
0xb9: {  	[sflag:s18] =	ssyncadd.s32 $0xFFFFC000  }
0xba: {  	[tilespmem:s22], [sflag:$0x2] =	stream.indirect.gather [hbm4b:s3+s20], $0x80, s25, s20, $0xb8;
	[tilespmem:$0x1F0C0] =	vst v63  }
0xbb: {  	_ =	swait.ge [sflag:s23], $0x4000  }
0xbc: {  	[sflag:s23] =	ssyncset.done $0x0  }
0xbd: {  	[sflag:s23] =	ssyncadd.s32 $0xFFFFC000  }
0xbe: {  	[spmem:s1] =	stream.indirect.scatter.add.f32 [tilespmem:s21], [sflag:$0x3], $0x80, s26, s20, $0xb8;
	[tilespmem:$0x1F0C0] =	vst v63  }
0xbf: {  	_ =	swait.ge [sflag:s18], $0x4000  }
0xc0: {  	[sflag:s18] =	ssyncset.done $0x0  }
0xc1: {  	[sflag:s18] =	ssyncadd.s32 $0xFFFFC000  }
0xc2: {  	_ =	swait.ge [sflag:s24], $0x4000  }
0xc3: {  	[sflag:s24] =	ssyncset.done $0x0  }
0xc4: {  	[sflag:s24] =	ssyncadd.s32 $0xFFFFC000  }
0xc5: {  	[spmem:s1] =	stream.indirect.scatter.add.f32 [tilespmem:s22], [sflag:$0x3], $0x80, s28, s20, $0xb8;
	[tilespmem:$0x1F0C0] =	vst v63  }
0xc6: {  	p1 =	sne.s32 s12, $0x1;
	_ =	swait.ge [sflag:s18], $0x4000  }
.Ltmp5:
0xc7: {  	s16 =	stileid.u32;
	[sflag:s18] =	ssyncset.done $0x0;
	(pc) =	sbr.rel @!p1 .LBB2_11-.Ltmp5, $4  }
0xc8: {  	s30 =	sadd.s32 $0xFFFFFFFF, s12;
	s4 =	sshll.u32 s16, $0x6;
	[sflag:s18] =	ssyncadd.s32 $0xFFFFC000  }
0xc9: {  	s16 =	sshrl.u32 s0, $0x3;
	s29 =	sor.u32 $0x1C03, s4;
	[bflag:$0x0] =	sbarrier.arrive $0xFFFF  }
0xca: {  	[hbm:s15], [sflag:s29] =	dma.local [spmem:s16], $0x800  }
0xcb: {  	s31 =	sadd.s32 $0x8000, s15;
	s16 =	smov.u32 s0;
	_ =	swait.ge [sflag:s18], $0x800  }
.LBB2_10:
0xcc: {  	[sflag:s18] =	ssyncset.done $0x0;
	s16 =	sadd.s32 $0x40000, s16;
	p1 =	sne.s32 s30, $0x1  }
.Ltmp6:
0xcd: {  	s4 =	sshrl.u32 s16, $0x3;
	[sflag:s18] =	ssyncadd.s32 $0xFFFFF800;
	(pc) =	sbr.rel @p1 .LBB2_10-.Ltmp6, $3  }
0xce: {  	[hbm:s31], [sflag:s29] =	dma.local [spmem:s4], $0x800  }
0xcf: {  	s30 =	sadd.s32 $0xFFFFFFFF, s30;
	_ =	sdelay $0x1  }
0xd0: {  	s31 =	sadd.s32 $0x8000, s31;
	_ =	swait.ge [sflag:s18], $0x800  }
.LBB2_11:
0xd1: {  	[sflag:s18] =	ssyncset.done $0x0;
	s4 =	sshrl.u32 @!p0 s7, $0x3;
	s2 =	sadd.s32 $0x1, s2  }
0xd2: {  	s16 =	simm.s32 @!p0 $0x1C03;
	[sflag:s18] =	ssyncadd.s32 $0xFFFFF800;
	p1 =	sne.s32 s2, s14  }
0xd3: {  	[hbm:s13], [sflag:s16] =	dma.local @!p0 [spmem:s4], $0x180  }
.Ltmp7:
0xd4: {  	_ = 	snop;
	(pc) =	sbr.rel @p1 .LBB2_1-.Ltmp7, $4  }
0xd5: {  	s4 =	simm.s32 @!p0 $0x3  }
0xd6: {  	_ =	swait.ge @!p0 [sflag:s4], $0x180  }
0xd7: {  	[sflag:s4] =	ssyncset.done @!p0 $0x0  }
0xd8: {  	[sflag:s4] =	ssyncadd.s32 @!p0 $0xFFFFFE80  }
0xd9: {  	_ =	sfence.sel $0x180000  }
0xda: {  	[bflag:$0x0] =	sbarrier.arrive $0xFFFF  }
0xdb: {  	_ =	strace $0x90000053  }
0xdc: {  	[bflag:$0x2] =	sbarrier.arrive $0xFFFF  }
0xdd: {  	s0 =	rddreg [dreg:$0x2]  }
0xde: {  	s0 =	sadd.s32 @!p0 $0x100000, s0  }
0xdf: {  	[sflag:s0] =	ssyncadd.tile.s32 @!p0 $0x1;
	_ =	shalt  }
.Lfunc_end2:
_tile_overlayer_lowered:
.L_overlay_start_2:
0xe0: {  	(tag) =	ssettag $0x2  }
0xe1: {  	s0 =	rddreg [dreg:$0x0];
	s2 =	stileid.u32  }
0xe2: {  	s1 =	rddreg [dreg:$0x1];
	p0 =	sne.s32 s2, $0x0  }
0xe3: {  	s3 =	rddreg [dreg:$0x2];
	[bflag:$0x3] =	sbarrier.arrive $0xFFFF;
	s2 =	simm.s32 @!p0 $0x1C03  }
0xe4: {  	[timem:s3], [sflag:s2] =	dma.local @!p0 [hbm:s0], s1  }
0xe5: {  	s0 =	simm.s32 @!p0 $0x3  }
0xe6: {  	_ =	swait.ge @!p0 [sflag:s0], s1  }
0xe7: {  	s1 =	ssub.s32 @!p0 $0x0, s1;
	[sflag:s0] =	ssyncset.done @!p0 $0x0  }
0xe8: {  	[sflag:s0] =	ssyncadd.s32 @!p0 s1  }
0xe9: {  	[bflag:$0x3] =	sbarrier.arrive $0xFFFF  }
0xea: {  	_ =	shalt  }

// kernel: kernel.15.cloned.1.call-start
scs
__scs_entry_jumppad:
0x0: {  	(pc) =	sbr.rel $0x88, $3  }
0x1: {  	(tag) =	ssettag $0x0;
	lr =	simm.s32 $0x1  }
0x2: {  	[smem:$0x3F9B] =	sst lr;
	_ =	strace $0xD0000000  }
0x3: {  	_ = 	snop  }
0x4: {  	_ = 	snop  }
0x5: {  	_ = 	snop  }
0x6: {  	_ = 	snop  }
0x7: {  	_ = 	snop  }
__scs_overlays_trampoline_lowered:
0x8: {  	[smem:$0x3FAA] =	sst s0  }
0x9: {  	[smem:$0x3FAB] =	sst s1  }
0xa: {  	[smem:$0x3FAC] =	sst s2  }
0xb: {  	[smem:$0x3FAD] =	sst s3  }
0xc: {  	[smem:$0x3FAE] =	sst s4  }
0xd: {  	[smem:$0x3FAF] =	sst s5  }
0xe: {  	[smem:$0x3FB0] =	sst s6  }
0xf: {  	[smem:$0x3FB1] =	sst s7  }
0x10: {  	[smem:$0x3FB2] =	sst s8  }
0x11: {  	[smem:$0x3FB3] =	sst s9;
	s0 =	simm.s32 @!p0 $0x0  }
0x12: {  	s1 =	sld [smem:$0x3F99];
	s0 =	simm.s32 @p0 $0x1  }
0x13: {  	[smem:$0x3FB4] =	sst s0;
	s0 =	simm.s32 @!p1 $0x0  }
0x14: {  	s2 =	sld [smem:$0x3F98];
	s0 =	simm.s32 @p1 $0x1  }
0x15: {  	[smem:$0x3FB5] =	sst s0;
	s0 =	simm.s32 @!p2 $0x0  }
0x16: {  	s3 =	sld [smem:$0x3FDB];
	s0 =	simm.s32 @p2 $0x1  }
0x17: {  	s4 =	simm.s32 $0x1BF5;
	[smem:$0x3FB7] =	sst s0  }
0x18: {  	s0 =	sld [smem:$0x3F9A];
	_ =	swait.ge [sflag:s4], $0x0  }
0x19: {  	s7 =	sld [smem:$0x3F9B]  }
0x1a: {  	s8 =	sadd.s32 $0xFFFFE003, lr  }
0x1b: {  	s9 =	sadd.s32 $0xFFFFFEF7, lr;
	s5 =	simm.s32 $0xFFFFFFFF;
	p2 =	slt.u32 s8, $0xFFFFF086  }
0x1c: {  	p1 =	slt.u32 s9, $0xF7A;
	s5 =	simm.s32 @!p2 $0x0  }
0x1d: {  	s5 =	simm.s32 @p1 $0x1;
	p0 =	seq.s32 s7, s2  }
0x1e: {  	s7 =	smul.u32 @!p0 $0xF7A, s2;
	p2 =	seq.s32 @!p0 s5, $0x0  }
0x1f: {  	s9 =	smul.u32 $0xF7A, s1;
	s8 =	simm.s32 @!p0 $0x1BF5;
	p2 =	por !p2, p0  }
0x20: {  	[sflag:s8] =	ssyncset.s32 @!p0 $0xFFFFF086;
	s6 =	sadd.s32 @!p0 s3, s7;
	s7 =	simm.s32 @!p0 $0x108  }
0x21: {  	s3 =	sadd.s32 s3, s9;
	s6 =	sadd.s32 @!p0 $0x88, s6;
	s7 =	simm.s32 @p2 $0x1082  }
0x22: {  	[simem:s7], [sflag:s8] =	dma.local @!p0 [hbm:s6], $0xF7A  }
0x23: {  	s9 =	sor.u32 $0xD0000000, s2;
	s6 =	simm.s32 $0x108;
	_ =	swait.ge @!p0 [sflag:s8], $0x0  }
0x24: {  	s3 =	sadd.s32 $0x88, s3;
	s6 =	simm.s32 @!p1 $0x1082;
	[sflag:s4] =	ssyncset.s32 $0xFFFFF086  }
0x25: {  	[simem:s6], [sflag:s4] =	dma.local [hbm:s3], $0xF7A  }
0x26: {  	[smem:$0x3F9B] =	sst s1;
	(tag) =	ssettag s2;
	_ =	strace s9  }
0x27: {  	s1 =	sld [smem:$0x3FAB]  }
0x28: {  	s2 =	sld [smem:$0x3FAC]  }
0x29: {  	s4 =	sld [smem:$0x3FAE]  }
0x2a: {  	p0 =	seq.s32 s5, $0x0;
	s5 =	sld [smem:$0x3FAF]  }
0x2b: {  	s6 =	sld [smem:$0x3FB0]  }
0x2c: {  	s7 =	sld [smem:$0x3FB1]  }
0x2d: {  	s3 =	simm.s32 $0x108;
	s8 =	sld [smem:$0x3FB2]  }
0x2e: {  	s3 =	simm.s32 @!p0 $0x1082;
	s9 =	sld [smem:$0x3FB3]  }
0x2f: {  	lr =	sadd.s32 s0, s3;
	s0 =	sld [smem:$0x3FAA]  }
0x30: {  	s3 =	sld [smem:$0x3FAD]  }
0x31: {  	[smem:$0x3FB6] =	sst s10  }
0x32: {  	s10 =	sld [smem:$0x3FB4];
	_ =	sdelay $0x3  }
0x33: {  	p0 =	seq.s32 s10, $0x1;
	s10 =	sld [smem:$0x3FB6];
	_ =	sdelay $0x3  }
0x34: {  	[smem:$0x3FB6] =	sst s10  }
0x35: {  	s10 =	sld [smem:$0x3FB5];
	_ =	sdelay $0x3  }
0x36: {  	p1 =	seq.s32 s10, $0x1;
	s10 =	sld [smem:$0x3FB6];
	_ =	sdelay $0x3  }
0x37: {  	[smem:$0x3FB6] =	sst s10  }
0x38: {  	s10 =	sld [smem:$0x3FB7]  }
0x39: {  	_ = 	snop;
	(pc) =	sbr.ind lr, $3  }
0x3a: {  	_ = 	snop  }
0x3b: {  	_ = 	snop  }
0x3c: {  	p2 =	seq.s32 s10, $0x1;
	s10 =	sld [smem:$0x3FB6]  }
0x3d: {  	_ =	shalt  }
0x3e: {  	_ =	shalt  }
0x3f: {  	_ =	shalt  }
0x40: {  	_ =	shalt  }
0x41: {  	_ =	shalt  }
0x42: {  	_ =	shalt  }
0x43: {  	_ =	shalt  }
0x44: {  	_ =	shalt  }
0x45: {  	_ =	shalt  }
0x46: {  	_ =	shalt  }
0x47: {  	_ =	shalt  }
0x48: {  	_ =	shalt  }
0x49: {  	_ =	shalt  }
0x4a: {  	_ =	shalt  }
0x4b: {  	_ =	shalt  }
0x4c: {  	_ =	shalt  }
0x4d: {  	_ =	shalt  }
0x4e: {  	_ =	shalt  }
0x4f: {  	_ =	shalt  }
0x50: {  	_ =	shalt  }
0x51: {  	_ =	shalt  }
0x52: {  	_ =	shalt  }
0x53: {  	_ =	shalt  }
0x54: {  	_ =	shalt  }
0x55: {  	_ =	shalt  }
0x56: {  	_ =	shalt  }
0x57: {  	_ =	shalt  }
0x58: {  	_ =	shalt  }
0x59: {  	_ =	shalt  }
0x5a: {  	_ =	shalt  }
0x5b: {  	_ =	shalt  }
0x5c: {  	_ =	shalt  }
0x5d: {  	_ =	shalt  }
0x5e: {  	_ =	shalt  }
0x5f: {  	_ =	shalt  }
0x60: {  	_ =	shalt  }
0x61: {  	_ =	shalt  }
0x62: {  	_ =	shalt  }
0x63: {  	_ =	shalt  }
0x64: {  	_ =	shalt  }
0x65: {  	_ =	shalt  }
0x66: {  	_ =	shalt  }
0x67: {  	_ =	shalt  }
0x68: {  	_ =	shalt  }
0x69: {  	_ =	shalt  }
0x6a: {  	_ =	shalt  }
0x6b: {  	_ =	shalt  }
0x6c: {  	_ =	shalt  }
0x6d: {  	_ =	shalt  }
0x6e: {  	_ =	shalt  }
0x6f: {  	_ =	shalt  }
0x70: {  	_ =	shalt  }
0x71: {  	_ =	shalt  }
0x72: {  	_ =	shalt  }
0x73: {  	_ =	shalt  }
0x74: {  	_ =	shalt  }
0x75: {  	_ =	shalt  }
0x76: {  	_ =	shalt  }
0x77: {  	_ =	shalt  }
0x78: {  	_ =	shalt  }
0x79: {  	_ =	shalt  }
0x7a: {  	_ =	shalt  }
0x7b: {  	_ =	shalt  }
0x7c: {  	_ =	shalt  }
0x7d: {  	_ =	shalt  }
0x7e: {  	_ =	shalt  }
0x7f: {  	_ =	shalt  }
0x80: {  	_ =	shalt  }
0x81: {  	_ =	shalt  }
0x82: {  	_ =	shalt  }
0x83: {  	_ =	shalt  }
0x84: {  	_ =	shalt  }
0x85: {  	_ =	shalt  }
0x86: {  	_ =	shalt  }
0x87: {  	_ =	shalt  }
.Lfunc_end0:
.L_simem_size_0:
called_computation.5_lowered:
.L_overlay_start_0:
0x88: {  	s2 =	sld [smem:$0x3FD9]  }
0x89: {  	s3 =	sld [smem:$0x3FFE];
	_ =	sdelay $0x1  }
0x8a: {  	s1 =	srdreg.scid  }
0x8b: {  	s0 =	sand.u32 $0x1, s1  }
0x8c: {  	s17 =	sshll.u32 s0, $0xA;
	s2 =	sadd.s32 s3, s2  }
0x8d: {  	s2 =	sadd.s32 s2, s17  }
0x8e: {  	[smem:$0x3FC2] =	sst s2  }
0x8f: {  	_ = 	snop  }
0x90: {  	s2 =	sld [smem:$0x3FD0];
	(tm) =	ssettm $0x1  }
0x91: {  	s18 =	sld [smem:$0x3FFB];
	_ =	sdelay $0x3  }
0x92: {  	_ =	strace s18  }
0x93: {  	s3 =	sld [smem:$0x3FFC];
	_ =	sdelay $0x3  }
0x94: {  	_ =	strace s3  }
0x95: {  	s3 =	sld [smem:$0x3FFD];
	_ =	sdelay $0x3  }
0x96: {  	_ =	strace s3  }
0x97: {  	_ =	strace $0x8FFFFFFF  }
0x98: {  	s19 =	sld [smem:$0x3FDB];
	_ =	sdelay $0x1  }
0x99: {  	s4 =	simm.s32 $_scs_section_size  }
0x9a: {  	s5 =	simm.s32 $_size__tile_overlayer_lowered;
	s6 =	simm.s32 $_tile_overlayer_lowered  }
0x9b: {  	s22 =	simm.s32 $0x1BFF;
	s21 =	sshll.u32 s6, $0x1;
	s3 =	sadd.s32 s4, s19  }
0x9c: {  	s7 =	simm.s32 $0x0;
	s20 =	sshll.u32 s5, $0x1;
	s5 =	sadd.s32 s21, s3  }
0x9d: {  	[timem:s7], [sflag:s22] =	dma.local [hbm:s5], s20  }
0x9e: {  	_ =	swait.ge [sflag:s22], s20  }
0x9f: {  	s4 =	ssub.s32 $0x0, s20;
	[sflag:s22] =	ssyncset.done $0x0  }
0xa0: {  	[sflag:s22] =	ssyncadd.s32 s4;
	_ =	sdelay $0x1  }
0xa1: {  	s23 =	simm.s32 $0x1B8B  }
0xa2: {  	_ =	swait.ge [sflag:s23], $0x1  }
0xa3: {  	[sflag:s23] =	ssyncset.done $0x0  }
0xa4: {  	s25 =	simm.s32 $0x1B8E;
	s24 =	sld [smem:$0x3FFE];
	[sflag:s23] =	ssyncadd.s32 $0xFFFFFFFF  }
0xa5: {  	s26 =	simm.s32 $execute0_lowered;
	[smem:$0x3FD2] =	sst s25  }
0xa6: {  	s5 =	sshll.u32 s26, $0x1;
	_ =	strace $0x80000055;
	[dreg:$0x1] =	wrdreg $0xFFFFFFFF  }
0xa7: {  	s28 =	simm.s32 $_size_execute0_lowered;
	s3 =	sadd.s32 s3, s5;
	[dreg:$0x0] =	wrdreg $0x0  }
0xa8: {  	s5 =	sshll.u32 s28, $0x1;
	[dreg:$0x2] =	wrdreg s3  }
0xa9: {  	[dreg:$0x3] =	wrdreg s5  }
0xaa: {  	[dreg:$0x4] =	wrdreg $0xC0  }
0xab: {  	_ =	task [dreg:s7], $0x5FFFF  }
0xac: {  	[dreg:$0x1] =	wrdreg $0xFFFFFFFF  }
0xad: {  	[dreg:$0x0] =	wrdreg $0x60  }
0xae: {  	[dreg:$0x2] =	wrdreg s2  }
0xaf: {  	[dreg:$0x3] =	wrdreg s24  }
0xb0: {  	[dreg:$0x4] =	wrdreg $0x70000  }
0xb1: {  	[dreg:$0x5] =	wrdreg $0x9  }
0xb2: {  	_ =	task.clear_ibuf [dreg:s7], $0x6FFFF;
	_ =	strace $0x90000055  }
0xb3: {  	s29 =	simm.s32 $0x9;
	_ =	strace $0x80000057  }
0xb4: {  	_ =	swait.ge [sflag:s29], $0x1  }
0xb5: {  	[sflag:s29] =	ssyncadd.s32 $0xFFFFFFFF  }
0xb6: {  	_ =	strace $0x90000057  }
0xb7: {  	_ =	sfence  }
0xb8: {  	s30 =	sld [smem:$0x0];
	_ =	sdelay $0x2  }
0xb9: {  	s31 =	sshll.u32 s1, $0xD;
	s1 =	sshrl.u32 s1, $0x2  }
0xba: {  	s3 =	sand.u32 $0x4000, s31;
	s1 =	sadd.s32 s1, s30  }
0xbb: {  	s0 =	sor.u32 s3, s0;
	s1 =	sshll.u32 s1, $0x11  }
0xbc: {  	s0 =	sor.u32 s1, s0  }
0xbd: {  	s0 =	sadd.s32 $0x8F2B, s0  }
0xbe: {  	[sflag:s0] =	ssyncadd.remote.s32 $0x1  }
0xbf: {  	_ =	sfence.sel $0xFFFF  }
0xc0: {  	[dreg:$0x0] =	wrdreg $0xFFFFFFFF;
	(pc) =	sbr.abs _section_cstart, $3  }
0xc1: {  	[dreg:$0x1] =	wrdreg $0xFFFFFFFF  }
0xc2: {  	_ =	task.clear_ibuf [dreg:s7], $0x2FFFF;
	_ =	strace $0x9FFFFFFF  }
0xc3: {  	(tm) =	ssettm $0x7FFFFFFF  }
tec
execute0_lowered:
.L_overlay_start_1:
0x0: {  	(tag) =	ssettag $0x1  }
0x1: {  	s1 =	rddreg [dreg:$0x0]  }
0x2: {  	s0 =	rddreg [dreg:$0x1]  }
0x3: {  	s2 =	rddreg [dreg:$0x2];
	s3 =	simm.s32 $0x0  }
0x4: {  	s5 =	srdreg.scid;
	s4 =	stileid.u32;
	s19 =	simm.s32 $0x1400  }
0x5: {  	s20 =	simm.s32 $0x80;
	s21 =	simm.s32 $0x2800;
	s22 =	simm.s32 $0x4800  }
0x6: {  	s23 =	simm.s32 $0x1;
	s28 =	simm.s32 $0x2780;
	[smem:$0x7FF] =	sst s3  }
0x7: {  	s10 =	sadd.s32 $0x2B000, s0;
	s11 =	sand.u32 $0x1, s5;
	s12 =	sadd.s32 $0x21000, s0  }
0x8: {  	s6 =	sshll.u32 s4, $0x1;
	s0 =	sadd.s32 $0x35000, s0;
	s24 =	ssub.s32 $0x147, s4  }
0x9: {  	s16 =	sshll.u32 s4, $0xD;
	s29 =	ssub.s32 $0x5D, s4;
	s31 =	sshll.u32 s4, $0xA  }
0xa: {  	p0 =	sne.s32 s4, $0x0;
	_ =	strace $0x80000056;
	s17 =	smul.u32 $0x9C600, s11  }
0xb: {  	s5 =	ssub.s32 $0x2, s11;
	s8 =	sor.u32 s11, s6;
	s18 =	smul.u32 $0x138C0, s11  }
0xc: {  	s25 =	sshrl.u32 s16, $0x2;
	s7 =	sshrl.u32 s5, $0x1;
	s9 =	smul.u32 $0x2800, s8  }
0xd: {  	s6 =	sadd.s32 s25, s2;
	s13 =	smul.u32 $0x500, s8;
	s25 =	simm.s32 $0x1380  }
0xe: {  	s14 =	ssub.s32 s5, s7;
	s5 =	sshrl.u32 s24, $0x4;
	s7 =	sadd.s32 $0x9C000, s2  }
0xf: {  	s17 =	sshrl.u32 s17, $0x3;
	s24 =	simm.s32 $0x2;
	s26 =	sshrl.u32 s9, $0x3  }
0x10: {  	s8 =	sadd.s32 s10, s13;
	s9 =	sadd.s32 s12, s13;
	s30 =	sadd.s32 s0, s17  }
0x11: {  	s0 =	sadd.s32 s18, s0;
	s14 =	smax.u32 s14, $0x1;
	s17 =	simm.s32 $0x6800  }
0x12: {  	s18 =	simm.s32 $0x3;
	s15 =	sadd.s32 $0x280, s26;
	s13 =	sadd.s32 $0x13800, s30  }
0x13: {  	s26 =	simm.s32 $0x2700;
	s10 =	sadd.s32 s10, s15;
	s11 =	sadd.s32 s12, s15  }
0x14: {  	v0 =	vimm.f32 $0.0e+00;
	s12 =	sshrl.u32 s29, $0x4;
	s15 =	sadd.s32 s31, s0;
	s0 =	sadd.s32 s16, s2  }
.LBB2_1:
0x15: {  	s29 =	simm.s32 $0x100;
	s16 =	simm.s32 $0x0  }
.LBB2_2:
0x16: {  	p1 =	sne.s32 s29, $0x1F00;
	[tilespmem:s16+$0x6830] =	vst v0;
	s30 =	smov.u32 s29;
	s29 =	sadd.s32 $0x100, s29  }
.Ltmp0:
0x17: {  	[tilespmem:s16+$0x6820] =	vst v0;
	(pc) =	sbr.rel @p1 .LBB2_2-.Ltmp0, $3  }
0x18: {  	[tilespmem:s16+$0x6800] =	vst v0  }
0x19: {  	[tilespmem:s16+$0x6810] =	vst v0;
	_ =	sdelay $0x1  }
0x1a: {  	s16 =	sshra.s32 s30, $0x2  }
0x1b: {  	[tilespmem:s16+$0x6830] =	vst v0  }
0x1c: {  	[tilespmem:s16+$0x6820] =	vst v0;
	p1 =	sne.s32 s5, $0x1  }
.Ltmp1:
0x1d: {  	[tilespmem:s16+$0x6800] =	vst v0;
	(pc) =	sbr.rel @!p1 .LBB2_5-.Ltmp1, $4  }
0x1e: {  	[tilespmem:s16+$0x6810] =	vst v0  }
0x1f: {  	[spmem:s6] =	stream.linear.scatter [tilespmem:s17], [sflag:$0x3], $0x800, $0x38;
	[tilespmem:$0x10C60] =	vst v63  }
0x20: {  	_ =	swait.ge [sflag:s18], $0x800  }
0x21: {  	s29 =	sadd.s32 $0xFFFFFFFF, s5;
	s16 =	smov.u32 s6;
	[sflag:s18] =	ssyncset.done $0x0  }
.LBB2_4:
0x22: {  	p1 =	sne.s32 s29, $0x1;
	[sflag:s18] =	ssyncadd.s32 $0xFFFFF800;
	s16 =	sadd.s32 $0x8000, s16  }
.Ltmp2:
0x23: {  	s29 =	sadd.s32 $0xFFFFFFFF, s29;
	(pc) =	sbr.rel @p1 .LBB2_4-.Ltmp2, $4  }
0x24: {  	_ = 	snop  }
0x25: {  	[spmem:s16] =	stream.linear.scatter [tilespmem:s17], [sflag:$0x3], $0x800, $0x38;
	[tilespmem:$0x10C60] =	vst v63  }
0x26: {  	_ =	swait.ge [sflag:s18], $0x800  }
0x27: {  	[sflag:s18] =	ssyncset.done $0x0  }
.LBB2_5:
0x28: {  	[sflag:s18] =	ssyncadd.s32 $0xFFFFF800;
	s16 =	simm.s32 @!p0 $0x6800  }
0x29: {  	[spmem:s7] =	stream.linear.scatter @!p0 [tilespmem:s16], [sflag:$0x3], $0x600, $0x38;
	[tilespmem:$0x10C60] =	vst v63  }
0x2a: {  	s16 =	simm.s32 @!p0 $0x3  }
0x2b: {  	_ =	swait.ge @!p0 [sflag:s16], $0x600  }
0x2c: {  	[sflag:s16] =	ssyncset.done @!p0 $0x0  }
0x2d: {  	s30 =	simm.s32 $0x0;
	[sflag:s16] =	ssyncadd.s32 @!p0 $0xFFFFFA00  }
0x2e: {  	[tilespmem:s30], [sflag:$0x3] =	stream.linear.gather [hbm4b:s8+s30], $0x1400, $0x38;
	[tilespmem:$0x10C60] =	vst v63  }
0x2f: {  	_ =	swait.ge [sflag:s18], $0x1400  }
0x30: {  	[sflag:s18] =	ssyncset.done $0x0  }
0x31: {  	[sflag:s18] =	ssyncadd.s32 $0xFFFFEC00  }
0x32: {  	[tilespmem:s19], [sflag:$0x3] =	stream.linear.gather [hbm4b:s9+s30], $0x1400, $0x38;
	[tilespmem:$0x10C60] =	vst v63  }
0x33: {  	_ =	swait.ge [sflag:s18], $0x1400  }
0x34: {  	[sflag:s18] =	ssyncset.done $0x0  }
0x35: {  	[sflag:s18] =	ssyncadd.s32 $0xFFFFEC00  }
0x36: {  	[bflag:$0x0] =	sbarrier.arrive $0xFFFF  }
0x37: {  	[tilespmem:s21], [sflag:$0x1] =	stream.indirect.gather [hbm4b:s1+s20], $0x40, s30, s20, $0xb8;
	[tilespmem:$0x10C60] =	vst v63  }
0x38: {  	s31 =	simm.s32 $0x80  }
0x39: {  	[tilespmem:s22], [sflag:$0x2] =	stream.indirect.gather [hbm4b:s1+s20], $0x40, s31, s20, $0xb8;
	[tilespmem:$0x10C60] =	vst v63  }
0x3a: {  	_ =	swait.ge [sflag:s23], $0x2000  }
0x3b: {  	[sflag:s23] =	ssyncset.done $0x0  }
0x3c: {  	s4 =	simm.s32 $0x1400;
	[sflag:s23] =	ssyncadd.s32 $0xFFFFE000  }
0x3d: {  	[spmem:s2] =	stream.indirect.scatter.add.f32 [tilespmem:s21], [sflag:$0x3], $0x40, s4, s20, $0xb8;
	[tilespmem:$0x10C60] =	vst v63  }
0x3e: {  	_ =	swait.ge [sflag:s18], $0x2000  }
0x3f: {  	[sflag:s18] =	ssyncset.done $0x0  }
0x40: {  	s30 =	simm.s32 $0x100;
	[sflag:s18] =	ssyncadd.s32 $0xFFFFE000  }
0x41: {  	[tilespmem:s21], [sflag:$0x1] =	stream.indirect.gather [hbm4b:s1+s20], $0x40, s30, s20, $0xb8;
	[tilespmem:$0x10C60] =	vst v63  }
0x42: {  	_ =	swait.ge [sflag:s24], $0x2000  }
0x43: {  	[sflag:s24] =	ssyncset.done $0x0  }
0x44: {  	s31 =	simm.s32 $0x1480;
	[sflag:s24] =	ssyncadd.s32 $0xFFFFE000  }
0x45: {  	[spmem:s2] =	stream.indirect.scatter.add.f32 [tilespmem:s22], [sflag:$0x3], $0x40, s31, s20, $0xb8;
	[tilespmem:$0x10C60] =	vst v63  }
0x46: {  	_ =	swait.ge [sflag:s18], $0x2000  }
0x47: {  	s29 =	simm.s32 $0x100;
	s16 =	simm.s32 $0x800;
	[sflag:s18] =	ssyncset.done $0x0  }
.LBB2_6:
0x48: {  	s30 =	sadd.s32 $0x80, s29  }
0x49: {  	[sflag:s18] =	ssyncadd.s32 $0xFFFFE000;
	s31 =	smov.u32 s16;
	s4 =	sadd.s32 $0x400, s16  }
0x4a: {  	[tilespmem:s22], [sflag:$0x2] =	stream.indirect.gather [hbm4b:s1+s20], $0x40, s30, s20, $0xb8;
	[tilespmem:$0x10C60] =	vst v63  }
0x4b: {  	p1 =	sne.s32 s16, $0x4800;
	_ =	swait.ge [sflag:s23], $0x2000  }
0x4c: {  	[sflag:s23] =	ssyncset.done $0x0  }
0x4d: {  	s16 =	sadd.s32 $0x1400, s29;
	[sflag:s23] =	ssyncadd.s32 $0xFFFFE000  }
0x4e: {  	[spmem:s2] =	stream.indirect.scatter.add.f32 [tilespmem:s21], [sflag:$0x3], $0x40, s16, s20, $0xb8;
	[tilespmem:$0x10C60] =	vst v63  }
0x4f: {  	_ =	swait.ge [sflag:s18], $0x2000  }
0x50: {  	[sflag:s18] =	ssyncset.done $0x0  }
0x51: {  	s16 =	sadd.s32 $0x100, s29;
	[sflag:s18] =	ssyncadd.s32 $0xFFFFE000  }
0x52: {  	[tilespmem:s21], [sflag:$0x1] =	stream.indirect.gather [hbm4b:s1+s20], $0x40, s16, s20, $0xb8;
	[tilespmem:$0x10C60] =	vst v63  }
0x53: {  	_ =	swait.ge [sflag:s24], $0x2000  }
.Ltmp3:
0x54: {  	[sflag:s24] =	ssyncset.done $0x0;
	(pc) =	sbr.rel @p1 .LBB2_6-.Ltmp3, $4  }
0x55: {  	s16 =	sadd.s32 $0x1480, s29;
	[sflag:s24] =	ssyncadd.s32 $0xFFFFE000  }
0x56: {  	[spmem:s2] =	stream.indirect.scatter.add.f32 [tilespmem:s22], [sflag:$0x3], $0x40, s16, s20, $0xb8;
	[tilespmem:$0x10C60] =	vst v63  }
0x57: {  	_ =	swait.ge [sflag:s18], $0x2000  }
0x58: {  	s29 =	sshra.s32 s31, $0x2;
	s16 =	smov.u32 s4;
	[sflag:s18] =	ssyncset.done $0x0  }
0x59: {  	s4 =	sadd.s32 $0x80, s29;
	[sflag:s18] =	ssyncadd.s32 $0xFFFFE000  }
0x5a: {  	[tilespmem:s22], [sflag:$0x2] =	stream.indirect.gather [hbm4b:s1+s20], $0x40, s4, s20, $0xb8;
	[tilespmem:$0x10C60] =	vst v63  }
0x5b: {  	_ =	swait.ge [sflag:s23], $0x2000  }
0x5c: {  	[sflag:s23] =	ssyncset.done $0x0  }
0x5d: {  	s30 =	sadd.s32 $0x1400, s29;
	[sflag:s23] =	ssyncadd.s32 $0xFFFFE000  }
0x5e: {  	[spmem:s2] =	stream.indirect.scatter.add.f32 [tilespmem:s21], [sflag:$0x3], $0x40, s30, s20, $0xb8;
	[tilespmem:$0x10C60] =	vst v63  }
0x5f: {  	_ =	swait.ge [sflag:s18], $0x2000  }
0x60: {  	[sflag:s18] =	ssyncset.done $0x0  }
0x61: {  	s31 =	sadd.s32 $0x100, s29;
	[sflag:s18] =	ssyncadd.s32 $0xFFFFE000  }
0x62: {  	[tilespmem:s21], [sflag:$0x1] =	stream.indirect.gather [hbm4b:s1+s20], $0x40, s31, s20, $0xb8;
	[tilespmem:$0x10C60] =	vst v63  }
0x63: {  	_ =	swait.ge [sflag:s24], $0x2000  }
0x64: {  	[sflag:s24] =	ssyncset.done $0x0  }
0x65: {  	s16 =	sadd.s32 $0x1480, s29;
	[sflag:s24] =	ssyncadd.s32 $0xFFFFE000  }
0x66: {  	[spmem:s2] =	stream.indirect.scatter.add.f32 [tilespmem:s22], [sflag:$0x3], $0x40, s16, s20, $0xb8;
	[tilespmem:$0x10C60] =	vst v63  }
0x67: {  	_ =	swait.ge [sflag:s18], $0x2000  }
0x68: {  	[sflag:s18] =	ssyncset.done $0x0  }
0x69: {  	[sflag:s18] =	ssyncadd.s32 $0xFFFFE000  }
0x6a: {  	[tilespmem:s22], [sflag:$0x2] =	stream.indirect.gather [hbm4b:s1+s20], $0x40, s25, s20, $0xb8;
	[tilespmem:$0x10C60] =	vst v63  }
0x6b: {  	_ =	swait.ge [sflag:s23], $0x2000  }
0x6c: {  	[sflag:s23] =	ssyncset.done $0x0  }
0x6d: {  	[sflag:s23] =	ssyncadd.s32 $0xFFFFE000  }
0x6e: {  	[spmem:s2] =	stream.indirect.scatter.add.f32 [tilespmem:s21], [sflag:$0x3], $0x40, s26, s20, $0xb8;
	[tilespmem:$0x10C60] =	vst v63  }
0x6f: {  	_ =	swait.ge [sflag:s18], $0x2000  }
0x70: {  	[sflag:s18] =	ssyncset.done $0x0  }
0x71: {  	[sflag:s18] =	ssyncadd.s32 $0xFFFFE000  }
0x72: {  	_ =	swait.ge [sflag:s24], $0x2000  }
0x73: {  	[sflag:s24] =	ssyncset.done $0x0  }
0x74: {  	[sflag:s24] =	ssyncadd.s32 $0xFFFFE000  }
0x75: {  	[spmem:s2] =	stream.indirect.scatter.add.f32 [tilespmem:s22], [sflag:$0x3], $0x40, s28, s20, $0xb8;
	[tilespmem:$0x10C60] =	vst v63  }
0x76: {  	_ =	swait.ge [sflag:s18], $0x2000  }
0x77: {  	[sflag:s18] =	ssyncset.done $0x0  }
0x78: {  	s30 =	simm.s32 $0x0;
	[sflag:s18] =	ssyncadd.s32 $0xFFFFE000  }
0x79: {  	[tilespmem:s30], [sflag:$0x3] =	stream.linear.gather [hbm4b:s10+s30], $0x1400, $0x38;
	[tilespmem:$0x10C60] =	vst v63  }
0x7a: {  	_ =	swait.ge [sflag:s18], $0x1400  }
0x7b: {  	[sflag:s18] =	ssyncset.done $0x0  }
0x7c: {  	[sflag:s18] =	ssyncadd.s32 $0xFFFFEC00  }
0x7d: {  	[tilespmem:s19], [sflag:$0x3] =	stream.linear.gather [hbm4b:s11+s30], $0x1400, $0x38;
	[tilespmem:$0x10C60] =	vst v63  }
0x7e: {  	_ =	swait.ge [sflag:s18], $0x1400  }
0x7f: {  	[sflag:s18] =	ssyncset.done $0x0  }
0x80: {  	[sflag:s18] =	ssyncadd.s32 $0xFFFFEC00  }
0x81: {  	[tilespmem:s21], [sflag:$0x1] =	stream.indirect.gather [hbm4b:s1+s20], $0x40, s30, s20, $0xb8;
	[tilespmem:$0x10C60] =	vst v63  }
0x82: {  	s31 =	simm.s32 $0x80  }
0x83: {  	[tilespmem:s22], [sflag:$0x2] =	stream.indirect.gather [hbm4b:s1+s20], $0x40, s31, s20, $0xb8;
	[tilespmem:$0x10C60] =	vst v63  }
0x84: {  	_ =	swait.ge [sflag:s23], $0x2000  }
0x85: {  	[sflag:s23] =	ssyncset.done $0x0  }
0x86: {  	s16 =	simm.s32 $0x1400;
	[sflag:s23] =	ssyncadd.s32 $0xFFFFE000  }
0x87: {  	[spmem:s2] =	stream.indirect.scatter.add.f32 [tilespmem:s21], [sflag:$0x3], $0x40, s16, s20, $0xb8;
	[tilespmem:$0x10C60] =	vst v63  }
0x88: {  	_ =	swait.ge [sflag:s18], $0x2000  }
0x89: {  	[sflag:s18] =	ssyncset.done $0x0  }
0x8a: {  	s30 =	simm.s32 $0x100;
	[sflag:s18] =	ssyncadd.s32 $0xFFFFE000  }
0x8b: {  	[tilespmem:s21], [sflag:$0x1] =	stream.indirect.gather [hbm4b:s1+s20], $0x40, s30, s20, $0xb8;
	[tilespmem:$0x10C60] =	vst v63  }
0x8c: {  	_ =	swait.ge [sflag:s24], $0x2000  }
0x8d: {  	[sflag:s24] =	ssyncset.done $0x0  }
0x8e: {  	s31 =	simm.s32 $0x1480;
	[sflag:s24] =	ssyncadd.s32 $0xFFFFE000  }
0x8f: {  	[spmem:s2] =	stream.indirect.scatter.add.f32 [tilespmem:s22], [sflag:$0x3], $0x40, s31, s20, $0xb8;
	[tilespmem:$0x10C60] =	vst v63  }
0x90: {  	_ =	swait.ge [sflag:s18], $0x2000  }
0x91: {  	s29 =	simm.s32 $0x100;
	s16 =	simm.s32 $0x800;
	[sflag:s18] =	ssyncset.done $0x0  }
.LBB2_8:
0x92: {  	s4 =	sadd.s32 $0x80, s29  }
0x93: {  	[sflag:s18] =	ssyncadd.s32 $0xFFFFE000;
	s30 =	smov.u32 s16;
	s31 =	sadd.s32 $0x400, s16  }
0x94: {  	[tilespmem:s22], [sflag:$0x2] =	stream.indirect.gather [hbm4b:s1+s20], $0x40, s4, s20, $0xb8;
	[tilespmem:$0x10C60] =	vst v63  }
0x95: {  	p1 =	sne.s32 s16, $0x4800;
	_ =	swait.ge [sflag:s23], $0x2000  }
0x96: {  	[sflag:s23] =	ssyncset.done $0x0  }
0x97: {  	s4 =	sadd.s32 $0x1400, s29;
	[sflag:s23] =	ssyncadd.s32 $0xFFFFE000  }
0x98: {  	[spmem:s2] =	stream.indirect.scatter.add.f32 [tilespmem:s21], [sflag:$0x3], $0x40, s4, s20, $0xb8;
	[tilespmem:$0x10C60] =	vst v63  }
0x99: {  	_ =	swait.ge [sflag:s18], $0x2000  }
0x9a: {  	[sflag:s18] =	ssyncset.done $0x0  }
0x9b: {  	s4 =	sadd.s32 $0x100, s29;
	[sflag:s18] =	ssyncadd.s32 $0xFFFFE000  }
0x9c: {  	[tilespmem:s21], [sflag:$0x1] =	stream.indirect.gather [hbm4b:s1+s20], $0x40, s4, s20, $0xb8;
	[tilespmem:$0x10C60] =	vst v63  }
0x9d: {  	_ =	swait.ge [sflag:s24], $0x2000  }
.Ltmp4:
0x9e: {  	[sflag:s24] =	ssyncset.done $0x0;
	(pc) =	sbr.rel @p1 .LBB2_8-.Ltmp4, $4  }
0x9f: {  	s4 =	sadd.s32 $0x1480, s29;
	[sflag:s24] =	ssyncadd.s32 $0xFFFFE000  }
0xa0: {  	[spmem:s2] =	stream.indirect.scatter.add.f32 [tilespmem:s22], [sflag:$0x3], $0x40, s4, s20, $0xb8;
	[tilespmem:$0x10C60] =	vst v63  }
0xa1: {  	_ =	swait.ge [sflag:s18], $0x2000  }
0xa2: {  	s16 =	smov.u32 s31;
	s29 =	sshra.s32 s30, $0x2;
	[sflag:s18] =	ssyncset.done $0x0  }
0xa3: {  	s4 =	sadd.s32 $0x80, s29;
	[sflag:s18] =	ssyncadd.s32 $0xFFFFE000  }
0xa4: {  	[tilespmem:s22], [sflag:$0x2] =	stream.indirect.gather [hbm4b:s1+s20], $0x40, s4, s20, $0xb8;
	[tilespmem:$0x10C60] =	vst v63  }
0xa5: {  	_ =	swait.ge [sflag:s23], $0x2000  }
0xa6: {  	[sflag:s23] =	ssyncset.done $0x0  }
0xa7: {  	s16 =	sadd.s32 $0x1400, s29;
	[sflag:s23] =	ssyncadd.s32 $0xFFFFE000  }
0xa8: {  	[spmem:s2] =	stream.indirect.scatter.add.f32 [tilespmem:s21], [sflag:$0x3], $0x40, s16, s20, $0xb8;
	[tilespmem:$0x10C60] =	vst v63  }
0xa9: {  	_ =	swait.ge [sflag:s18], $0x2000  }
0xaa: {  	[sflag:s18] =	ssyncset.done $0x0  }
0xab: {  	s16 =	sadd.s32 $0x100, s29;
	[sflag:s18] =	ssyncadd.s32 $0xFFFFE000  }
0xac: {  	[tilespmem:s21], [sflag:$0x1] =	stream.indirect.gather [hbm4b:s1+s20], $0x40, s16, s20, $0xb8;
	[tilespmem:$0x10C60] =	vst v63  }
0xad: {  	_ =	swait.ge [sflag:s24], $0x2000  }
0xae: {  	[sflag:s24] =	ssyncset.done $0x0  }
0xaf: {  	s16 =	sadd.s32 $0x1480, s29;
	[sflag:s24] =	ssyncadd.s32 $0xFFFFE000  }
0xb0: {  	[spmem:s2] =	stream.indirect.scatter.add.f32 [tilespmem:s22], [sflag:$0x3], $0x40, s16, s20, $0xb8;
	[tilespmem:$0x10C60] =	vst v63  }
0xb1: {  	_ =	swait.ge [sflag:s18], $0x2000  }
0xb2: {  	[sflag:s18] =	ssyncset.done $0x0  }
0xb3: {  	[sflag:s18] =	ssyncadd.s32 $0xFFFFE000  }
0xb4: {  	[tilespmem:s22], [sflag:$0x2] =	stream.indirect.gather [hbm4b:s1+s20], $0x40, s25, s20, $0xb8;
	[tilespmem:$0x10C60] =	vst v63  }
0xb5: {  	_ =	swait.ge [sflag:s23], $0x2000  }
0xb6: {  	[sflag:s23] =	ssyncset.done $0x0  }
0xb7: {  	[sflag:s23] =	ssyncadd.s32 $0xFFFFE000  }
0xb8: {  	[spmem:s2] =	stream.indirect.scatter.add.f32 [tilespmem:s21], [sflag:$0x3], $0x40, s26, s20, $0xb8;
	[tilespmem:$0x10C60] =	vst v63  }
0xb9: {  	_ =	swait.ge [sflag:s18], $0x2000  }
0xba: {  	[sflag:s18] =	ssyncset.done $0x0  }
0xbb: {  	[sflag:s18] =	ssyncadd.s32 $0xFFFFE000  }
0xbc: {  	_ =	swait.ge [sflag:s24], $0x2000  }
0xbd: {  	[sflag:s24] =	ssyncset.done $0x0  }
0xbe: {  	[sflag:s24] =	ssyncadd.s32 $0xFFFFE000  }
0xbf: {  	[spmem:s2] =	stream.indirect.scatter.add.f32 [tilespmem:s22], [sflag:$0x3], $0x40, s28, s20, $0xb8;
	[tilespmem:$0x10C60] =	vst v63  }
0xc0: {  	p1 =	sne.s32 s12, $0x1;
	_ =	swait.ge [sflag:s18], $0x2000  }
.Ltmp5:
0xc1: {  	s16 =	stileid.u32;
	[sflag:s18] =	ssyncset.done $0x0;
	(pc) =	sbr.rel @!p1 .LBB2_11-.Ltmp5, $4  }
0xc2: {  	s30 =	sadd.s32 $0xFFFFFFFF, s12;
	s4 =	sshll.u32 s16, $0x6;
	[sflag:s18] =	ssyncadd.s32 $0xFFFFE000  }
0xc3: {  	s16 =	sshrl.u32 s0, $0x3;
	s29 =	sor.u32 $0x1C03, s4;
	[bflag:$0x0] =	sbarrier.arrive $0xFFFF  }
0xc4: {  	[hbm:s15], [sflag:s29] =	dma.local [spmem:s16], $0x400  }
0xc5: {  	s31 =	sadd.s32 $0x4000, s15;
	s16 =	smov.u32 s0;
	_ =	swait.ge [sflag:s18], $0x400  }
.LBB2_10:
0xc6: {  	[sflag:s18] =	ssyncset.done $0x0;
	s16 =	sadd.s32 $0x20000, s16;
	p1 =	sne.s32 s30, $0x1  }
.Ltmp6:
0xc7: {  	s4 =	sshrl.u32 s16, $0x3;
	[sflag:s18] =	ssyncadd.s32 $0xFFFFFC00;
	(pc) =	sbr.rel @p1 .LBB2_10-.Ltmp6, $3  }
0xc8: {  	[hbm:s31], [sflag:s29] =	dma.local [spmem:s4], $0x400  }
0xc9: {  	s30 =	sadd.s32 $0xFFFFFFFF, s30;
	_ =	sdelay $0x1  }
0xca: {  	s31 =	sadd.s32 $0x4000, s31;
	_ =	swait.ge [sflag:s18], $0x400  }
.LBB2_11:
0xcb: {  	[sflag:s18] =	ssyncset.done $0x0;
	s4 =	sshrl.u32 @!p0 s7, $0x3;
	s3 =	sadd.s32 $0x1, s3  }
0xcc: {  	s16 =	simm.s32 @!p0 $0x1C03;
	[sflag:s18] =	ssyncadd.s32 $0xFFFFFC00;
	p1 =	sne.s32 s3, s14  }
0xcd: {  	[hbm:s13], [sflag:s16] =	dma.local @!p0 [spmem:s4], $0xC0  }
.Ltmp7:
0xce: {  	_ = 	snop;
	(pc) =	sbr.rel @p1 .LBB2_1-.Ltmp7, $4  }
0xcf: {  	s4 =	simm.s32 @!p0 $0x3  }
0xd0: {  	_ =	swait.ge @!p0 [sflag:s4], $0xC0  }
0xd1: {  	[sflag:s4] =	ssyncset.done @!p0 $0x0  }
0xd2: {  	[sflag:s4] =	ssyncadd.s32 @!p0 $0xFFFFFF40  }
0xd3: {  	_ =	sfence.sel $0x180000  }
0xd4: {  	[bflag:$0x0] =	sbarrier.arrive $0xFFFF  }
0xd5: {  	_ =	strace $0x90000056  }
0xd6: {  	[bflag:$0x2] =	sbarrier.arrive $0xFFFF  }
0xd7: {  	s0 =	rddreg [dreg:$0x3]  }
0xd8: {  	s0 =	sadd.s32 @!p0 $0x100000, s0  }
0xd9: {  	[sflag:s0] =	ssyncadd.tile.s32 @!p0 $0x1;
	_ =	shalt  }
.Lfunc_end2:
_tile_overlayer_lowered:
.L_overlay_start_2:
0xda: {  	(tag) =	ssettag $0x2  }
0xdb: {  	s0 =	rddreg [dreg:$0x0];
	s2 =	stileid.u32  }
0xdc: {  	s1 =	rddreg [dreg:$0x1];
	p0 =	sne.s32 s2, $0x0  }
0xdd: {  	s3 =	rddreg [dreg:$0x2];
	[bflag:$0x3] =	sbarrier.arrive $0xFFFF;
	s2 =	simm.s32 @!p0 $0x1C03  }
0xde: {  	[timem:s3], [sflag:s2] =	dma.local @!p0 [hbm:s0], s1  }
0xdf: {  	s0 =	simm.s32 @!p0 $0x3  }
0xe0: {  	_ =	swait.ge @!p0 [sflag:s0], s1  }
0xe1: {  	s1 =	ssub.s32 @!p0 $0x0, s1;
	[sflag:s0] =	ssyncset.done @!p0 $0x0  }
0xe2: {  	[sflag:s0] =	ssyncadd.s32 @!p0 s1  }
0xe3: {  	[bflag:$0x3] =	sbarrier.arrive $0xFFFF  }
0xe4: {  	_ =	shalt  }

// kernel: kernel.9.cloned.1.call-start
scs
__scs_entry_jumppad:
0x0: {  	(pc) =	sbr.rel $0x88, $3  }
0x1: {  	(tag) =	ssettag $0x0;
	lr =	simm.s32 $0x1  }
0x2: {  	[smem:$0x3F9B] =	sst lr;
	_ =	strace $0xD0000000  }
0x3: {  	_ = 	snop  }
0x4: {  	_ = 	snop  }
0x5: {  	_ = 	snop  }
0x6: {  	_ = 	snop  }
0x7: {  	_ = 	snop  }
__scs_overlays_trampoline_lowered:
0x8: {  	[smem:$0x3FAA] =	sst s0  }
0x9: {  	[smem:$0x3FAB] =	sst s1  }
0xa: {  	[smem:$0x3FAC] =	sst s2  }
0xb: {  	[smem:$0x3FAD] =	sst s3  }
0xc: {  	[smem:$0x3FAE] =	sst s4  }
0xd: {  	[smem:$0x3FAF] =	sst s5  }
0xe: {  	[smem:$0x3FB0] =	sst s6  }
0xf: {  	[smem:$0x3FB1] =	sst s7  }
0x10: {  	[smem:$0x3FB2] =	sst s8  }
0x11: {  	[smem:$0x3FB3] =	sst s9;
	s0 =	simm.s32 @!p0 $0x0  }
0x12: {  	s1 =	sld [smem:$0x3F99];
	s0 =	simm.s32 @p0 $0x1  }
0x13: {  	[smem:$0x3FB4] =	sst s0;
	s0 =	simm.s32 @!p1 $0x0  }
0x14: {  	s2 =	sld [smem:$0x3F98];
	s0 =	simm.s32 @p1 $0x1  }
0x15: {  	[smem:$0x3FB5] =	sst s0;
	s0 =	simm.s32 @!p2 $0x0  }
0x16: {  	s3 =	sld [smem:$0x3FDB];
	s0 =	simm.s32 @p2 $0x1  }
0x17: {  	s4 =	simm.s32 $0x1BF5;
	[smem:$0x3FB7] =	sst s0  }
0x18: {  	s0 =	sld [smem:$0x3F9A];
	_ =	swait.ge [sflag:s4], $0x0  }
0x19: {  	s7 =	sld [smem:$0x3F9B]  }
0x1a: {  	s8 =	sadd.s32 $0xFFFFE003, lr  }
0x1b: {  	s9 =	sadd.s32 $0xFFFFFEF7, lr;
	s5 =	simm.s32 $0xFFFFFFFF;
	p2 =	slt.u32 s8, $0xFFFFF086  }
0x1c: {  	p1 =	slt.u32 s9, $0xF7A;
	s5 =	simm.s32 @!p2 $0x0  }
0x1d: {  	s5 =	simm.s32 @p1 $0x1;
	p0 =	seq.s32 s7, s2  }
0x1e: {  	s7 =	smul.u32 @!p0 $0xF7A, s2;
	p2 =	seq.s32 @!p0 s5, $0x0  }
0x1f: {  	s9 =	smul.u32 $0xF7A, s1;
	s8 =	simm.s32 @!p0 $0x1BF5;
	p2 =	por !p2, p0  }
0x20: {  	[sflag:s8] =	ssyncset.s32 @!p0 $0xFFFFF086;
	s6 =	sadd.s32 @!p0 s3, s7;
	s7 =	simm.s32 @!p0 $0x108  }
0x21: {  	s3 =	sadd.s32 s3, s9;
	s6 =	sadd.s32 @!p0 $0x88, s6;
	s7 =	simm.s32 @p2 $0x1082  }
0x22: {  	[simem:s7], [sflag:s8] =	dma.local @!p0 [hbm:s6], $0xF7A  }
0x23: {  	s9 =	sor.u32 $0xD0000000, s2;
	s6 =	simm.s32 $0x108;
	_ =	swait.ge @!p0 [sflag:s8], $0x0  }
0x24: {  	s3 =	sadd.s32 $0x88, s3;
	s6 =	simm.s32 @!p1 $0x1082;
	[sflag:s4] =	ssyncset.s32 $0xFFFFF086  }
0x25: {  	[simem:s6], [sflag:s4] =	dma.local [hbm:s3], $0xF7A  }
0x26: {  	[smem:$0x3F9B] =	sst s1;
	(tag) =	ssettag s2;
	_ =	strace s9  }
0x27: {  	s1 =	sld [smem:$0x3FAB]  }
0x28: {  	s2 =	sld [smem:$0x3FAC]  }
0x29: {  	s4 =	sld [smem:$0x3FAE]  }
0x2a: {  	p0 =	seq.s32 s5, $0x0;
	s5 =	sld [smem:$0x3FAF]  }
0x2b: {  	s6 =	sld [smem:$0x3FB0]  }
0x2c: {  	s7 =	sld [smem:$0x3FB1]  }
0x2d: {  	s3 =	simm.s32 $0x108;
	s8 =	sld [smem:$0x3FB2]  }
0x2e: {  	s3 =	simm.s32 @!p0 $0x1082;
	s9 =	sld [smem:$0x3FB3]  }
0x2f: {  	lr =	sadd.s32 s0, s3;
	s0 =	sld [smem:$0x3FAA]  }
0x30: {  	s3 =	sld [smem:$0x3FAD]  }
0x31: {  	[smem:$0x3FB6] =	sst s10  }
0x32: {  	s10 =	sld [smem:$0x3FB4];
	_ =	sdelay $0x3  }
0x33: {  	p0 =	seq.s32 s10, $0x1;
	s10 =	sld [smem:$0x3FB6];
	_ =	sdelay $0x3  }
0x34: {  	[smem:$0x3FB6] =	sst s10  }
0x35: {  	s10 =	sld [smem:$0x3FB5];
	_ =	sdelay $0x3  }
0x36: {  	p1 =	seq.s32 s10, $0x1;
	s10 =	sld [smem:$0x3FB6];
	_ =	sdelay $0x3  }
0x37: {  	[smem:$0x3FB6] =	sst s10  }
0x38: {  	s10 =	sld [smem:$0x3FB7]  }
0x39: {  	_ = 	snop;
	(pc) =	sbr.ind lr, $3  }
0x3a: {  	_ = 	snop  }
0x3b: {  	_ = 	snop  }
0x3c: {  	p2 =	seq.s32 s10, $0x1;
	s10 =	sld [smem:$0x3FB6]  }
0x3d: {  	_ =	shalt  }
0x3e: {  	_ =	shalt  }
0x3f: {  	_ =	shalt  }
0x40: {  	_ =	shalt  }
0x41: {  	_ =	shalt  }
0x42: {  	_ =	shalt  }
0x43: {  	_ =	shalt  }
0x44: {  	_ =	shalt  }
0x45: {  	_ =	shalt  }
0x46: {  	_ =	shalt  }
0x47: {  	_ =	shalt  }
0x48: {  	_ =	shalt  }
0x49: {  	_ =	shalt  }
0x4a: {  	_ =	shalt  }
0x4b: {  	_ =	shalt  }
0x4c: {  	_ =	shalt  }
0x4d: {  	_ =	shalt  }
0x4e: {  	_ =	shalt  }
0x4f: {  	_ =	shalt  }
0x50: {  	_ =	shalt  }
0x51: {  	_ =	shalt  }
0x52: {  	_ =	shalt  }
0x53: {  	_ =	shalt  }
0x54: {  	_ =	shalt  }
0x55: {  	_ =	shalt  }
0x56: {  	_ =	shalt  }
0x57: {  	_ =	shalt  }
0x58: {  	_ =	shalt  }
0x59: {  	_ =	shalt  }
0x5a: {  	_ =	shalt  }
0x5b: {  	_ =	shalt  }
0x5c: {  	_ =	shalt  }
0x5d: {  	_ =	shalt  }
0x5e: {  	_ =	shalt  }
0x5f: {  	_ =	shalt  }
0x60: {  	_ =	shalt  }
0x61: {  	_ =	shalt  }
0x62: {  	_ =	shalt  }
0x63: {  	_ =	shalt  }
0x64: {  	_ =	shalt  }
0x65: {  	_ =	shalt  }
0x66: {  	_ =	shalt  }
0x67: {  	_ =	shalt  }
0x68: {  	_ =	shalt  }
0x69: {  	_ =	shalt  }
0x6a: {  	_ =	shalt  }
0x6b: {  	_ =	shalt  }
0x6c: {  	_ =	shalt  }
0x6d: {  	_ =	shalt  }
0x6e: {  	_ =	shalt  }
0x6f: {  	_ =	shalt  }
0x70: {  	_ =	shalt  }
0x71: {  	_ =	shalt  }
0x72: {  	_ =	shalt  }
0x73: {  	_ =	shalt  }
0x74: {  	_ =	shalt  }
0x75: {  	_ =	shalt  }
0x76: {  	_ =	shalt  }
0x77: {  	_ =	shalt  }
0x78: {  	_ =	shalt  }
0x79: {  	_ =	shalt  }
0x7a: {  	_ =	shalt  }
0x7b: {  	_ =	shalt  }
0x7c: {  	_ =	shalt  }
0x7d: {  	_ =	shalt  }
0x7e: {  	_ =	shalt  }
0x7f: {  	_ =	shalt  }
0x80: {  	_ =	shalt  }
0x81: {  	_ =	shalt  }
0x82: {  	_ =	shalt  }
0x83: {  	_ =	shalt  }
0x84: {  	_ =	shalt  }
0x85: {  	_ =	shalt  }
0x86: {  	_ =	shalt  }
0x87: {  	_ =	shalt  }
.Lfunc_end0:
.L_simem_size_0:
called_computation.3_lowered:
.L_overlay_start_0:
0x88: {  	s2 =	sld [smem:$0x3FD9]  }
0x89: {  	s3 =	sld [smem:$0x3FFE];
	_ =	sdelay $0x1  }
0x8a: {  	s1 =	srdreg.scid  }
0x8b: {  	s0 =	sand.u32 $0x1, s1  }
0x8c: {  	s16 =	sshll.u32 s0, $0xA;
	s2 =	sadd.s32 s3, s2  }
0x8d: {  	s2 =	sadd.s32 s2, s16  }
0x8e: {  	[smem:$0x3FC2] =	sst s2  }
0x8f: {  	_ = 	snop  }
0x90: {  	(tm) =	ssettm $0x1  }
0x91: {  	s17 =	sld [smem:$0x3FFB];
	_ =	sdelay $0x3  }
0x92: {  	_ =	strace s17  }
0x93: {  	s2 =	sld [smem:$0x3FFC];
	_ =	sdelay $0x3  }
0x94: {  	_ =	strace s2  }
0x95: {  	s2 =	sld [smem:$0x3FFD];
	_ =	sdelay $0x3  }
0x96: {  	_ =	strace s2  }
0x97: {  	_ =	strace $0x8FFFFFFF  }
0x98: {  	s18 =	sld [smem:$0x3FDB];
	_ =	sdelay $0x1  }
0x99: {  	s19 =	simm.s32 $_scs_section_size  }
0x9a: {  	s4 =	simm.s32 $_size__tile_overlayer_lowered;
	s5 =	simm.s32 $_tile_overlayer_lowered  }
0x9b: {  	s22 =	simm.s32 $0x1BFF;
	s21 =	sshll.u32 s5, $0x1;
	s2 =	sadd.s32 s19, s18  }
0x9c: {  	s6 =	simm.s32 $0x0;
	s20 =	sshll.u32 s4, $0x1;
	s4 =	sadd.s32 s21, s2  }
0x9d: {  	[timem:s6], [sflag:s22] =	dma.local [hbm:s4], s20  }
0x9e: {  	_ =	swait.ge [sflag:s22], s20  }
0x9f: {  	s3 =	ssub.s32 $0x0, s20;
	[sflag:s22] =	ssyncset.done $0x0  }
0xa0: {  	[sflag:s22] =	ssyncadd.s32 s3;
	_ =	sdelay $0x1  }
0xa1: {  	s23 =	simm.s32 $0x1B8B  }
0xa2: {  	_ =	swait.ge [sflag:s23], $0x1  }
0xa3: {  	[sflag:s23] =	ssyncset.done $0x0  }
0xa4: {  	s25 =	simm.s32 $0x1B8E;
	s24 =	sld [smem:$0x3FFE];
	[sflag:s23] =	ssyncadd.s32 $0xFFFFFFFF  }
0xa5: {  	s26 =	simm.s32 $execute0_lowered;
	[smem:$0x3FD2] =	sst s25  }
0xa6: {  	s4 =	sshll.u32 s26, $0x1;
	_ =	strace $0x80000049;
	[dreg:$0x1] =	wrdreg $0xFFFFFFFF  }
0xa7: {  	s28 =	simm.s32 $_size_execute0_lowered;
	s2 =	sadd.s32 s2, s4;
	[dreg:$0x0] =	wrdreg $0x0  }
0xa8: {  	s4 =	sshll.u32 s28, $0x1;
	[dreg:$0x2] =	wrdreg s2  }
0xa9: {  	[dreg:$0x3] =	wrdreg s4  }
0xaa: {  	[dreg:$0x4] =	wrdreg $0xC0  }
0xab: {  	_ =	task [dreg:s6], $0x5FFFF  }
0xac: {  	[dreg:$0x1] =	wrdreg $0xFFFFFFFF  }
0xad: {  	[dreg:$0x0] =	wrdreg $0x60  }
0xae: {  	[dreg:$0x2] =	wrdreg s24  }
0xaf: {  	[dreg:$0x3] =	wrdreg $0xA800  }
0xb0: {  	[dreg:$0x4] =	wrdreg $0xB  }
0xb1: {  	_ =	task.clear_ibuf [dreg:s6], $0x5FFFF;
	_ =	strace $0x90000049  }
0xb2: {  	s29 =	simm.s32 $0xB;
	_ =	strace $0x8000004B  }
0xb3: {  	_ =	swait.ge [sflag:s29], $0x1  }
0xb4: {  	[sflag:s29] =	ssyncadd.s32 $0xFFFFFFFF  }
0xb5: {  	_ =	strace $0x9000004B  }
0xb6: {  	_ =	sfence  }
0xb7: {  	s30 =	sld [smem:$0x0];
	_ =	sdelay $0x2  }
0xb8: {  	s31 =	sshll.u32 s1, $0xD;
	s1 =	sshrl.u32 s1, $0x2  }
0xb9: {  	s3 =	sand.u32 $0x4000, s31;
	s1 =	sadd.s32 s1, s30  }
0xba: {  	s0 =	sor.u32 s3, s0;
	s1 =	sshll.u32 s1, $0x11  }
0xbb: {  	s0 =	sor.u32 s1, s0  }
0xbc: {  	s0 =	sadd.s32 $0x8F2B, s0  }
0xbd: {  	[sflag:s0] =	ssyncadd.remote.s32 $0x1  }
0xbe: {  	_ =	sfence.sel $0xFFFF  }
0xbf: {  	[dreg:$0x0] =	wrdreg $0xFFFFFFFF;
	(pc) =	sbr.abs _section_cstart, $3  }
0xc0: {  	[dreg:$0x1] =	wrdreg $0xFFFFFFFF  }
0xc1: {  	_ =	task.clear_ibuf [dreg:s6], $0x2FFFF;
	_ =	strace $0x9FFFFFFF  }
0xc2: {  	(tm) =	ssettm $0x7FFFFFFF  }
0xc3: {  	_ =	shalt  }
tec
execute0_lowered:
.L_overlay_start_1:
0x0: {  	(tag) =	ssettag $0x1  }
0x1: {  	s4 =	rddreg [dreg:$0x0]  }
0x2: {  	s1 =	rddreg [dreg:$0x1]  }
0x3: {  	s0 =	rddreg [dreg:$0x2];
	s2 =	simm.s32 $0x0;
	s3 =	stileid.u32  }
0x4: {  	s5 =	srdreg.scid;
	s16 =	simm.s32 $0x0;
	[smem:$0x7FF] =	sst s2  }
0x5: {  	s6 =	smul.u32 $0xA00, s3;
	s7 =	sand.u32 $0x1, s5;
	s10 =	sadd.s32 $0x3000, s4  }
0x6: {  	s25 =	ssub.s32 $0x147, s3;
	s12 =	sshll.u32 s3, $0xB;
	s29 =	ssub.s32 $0x5D, s3  }
0x7: {  	s31 =	sshll.u32 s3, $0x8;
	p0 =	sne.s32 s3, $0x0;
	s8 =	smul.u32 $0x27180, s7  }
0x8: {  	_ =	strace $0x8000004A;
	s5 =	ssub.s32 $0x2, s7;
	s13 =	smul.u32 $0x500, s7  }
0x9: {  	s26 =	sshrl.u32 s12, $0x2;
	s15 =	smul.u32 $0x4E30, s7;
	s7 =	sshrl.u32 s29, $0x4  }
0xa: {  	s12 =	sadd.s32 s12, s1;
	s9 =	sadd.s32 s6, s4;
	s24 =	sshrl.u32 s5, $0x1  }
0xb: {  	s4 =	sshrl.u32 s25, $0x4;
	s6 =	sadd.s32 $0x27000, s1;
	s11 =	ssub.s32 s5, s24  }
0xc: {  	s5 =	sadd.s32 s26, s1;
	s28 =	sshrl.u32 s8, $0x3;
	s13 =	sadd.s32 s13, s9  }
0xd: {  	s30 =	sadd.s32 s15, s10;
	s15 =	simm.s32 $0x80;
	s14 =	sadd.s32 s10, s28  }
0xe: {  	s9 =	smax.u32 s11, $0x1;
	s10 =	sadd.s32 $0x17000, s13;
	s11 =	sadd.s32 s31, s30  }
0xf: {  	v0 =	vimm.f32 $1.000000000e+00;
	v1 =	vimm.f32 $0.0e+00;
	s13 =	simm.s32 $0x880;
	s8 =	sadd.s32 $0x4E00, s14;
	s14 =	simm.s32 $0x1  }
.LBB2_1:
0x10: {  	s17 =	simm.s32 $0x40;
	s18 =	simm.s32 $0x0  }
.LBB2_2:
0x11: {  	p1 =	sne.s32 s17, $0x1FC0;
	[tilespmem:s18+$0x80] =	vst v0;
	s18 =	smov.u32 s17;
	s17 =	sadd.s32 $0x40, s17  }
.Ltmp0:
0x12: {  	(pc) =	sbr.rel @p1 .LBB2_2-.Ltmp0, $2  }
0x13: {  	_ =	sdelay $0x2  }
0x14: {  	s18 =	sshra.s32 s18, $0x2  }
0x15: {  	[tilespmem:s18+$0x80] =	vst v0  }
0x16: {  	[tilespmem:$0x880] =	vst v1  }
0x17: {  	[tilespmem:$0x890] =	vst v1  }
0x18: {  	[tilespmem:$0x8A0] =	vst v1  }
0x19: {  	[tilespmem:$0x8B0] =	vst v1  }
0x1a: {  	[tilespmem:$0x8C0] =	vst v1  }
0x1b: {  	[tilespmem:$0x8D0] =	vst v1  }
0x1c: {  	[tilespmem:$0x8E0] =	vst v1  }
0x1d: {  	[tilespmem:$0x8F0] =	vst v1  }
0x1e: {  	[tilespmem:$0x900] =	vst v1  }
0x1f: {  	[tilespmem:$0x910] =	vst v1  }
0x20: {  	[tilespmem:$0x920] =	vst v1  }
0x21: {  	[tilespmem:$0x930] =	vst v1  }
0x22: {  	[tilespmem:$0x940] =	vst v1  }
0x23: {  	[tilespmem:$0x950] =	vst v1  }
0x24: {  	[tilespmem:$0x960] =	vst v1  }
0x25: {  	[tilespmem:$0x970] =	vst v1  }
0x26: {  	[tilespmem:$0x980] =	vst v1  }
0x27: {  	[tilespmem:$0x990] =	vst v1  }
0x28: {  	[tilespmem:$0x9A0] =	vst v1  }
0x29: {  	[tilespmem:$0x9B0] =	vst v1  }
0x2a: {  	[tilespmem:$0x9C0] =	vst v1  }
0x2b: {  	[tilespmem:$0x9D0] =	vst v1  }
0x2c: {  	[tilespmem:$0x9E0] =	vst v1  }
0x2d: {  	[tilespmem:$0x9F0] =	vst v1  }
0x2e: {  	[tilespmem:$0xA00] =	vst v1  }
0x2f: {  	[tilespmem:$0xA10] =	vst v1  }
0x30: {  	[tilespmem:$0xA20] =	vst v1  }
0x31: {  	[tilespmem:$0xA30] =	vst v1  }
0x32: {  	[tilespmem:$0xA40] =	vst v1  }
0x33: {  	p1 =	sne.s32 s4, $0x1;
	[tilespmem:$0xA50] =	vst v1  }
.Ltmp1:
0x34: {  	[tilespmem:$0xA60] =	vst v1;
	(pc) =	sbr.rel @!p1 .LBB2_5-.Ltmp1, $4  }
0x35: {  	[tilespmem:$0xA70] =	vst v1  }
0x36: {  	[spmem:s5] =	stream.linear.scatter [tilespmem:s13], [sflag:$0x1], $0x200, $0x38;
	[tilespmem:$0x3198] =	vst v63  }
0x37: {  	_ =	swait.ge [sflag:s14], $0x200  }
0x38: {  	s17 =	sadd.s32 $0xFFFFFFFF, s4;
	s18 =	smov.u32 s5;
	[sflag:s14] =	ssyncset.done $0x0  }
.LBB2_4:
0x39: {  	p1 =	sne.s32 s17, $0x1;
	[sflag:s14] =	ssyncadd.s32 $0xFFFFFE00;
	s18 =	sadd.s32 $0x2000, s18  }
.Ltmp2:
0x3a: {  	s17 =	sadd.s32 $0xFFFFFFFF, s17;
	(pc) =	sbr.rel @p1 .LBB2_4-.Ltmp2, $4  }
0x3b: {  	_ = 	snop  }
0x3c: {  	[spmem:s18] =	stream.linear.scatter [tilespmem:s13], [sflag:$0x1], $0x200, $0x38;
	[tilespmem:$0x3198] =	vst v63  }
0x3d: {  	_ =	swait.ge [sflag:s14], $0x200  }
0x3e: {  	[sflag:s14] =	ssyncset.done $0x0  }
.LBB2_5:
0x3f: {  	[sflag:s14] =	ssyncadd.s32 $0xFFFFFE00;
	s17 =	simm.s32 @!p0 $0x880  }
0x40: {  	[spmem:s6] =	stream.linear.scatter @!p0 [tilespmem:s17], [sflag:$0x1], $0x180, $0x38;
	[tilespmem:$0x3198] =	vst v63  }
0x41: {  	s17 =	simm.s32 @!p0 $0x1  }
0x42: {  	_ =	swait.ge @!p0 [sflag:s17], $0x180  }
0x43: {  	[sflag:s17] =	ssyncset.done @!p0 $0x0  }
0x44: {  	[sflag:s17] =	ssyncadd.s32 @!p0 $0xFFFFFE80  }
0x45: {  	s31 =	sadd.s32 $0x0, s10;
	[bflag:$0x0] =	sbarrier.arrive $0xFFFF  }
0x46: {  	[tilespmem:s2], [sflag:$0x1] =	stream.linear.gather [hbm4b:s31+s2], $0x80, $0x38;
	[tilespmem:$0x3198] =	vst v63  }
0x47: {  	_ =	swait.ge [sflag:s14], $0x80  }
0x48: {  	[sflag:s14] =	ssyncset.done $0x0  }
0x49: {  	[sflag:s14] =	ssyncadd.s32 $0xFFFFFF80  }
0x4a: {  	[spmem:s1] =	stream.indirect.scatter.add.f32 [tilespmem:s15], [sflag:$0x1], $0x10, s2, s15, $0xb8;
	[tilespmem:$0x3198] =	vst v63  }
0x4b: {  	_ =	swait.ge [sflag:s14], $0x800  }
0x4c: {  	s18 =	simm.s32 $0x20;
	s17 =	simm.s32 $0x10;
	[sflag:s14] =	ssyncset.done $0x0  }
.LBB2_6:
0x4d: {  	s19 =	sadd.s32 s17, s10  }
0x4e: {  	[sflag:s14] =	ssyncadd.s32 $0xFFFFF800;
	s17 =	smov.u32 s18;
	s20 =	sadd.s32 $0x10, s18  }
0x4f: {  	[tilespmem:s2], [sflag:$0x1] =	stream.linear.gather [hbm4b:s19+s2], $0x80, $0x38;
	[tilespmem:$0x3198] =	vst v63  }
0x50: {  	p1 =	sne.s32 s18, $0x4F0;
	_ =	swait.ge [sflag:s14], $0x80  }
.Ltmp3:
0x51: {  	[sflag:s14] =	ssyncset.done $0x0;
	(pc) =	sbr.rel @p1 .LBB2_6-.Ltmp3, $4  }
0x52: {  	[sflag:s14] =	ssyncadd.s32 $0xFFFFFF80  }
0x53: {  	[spmem:s1] =	stream.indirect.scatter.add.f32 [tilespmem:s15], [sflag:$0x1], $0x10, s2, s15, $0xb8;
	[tilespmem:$0x3198] =	vst v63  }
0x54: {  	_ =	swait.ge [sflag:s14], $0x800  }
0x55: {  	s18 =	smov.u32 s20;
	[sflag:s14] =	ssyncset.done $0x0  }
0x56: {  	s17 =	sadd.s32 s17, s10;
	[sflag:s14] =	ssyncadd.s32 $0xFFFFF800  }
0x57: {  	[tilespmem:s2], [sflag:$0x1] =	stream.linear.gather [hbm4b:s17+s2], $0x80, $0x38;
	[tilespmem:$0x3198] =	vst v63  }
0x58: {  	_ =	swait.ge [sflag:s14], $0x80  }
0x59: {  	[sflag:s14] =	ssyncset.done $0x0  }
0x5a: {  	[sflag:s14] =	ssyncadd.s32 $0xFFFFFF80  }
0x5b: {  	[spmem:s1] =	stream.indirect.scatter.add.f32 [tilespmem:s15], [sflag:$0x1], $0x10, s2, s15, $0xb8;
	[tilespmem:$0x3198] =	vst v63  }
0x5c: {  	p1 =	sne.s32 s7, $0x1;
	_ =	swait.ge [sflag:s14], $0x800  }
.Ltmp4:
0x5d: {  	[sflag:s14] =	ssyncset.done $0x0;
	(pc) =	sbr.rel @!p1 .LBB2_9-.Ltmp4, $4  }
0x5e: {  	s31 =	sshll.u32 s3, $0x6;
	s18 =	sshrl.u32 s12, $0x3;
	[sflag:s14] =	ssyncadd.s32 $0xFFFFF800  }
0x5f: {  	s19 =	sadd.s32 $0x1000, s11;
	s17 =	sor.u32 $0x1C01, s31;
	[bflag:$0x0] =	sbarrier.arrive $0xFFFF  }
0x60: {  	[hbm:s11], [sflag:s17] =	dma.local [spmem:s18], $0x100  }
0x61: {  	s20 =	smov.u32 s12;
	s18 =	sadd.s32 $0xFFFFFFFF, s7;
	_ =	swait.ge [sflag:s14], $0x100  }
.LBB2_8:
0x62: {  	[sflag:s14] =	ssyncset.done $0x0;
	s20 =	sadd.s32 $0x8000, s20;
	p1 =	sne.s32 s18, $0x1  }
.Ltmp5:
0x63: {  	s21 =	sshrl.u32 s20, $0x3;
	[sflag:s14] =	ssyncadd.s32 $0xFFFFFF00;
	(pc) =	sbr.rel @p1 .LBB2_8-.Ltmp5, $3  }
0x64: {  	[hbm:s19], [sflag:s17] =	dma.local [spmem:s21], $0x100  }
0x65: {  	s18 =	sadd.s32 $0xFFFFFFFF, s18;
	_ =	sdelay $0x1  }
0x66: {  	s19 =	sadd.s32 $0x1000, s19;
	_ =	swait.ge [sflag:s14], $0x100  }
.LBB2_9:
0x67: {  	[sflag:s14] =	ssyncset.done $0x0;
	s17 =	sshrl.u32 @!p0 s6, $0x3;
	s16 =	sadd.s32 $0x1, s16  }
0x68: {  	s18 =	simm.s32 @!p0 $0x1C01;
	[sflag:s14] =	ssyncadd.s32 $0xFFFFFF00;
	p1 =	sne.s32 s16, s9  }
0x69: {  	[hbm:s8], [sflag:s18] =	dma.local @!p0 [spmem:s17], $0x30  }
.Ltmp6:
0x6a: {  	_ = 	snop;
	(pc) =	sbr.rel @p1 .LBB2_1-.Ltmp6, $4  }
0x6b: {  	s17 =	simm.s32 @!p0 $0x1  }
0x6c: {  	_ =	swait.ge @!p0 [sflag:s17], $0x30  }
0x6d: {  	[sflag:s17] =	ssyncset.done @!p0 $0x0  }
0x6e: {  	[sflag:s17] =	ssyncadd.s32 @!p0 $0xFFFFFFD0  }
0x6f: {  	_ =	sfence.sel $0x180000  }
0x70: {  	[bflag:$0x0] =	sbarrier.arrive $0xFFFF  }
0x71: {  	_ =	strace $0x9000004A  }
0x72: {  	s0 =	sadd.s32 @!p0 $0x100000, s0;
	[bflag:$0x2] =	sbarrier.arrive $0xFFFF  }
0x73: {  	[sflag:s0] =	ssyncadd.tile.s32 @!p0 $0x1;
	_ =	shalt  }
.Lfunc_end2:
_tile_overlayer_lowered:
.L_overlay_start_2:
0x74: {  	(tag) =	ssettag $0x2  }
0x75: {  	s0 =	rddreg [dreg:$0x0];
	s2 =	stileid.u32  }
0x76: {  	s1 =	rddreg [dreg:$0x1];
	p0 =	sne.s32 s2, $0x0  }
0x77: {  	s3 =	rddreg [dreg:$0x2];
	[bflag:$0x3] =	sbarrier.arrive $0xFFFF;
	s2 =	simm.s32 @!p0 $0x1C01  }
0x78: {  	[timem:s3], [sflag:s2] =	dma.local @!p0 [hbm:s0], s1  }
0x79: {  	s0 =	simm.s32 @!p0 $0x1  }
0x7a: {  	_ =	swait.ge @!p0 [sflag:s0], s1  }
0x7b: {  	s1 =	ssub.s32 @!p0 $0x0, s1;
	[sflag:s0] =	ssyncset.done @!p0 $0x0  }
0x7c: {  	[sflag:s0] =	ssyncadd.s32 @!p0 s1  }
0x7d: {  	[bflag:$0x3] =	sbarrier.arrive $0xFFFF  }
0x7e: {  	_ =	shalt  }

</sc_bundles>
